<compile_context>
chip_gen: v7x
topology: tpu7x:2x2x1
jax: 0.10.2.dev20260603
libtpu: 0.0.44.dev20260713+nightly
codegen_flags: <defaults>
</compile_context>

<pallas_src>
import functools

import jax
import jax.numpy as jnp
from jax import lax
from jax.experimental import pallas as pl
from jax.experimental.pallas import tpu as pltpu
from jax.experimental.pallas import tpu_sc as plsc

B, N, C_IN, C_OUT = 2, 4096, 64, 64
K = 15
RADIUS = 2.5
NSAMPLE = 16
KP_EXTENT = 1.2

NSUB = 16
PTS_PER_SUB = N // NSUB
GRP = 8
NGRP = PTS_PER_SUB // GRP
NCHUNK = N // 16
PAD_XYZ = 1000000.0
SC = NSAMPLE * C_IN


_SC_MESH = plsc.VectorSubcoreMesh(core_axis_name="c", subcore_axis_name="s")


def _sc_body(px, py, pz, xt, xit,
             nidx_o, relx_o, rely_o, relz_o, feat_o, xing_o,
             pxv, pyv, pzv, idxbuf,
             st_nidx, st_relx, st_rely, st_relz,
             gidx0, gidx1, rows_x0, rows_xi0, rows_x1, rows_xi1,
             gsx0, gsxi0, gsx1, gsxi1, wsx0, wsxi0, wsx1, wsxi1):
    b = lax.axis_index("c")
    w = lax.axis_index("s")
    bN = b * N
    pltpu.sync_copy(px.at[pl.ds(bN, N)], pxv)
    pltpu.sync_copy(py.at[pl.ds(bN, N)], pyv)
    pltpu.sync_copy(pz.at[pl.ds(bN, N)], pzv)
    base_local = w * PTS_PER_SUB
    r2 = jnp.float32(RADIUS * RADIUS)
    lanes = lax.iota(jnp.int32, 16)

    def scan_group(g, gidx):
        def point_body(t, carry):
            i_loc = base_local + carry + t
            isplat = jnp.full((16,), i_loc, jnp.int32)
            qx = plsc.load_gather(pxv, [isplat])
            qy = plsc.load_gather(pyv, [isplat])
            qz = plsc.load_gather(pzv, [isplat])

            def scan_cond(st):
                j, cnt = st
                return jnp.logical_and(cnt < NSAMPLE, j < NCHUNK)

            def scan_body(st):
                j, cnt = st
                off = j * 16
                jv = lanes + off
                dx = pxv[pl.ds(off, 16)] - qx
                dy = pyv[pl.ds(off, 16)] - qy
                dz = pzv[pl.ds(off, 16)] - qz
                sq = dx * dx + dy * dy + dz * dz
                m = sq <= r2
                plsc.store_compressed(idxbuf.at[pl.ds(cnt, 16)], jv, mask=m)
                return j + 1, cnt + jnp.sum(m.astype(jnp.int32))

            _, cnt = lax.while_loop(scan_cond, scan_body,
                                    (jnp.int32(0), jnp.int32(0)))
            f = jnp.minimum(cnt, NSAMPLE)
            idx16 = idxbuf[pl.ds(0, 16)]
            first = idx16[0]
            valid = lanes < f
            idxv = jnp.where(valid, idx16, first)
            gx = plsc.load_gather(pxv, [idxv])
            gy = plsc.load_gather(pyv, [idxv])
            gz = plsc.load_gather(pzv, [idxv])
            big = jnp.float32(PAD_XYZ)
            st_nidx[t, :] = idxv
            st_relx[t, :] = jnp.where(valid, gx - qx, big)
            st_rely[t, :] = jnp.where(valid, gy - qy, big)
            st_relz[t, :] = jnp.where(valid, gz - qz, big)
            gidx[pl.ds(t * 16, 16)] = idxv + bN
            return carry

        lax.fori_loop(0, GRP, point_body, g * GRP)

    def emit_st(g):
        gbase = bN + base_local + g * GRP
        pltpu.sync_copy(st_nidx, nidx_o.at[pl.ds(gbase, GRP)])
        pltpu.sync_copy(st_relx, relx_o.at[pl.ds(gbase, GRP)])
        pltpu.sync_copy(st_rely, rely_o.at[pl.ds(gbase, GRP)])
        pltpu.sync_copy(st_relz, relz_o.at[pl.ds(gbase, GRP)])

    def fslice(g):
        gbase = bN + base_local + g * GRP
        return pl.ds(gbase * 16, GRP * 16)

    def issue_gather(gidx, rx, rxi, sx, sxi):
        pltpu.async_copy(xt.at[gidx], rx, sx)
        pltpu.async_copy(xit.at[gidx], rxi, sxi)

    def wait_gather(gidx, rx, rxi, sx, sxi):
        pltpu.make_async_copy(xt.at[gidx], rx, sx).wait()
        pltpu.make_async_copy(xit.at[gidx], rxi, sxi).wait()

    def issue_wb(g, rx, rxi, sx, sxi):
        pltpu.async_copy(rx, feat_o.at[fslice(g)], sx)
        pltpu.async_copy(rxi, xing_o.at[fslice(g)], sxi)

    def wait_wb(g, rx, rxi, sx, sxi):
        pltpu.make_async_copy(rx, feat_o.at[fslice(g)], sx).wait()
        pltpu.make_async_copy(rxi, xing_o.at[fslice(g)], sxi).wait()

    scan_group(0, gidx0)
    issue_gather(gidx0, rows_x0, rows_xi0, gsx0, gsxi0)
    emit_st(0)
    scan_group(1, gidx1)
    issue_gather(gidx1, rows_x1, rows_xi1, gsx1, gsxi1)
    emit_st(1)
    wait_gather(gidx0, rows_x0, rows_xi0, gsx0, gsxi0)
    issue_wb(0, rows_x0, rows_xi0, wsx0, wsxi0)

    def pair_body(h, _):
        g0 = 2 * h
        g1 = g0 + 1
        scan_group(g0, gidx0)
        wait_wb(g0 - 2, rows_x0, rows_xi0, wsx0, wsxi0)
        issue_gather(gidx0, rows_x0, rows_xi0, gsx0, gsxi0)
        emit_st(g0)
        wait_gather(gidx1, rows_x1, rows_xi1, gsx1, gsxi1)
        issue_wb(g0 - 1, rows_x1, rows_xi1, wsx1, wsxi1)
        scan_group(g1, gidx1)
        wait_wb(g0 - 1, rows_x1, rows_xi1, wsx1, wsxi1)
        issue_gather(gidx1, rows_x1, rows_xi1, gsx1, gsxi1)
        emit_st(g1)
        wait_gather(gidx0, rows_x0, rows_xi0, gsx0, gsxi0)
        issue_wb(g0, rows_x0, rows_xi0, wsx0, wsxi0)
        return 0

    lax.fori_loop(1, NGRP // 2, pair_body, 0)
    wait_gather(gidx1, rows_x1, rows_xi1, gsx1, gsxi1)
    pltpu.sync_copy(rows_x1, feat_o.at[fslice(NGRP - 1)])
    pltpu.sync_copy(rows_xi1, xing_o.at[fslice(NGRP - 1)])
    wait_wb(NGRP - 2, rows_x0, rows_xi0, wsx0, wsxi0)


_sc_stage = functools.partial(
    pl.kernel,
    out_type=(
        jax.ShapeDtypeStruct((B * N, NSAMPLE), jnp.int32),
        jax.ShapeDtypeStruct((B * N, NSAMPLE), jnp.float32),
        jax.ShapeDtypeStruct((B * N, NSAMPLE), jnp.float32),
        jax.ShapeDtypeStruct((B * N, NSAMPLE), jnp.float32),
        jax.ShapeDtypeStruct((B * N * NSAMPLE, C_IN), jnp.bfloat16),
        jax.ShapeDtypeStruct((B * N * NSAMPLE, C_IN), jnp.bfloat16),
    ),
    mesh=_SC_MESH,
    compiler_params=pltpu.CompilerParams(
        needs_layout_passes=False,
        use_tc_tiling_on_sc=False,
    ),
    scratch_types=[
        pltpu.VMEM((N,), jnp.float32),
        pltpu.VMEM((N,), jnp.float32),
        pltpu.VMEM((N,), jnp.float32),
        pltpu.VMEM((48,), jnp.int32),
        pltpu.VMEM((GRP, 16), jnp.int32),
        pltpu.VMEM((GRP, 16), jnp.float32),
        pltpu.VMEM((GRP, 16), jnp.float32),
        pltpu.VMEM((GRP, 16), jnp.float32),
        pltpu.VMEM((GRP * 16,), jnp.int32),
        pltpu.VMEM((GRP * 16,), jnp.int32),
        pltpu.VMEM((GRP * 16, C_IN), jnp.bfloat16),
        pltpu.VMEM((GRP * 16, C_IN), jnp.bfloat16),
        pltpu.VMEM((GRP * 16, C_IN), jnp.bfloat16),
        pltpu.VMEM((GRP * 16, C_IN), jnp.bfloat16),
        pltpu.SemaphoreType.DMA,
        pltpu.SemaphoreType.DMA,
        pltpu.SemaphoreType.DMA,
        pltpu.SemaphoreType.DMA,
        pltpu.SemaphoreType.DMA,
        pltpu.SemaphoreType.DMA,
        pltpu.SemaphoreType.DMA,
        pltpu.SemaphoreType.DMA,
    ],
)(_sc_body)


RB = 256
NBN = N // RB


def _tc_body(nidx, relx, rely, relz, f2, xi2, wrep_ref, kp_ref,
             out_ref, skip_ref):
    idx = nidx[...]
    s_iota = lax.broadcasted_iota(jnp.int32, (RB, NSAMPLE), 1)
    pad = jnp.logical_and(idx == idx[:, 0:1], s_iota > 0)
    keep = jnp.where(pad, 0.0, 1.0)
    rx = relx[...]
    ry = rely[...]
    rz = relz[...]
    rep_r = lax.broadcasted_iota(jnp.int32, (NSAMPLE, SC), 0)
    rep_c = lax.broadcasted_iota(jnp.int32, (NSAMPLE, SC), 1)
    rep16 = jnp.where(rep_c // C_IN == rep_r, 1.0, 0.0).astype(jnp.bfloat16)
    f2v = f2[...]
    acc = jnp.zeros((RB, C_OUT), jnp.float32)
    for k in range(K):
        ax = kp_ref[k, 0]
        ay = kp_ref[k, 1]
        az = kp_ref[k, 2]
        sq = (rx - ax) ** 2 + (ry - ay) ** 2 + (rz - az) ** 2
        awk = jnp.maximum(1.0 - jnp.sqrt(sq + 1e-9) / KP_EXTENT, 0.0)
        awb = jnp.dot(awk.astype(jnp.bfloat16), rep16,
                      preferred_element_type=jnp.float32)
        acc = acc + jnp.dot(awb.astype(jnp.bfloat16) * f2v, wrep_ref[k],
                            preferred_element_type=jnp.float32)
    out_ref[0] = acc.T
    keepb = jnp.dot(keep.astype(jnp.bfloat16), rep16,
                    preferred_element_type=jnp.float32)
    xim = xi2[...] * keepb.astype(jnp.bfloat16)
    m = xim[:, 0:C_IN]
    for s in range(1, NSAMPLE):
        m = jnp.maximum(m, xim[:, s * C_IN:(s + 1) * C_IN])
    skip_ref[0] = m.astype(jnp.float32).T


def _tc_stage(nidx, relx, rely, relz, f2, xi2, wrep, kernel_points):
    grid = (B * N // RB,)
    fspec = pl.BlockSpec((RB, NSAMPLE), lambda i: (i, 0))
    return pl.pallas_call(
        _tc_body,
        grid=grid,
        in_specs=[
            pl.BlockSpec((RB, NSAMPLE), lambda i: (i, 0)),
            fspec, fspec, fspec,
            pl.BlockSpec((RB, SC), lambda i: (i, 0)),
            pl.BlockSpec((RB, SC), lambda i: (i, 0)),
            pl.BlockSpec((K, SC, C_OUT), lambda i: (0, 0, 0)),
            pl.BlockSpec((K, 3), lambda i: (0, 0),
                         memory_space=pltpu.SMEM),
        ],
        out_specs=[
            pl.BlockSpec((1, C_OUT, RB), lambda i: (i // NBN, 0, i % NBN)),
            pl.BlockSpec((1, C_OUT, RB), lambda i: (i // NBN, 0, i % NBN)),
        ],
        out_shape=[
            jax.ShapeDtypeStruct((B, C_OUT, N), jnp.float32),
            jax.ShapeDtypeStruct((B, C_OUT, N), jnp.float32),
        ],
    )(nidx, relx, rely, relz, f2, xi2, wrep, kernel_points)


def kernel(p, x, x_in, weights, kernel_points):
    px = p[:, :, 0].reshape(B * N)
    py = p[:, :, 1].reshape(B * N)
    pz = p[:, :, 2].reshape(B * N)
    xt = jnp.transpose(x, (0, 2, 1)).reshape(B * N, C_IN).astype(jnp.bfloat16)
    xit = jnp.transpose(x_in, (0, 2, 1)).reshape(B * N, C_IN).astype(jnp.bfloat16)
    nidx_f, relx, rely, relz, feat, xing = _sc_stage(px, py, pz, xt, xit)
    f2 = feat.reshape(B * N, SC)
    xi2 = xing.reshape(B * N, SC)
    wrep = jnp.tile(weights, (1, NSAMPLE, 1)).astype(jnp.bfloat16)
    out, skip = _tc_stage(nidx_f, relx, rely, relz, f2, xi2,
                          wrep, kernel_points)
    return out, p, skip, nidx_f.reshape(B, N, NSAMPLE)

# --- scband reference (transcript-rebuilt; emitter-appended) ---
"""Pipeline reference for scband-kpconv-46136538694256 (READ-ONLY COPY).

The authoritative reference and input builder live on the scoring server;
editing this copy changes nothing except your own understanding.
"""

import jax, jax.numpy as jnp
import numpy as np

B, N, C_IN, C_OUT = 2, 4096, 64, 64
K = 15
RADIUS = 2.5
NSAMPLE = 16
KP_EXTENT = 1.2


def setup_inputs(seed: int = 0):
    key = jax.random.key(seed)
    k1, k2, k3, k4 = jax.random.split(key, 4)
    p = jax.random.normal(k1, (B, N, 3), jnp.float32)
    x = jax.random.normal(k2, (B, C_IN, N), jnp.float32)
    x_in = jax.random.normal(k3, (B, C_IN, N), jnp.float32)
    bound = 1.0 / np.sqrt(C_IN)
    weights = jax.random.uniform(k4, (K, C_IN, C_OUT), jnp.float32, -bound, bound)
    # kernel points: fixed center point at origin, remaining 14 on a shell (mimics load_kernels(radius, 15, dim=3, fixed='center'))
    rng = np.random.RandomState(42)
    kp = rng.randn(K, 3).astype(np.float32)
    kp[0] = 0.0
    nrm = np.linalg.norm(kp[1:], axis=1, keepdims=True)
    kp[1:] = kp[1:] / nrm * (0.66 * RADIUS)
    kernel_points = jnp.asarray(kp)
    return {"p": p, "x": x, "x_in": x_in, "weights": weights, "kernel_points": kernel_points}


def _ball_query(p):
    # pointops.QueryAndGroup semantics: first `nsample` in-radius neighbors in ascending index order,
    # padded with the first found index.
    sq = jnp.sum((p[:, :, None, :] - p[:, None, :, :]) ** 2, axis=-1)  # (B,N,N)
    mask = sq <= RADIUS * RADIUS
    idx_full = jnp.broadcast_to(jnp.arange(N, dtype=jnp.int32)[None, None, :], (B, N, N))
    idx_masked = jnp.where(mask, idx_full, jnp.int32(N))
    neg_vals, _ = jax.lax.top_k(-idx_masked, NSAMPLE)
    idx_sorted = -neg_vals  # ascending valid indices first
    first = idx_sorted[:, :, :1]
    n_idx = jnp.where(idx_sorted == N, first, idx_sorted)
    return n_idx


def _forward(p, x, x_in, weights, kernel_points):
    n_idx = _ball_query(jax.lax.stop_gradient(p))  # indices are non-differentiable
    # group xyz (relative, use_xyz=True) and features
    gathered_xyz = jax.vmap(lambda pts, ind: pts[ind])(p, n_idx)          # (B,N,ns,3)
    rel_xyz = gathered_xyz - p[:, :, None, :]
    rel_xyz_t = jnp.transpose(rel_xyz, (0, 3, 1, 2))                      # (B,3,N,ns)
    gathered_feat = jax.vmap(lambda f, ind: f[:, ind])(x, n_idx)          # (B,C,N,ns)
    n_k = jnp.concatenate([rel_xyz_t, gathered_feat], axis=1)             # (B,3+C,N,ns)
    # padding mask: duplicates of the first neighbor index are padding
    pm = jnp.concatenate([jnp.zeros((B, N, 1), jnp.float32),
                          (n_idx[:, :, 1:] == n_idx[:, :, :1]).astype(jnp.float32)], axis=2)
    pm4 = pm[:, None]                                                     # (B,1,N,ns)
    n_k_pcd = n_k[:, :3] * (1.0 - pm4) + 1000000.0 * pm4
    n_k_feat = n_k[:, 3:] * (1.0 - pm4)
    n_k = jnp.concatenate([n_k_pcd, n_k_feat], axis=1)
    # skip-path grouping + max
    x_in_g = jax.vmap(lambda f, ind: f[:, ind])(x_in, n_idx)              # (B,C,N,ns)
    x_in_g = x_in_g * (1.0 - pm4)
    x_in_skip = jnp.max(x_in_g, axis=3)
    # KPConv kernel correlation
    rela_posi = jnp.transpose(n_k[:, :3], (0, 2, 3, 1))[:, :, :, None, :]  # (B,N,ns,1,3)
    differences = rela_posi - kernel_points[None, None, None]              # (B,N,ns,K,3)
    sq_distances = jnp.sum(differences ** 2, axis=4)                       # (B,N,ns,K)
    all_weights = jnp.clip(1.0 - jnp.sqrt(sq_distances + 1e-9) / KP_EXTENT, 0.0)
    features = jnp.transpose(n_k[:, 3:], (0, 2, 3, 1))                     # (B,N,ns,C)
    weighted = jnp.matmul(jnp.transpose(all_weights, (0, 1, 3, 2)), features)  # (B,N,K,C)
    kernel_outputs = jnp.matmul(weighted[:, :, :, None, :], weights[None, None])[:, :, :, 0]  # (B,N,K,Cout)
    out = jnp.transpose(jnp.sum(kernel_outputs, axis=2), (0, 2, 1))        # (B,Cout,N)
    return out, p, x_in_skip, n_idx


def reference(p, x, x_in, weights, kernel_points):
    return _forward(p, x, x_in, weights, kernel_points)

if __name__ == "__main__":
    import jax
    _d = setup_inputs()
    print(jax.jit(kernel)(*tuple(_d.values())))

</pallas_src>

<mosaic_0001>
#map = affine_map<(d0, d1) -> (0)>
#map1 = affine_map<(d0, d1) -> (0, 0)>
module attributes {stable_mosaic.version = 14 : i64} {
  func.func @_sc_body(%arg0: i32, %arg1: i32, %arg2: memref<8192xf32, #tpu.memory_space<hbm>>, %arg3: memref<8192xf32, #tpu.memory_space<hbm>>, %arg4: memref<8192xf32, #tpu.memory_space<hbm>>, %arg5: memref<8192x64xbf16, #tpu.memory_space<hbm>>, %arg6: memref<8192x64xbf16, #tpu.memory_space<hbm>>, %arg7: memref<8192x16xi32, #tpu.memory_space<hbm>>, %arg8: memref<8192x16xf32, #tpu.memory_space<hbm>>, %arg9: memref<8192x16xf32, #tpu.memory_space<hbm>>, %arg10: memref<8192x16xf32, #tpu.memory_space<hbm>>, %arg11: memref<131072x64xbf16, #tpu.memory_space<hbm>>, %arg12: memref<131072x64xbf16, #tpu.memory_space<hbm>>, %arg13: memref<4096xf32, #tpu.memory_space<vmem>>, %arg14: memref<4096xf32, #tpu.memory_space<vmem>>, %arg15: memref<4096xf32, #tpu.memory_space<vmem>>, %arg16: memref<48xi32, #tpu.memory_space<vmem>>, %arg17: memref<8x16xi32, #tpu.memory_space<vmem>>, %arg18: memref<8x16xf32, #tpu.memory_space<vmem>>, %arg19: memref<8x16xf32, #tpu.memory_space<vmem>>, %arg20: memref<8x16xf32, #tpu.memory_space<vmem>>, %arg21: memref<128xi32, #tpu.memory_space<vmem>>, %arg22: memref<128xi32, #tpu.memory_space<vmem>>, %arg23: memref<128x64xbf16, #tpu.memory_space<vmem>>, %arg24: memref<128x64xbf16, #tpu.memory_space<vmem>>, %arg25: memref<128x64xbf16, #tpu.memory_space<vmem>>, %arg26: memref<128x64xbf16, #tpu.memory_space<vmem>>, %arg27: memref<!tpu.dma_semaphore, #tpu.memory_space<semaphore_mem>>, %arg28: memref<!tpu.dma_semaphore, #tpu.memory_space<semaphore_mem>>, %arg29: memref<!tpu.dma_semaphore, #tpu.memory_space<semaphore_mem>>, %arg30: memref<!tpu.dma_semaphore, #tpu.memory_space<semaphore_mem>>, %arg31: memref<!tpu.dma_semaphore, #tpu.memory_space<semaphore_mem>>, %arg32: memref<!tpu.dma_semaphore, #tpu.memory_space<semaphore_mem>>, %arg33: memref<!tpu.dma_semaphore, #tpu.memory_space<semaphore_mem>>, %arg34: memref<!tpu.dma_semaphore, #tpu.memory_space<semaphore_mem>>) attributes {dimension_semantics = [#tpu.dimension_semantics<core_parallel>, #tpu.dimension_semantics<subcore_parallel>], iteration_bounds = array<i64: 2, 16>, scalar_prefetch = 0 : i64, scratch_operands = 22 : i64, tpu.core_type = #tpu.core_type<sc_vector_subcore>, window_params = [{transform_indices = #map}, {transform_indices = #map}, {transform_indices = #map}, {transform_indices = #map1}, {transform_indices = #map1}, {transform_indices = #map1}, {transform_indices = #map1}, {transform_indices = #map1}, {transform_indices = #map1}, {transform_indices = #map1}, {transform_indices = #map1}]} {
    %mul3A = arith.constant 4096 : i32
    %mul3A_0 = arith.muli %arg0, %mul3A : i32
    "tpu.region"() ({
      %run_scoped3A = tpu.sem_alloc : memref<!tpu.dma_semaphore, #tpu.memory_space<semaphore_mem>>
      %dma_start3A_97 = tpu.memref_slice %arg2[%mul3A_0] : memref<8192xf32, #tpu.memory_space<hbm>> -> memref<4096xf32, #tpu.memory_space<hbm>>
      %dma_start3A_98 = tpu.memref_slice %arg2[%mul3A_0] : memref<8192xf32, #tpu.memory_space<hbm>> -> memref<4096xf32, #tpu.memory_space<hbm>>
      tpu.enqueue_dma source(%dma_start3A_98 : memref<4096xf32, #tpu.memory_space<hbm>>) target(%arg13 : memref<4096xf32, #tpu.memory_space<vmem>>) target_semaphore(%run_scoped3A : memref<!tpu.dma_semaphore, #tpu.memory_space<semaphore_mem>>)
      %dma_wait3A_99 = tpu.memref_slice %arg2[%mul3A_0] : memref<8192xf32, #tpu.memory_space<hbm>> -> memref<4096xf32, #tpu.memory_space<hbm>>
      %dma_wait3A_100 = tpu.memref_slice %arg2[%mul3A_0] : memref<8192xf32, #tpu.memory_space<hbm>> -> memref<4096xf32, #tpu.memory_space<hbm>>
      tpu.wait_dma2 semaphore(%run_scoped3A : memref<!tpu.dma_semaphore, #tpu.memory_space<semaphore_mem>>) src(%dma_wait3A_100 : memref<4096xf32, #tpu.memory_space<hbm>>) dst(%arg13 : memref<4096xf32, #tpu.memory_space<vmem>>)
      tpu.yield
    }) : () -> ()
    "tpu.region"() ({
      %run_scoped3A = tpu.sem_alloc : memref<!tpu.dma_semaphore, #tpu.memory_space<semaphore_mem>>
      %dma_start3A_97 = tpu.memref_slice %arg3[%mul3A_0] : memref<8192xf32, #tpu.memory_space<hbm>> -> memref<4096xf32, #tpu.memory_space<hbm>>
      %dma_start3A_98 = tpu.memref_slice %arg3[%mul3A_0] : memref<8192xf32, #tpu.memory_space<hbm>> -> memref<4096xf32, #tpu.memory_space<hbm>>
      tpu.enqueue_dma source(%dma_start3A_98 : memref<4096xf32, #tpu.memory_space<hbm>>) target(%arg14 : memref<4096xf32, #tpu.memory_space<vmem>>) target_semaphore(%run_scoped3A : memref<!tpu.dma_semaphore, #tpu.memory_space<semaphore_mem>>)
      %dma_wait3A_99 = tpu.memref_slice %arg3[%mul3A_0] : memref<8192xf32, #tpu.memory_space<hbm>> -> memref<4096xf32, #tpu.memory_space<hbm>>
      %dma_wait3A_100 = tpu.memref_slice %arg3[%mul3A_0] : memref<8192xf32, #tpu.memory_space<hbm>> -> memref<4096xf32, #tpu.memory_space<hbm>>
      tpu.wait_dma2 semaphore(%run_scoped3A : memref<!tpu.dma_semaphore, #tpu.memory_space<semaphore_mem>>) src(%dma_wait3A_100 : memref<4096xf32, #tpu.memory_space<hbm>>) dst(%arg14 : memref<4096xf32, #tpu.memory_space<vmem>>)
      tpu.yield
    }) : () -> ()
    "tpu.region"() ({
      %run_scoped3A = tpu.sem_alloc : memref<!tpu.dma_semaphore, #tpu.memory_space<semaphore_mem>>
      %dma_start3A_97 = tpu.memref_slice %arg4[%mul3A_0] : memref<8192xf32, #tpu.memory_space<hbm>> -> memref<4096xf32, #tpu.memory_space<hbm>>
      %dma_start3A_98 = tpu.memref_slice %arg4[%mul3A_0] : memref<8192xf32, #tpu.memory_space<hbm>> -> memref<4096xf32, #tpu.memory_space<hbm>>
      tpu.enqueue_dma source(%dma_start3A_98 : memref<4096xf32, #tpu.memory_space<hbm>>) target(%arg15 : memref<4096xf32, #tpu.memory_space<vmem>>) target_semaphore(%run_scoped3A : memref<!tpu.dma_semaphore, #tpu.memory_space<semaphore_mem>>)
      %dma_wait3A_99 = tpu.memref_slice %arg4[%mul3A_0] : memref<8192xf32, #tpu.memory_space<hbm>> -> memref<4096xf32, #tpu.memory_space<hbm>>
      %dma_wait3A_100 = tpu.memref_slice %arg4[%mul3A_0] : memref<8192xf32, #tpu.memory_space<hbm>> -> memref<4096xf32, #tpu.memory_space<hbm>>
      tpu.wait_dma2 semaphore(%run_scoped3A : memref<!tpu.dma_semaphore, #tpu.memory_space<semaphore_mem>>) src(%dma_wait3A_100 : memref<4096xf32, #tpu.memory_space<hbm>>) dst(%arg15 : memref<4096xf32, #tpu.memory_space<vmem>>)
      tpu.yield
    }) : () -> ()
    %mul3A_1 = arith.constant 256 : i32
    %mul3A_2 = arith.muli %arg1, %mul3A_1 : i32
    %iota3A = tpu.iota {dimensions = array<i32: 0>} : vector<16xi32>
    %scan3A = arith.constant 0 : i32
    %scan3A_3 = arith.constant 6.250000e+00 : f32
    %scan3A_4 = arith.constant 0 : i32
    %scan3A_5 = arith.constant 8 : i32
    %scan3A_6 = arith.addi %scan3A_4, %scan3A_5 : i32
    %scan3A_7 = arith.constant 1 : i32
    scf.for %scan3A_97 = %scan3A_4 to %scan3A_6 step %scan3A_7  : i32 {
      %add3A_98 = arith.addi %mul3A_2, %scan3A : i32
      %add3A_99 = arith.addi %add3A_98, %scan3A_97 : i32
      %broadcast_in_dim3A = vector.broadcast %add3A_99 : i32 to vector<16xi32>
      %gather3A = tpu.vector_load_idx %arg13[%broadcast_in_dim3A] : memref<4096xf32, #tpu.memory_space<vmem>>[vector<16xi32>], vector<16xf32>,
      %gather3A_100 = tpu.vector_load_idx %arg14[%broadcast_in_dim3A] : memref<4096xf32, #tpu.memory_space<vmem>>[vector<16xi32>], vector<16xf32>,
      %gather3A_101 = tpu.vector_load_idx %arg15[%broadcast_in_dim3A] : memref<4096xf32, #tpu.memory_space<vmem>>[vector<16xi32>], vector<16xf32>,
      %while3A = arith.constant 0 : i32
      %while3A_102 = arith.constant 0 : i32
      %while3A_103:2 = scf.while (%while3A_138 = %while3A, %while3A_139 = %while3A_102) : (i32, i32) -> (i32, i32) {
        %lt3A_140 = arith.constant 16 : i32
        %lt3A_141 = arith.cmpi slt, %while3A_139, %lt3A_140 : i32
        %lt3A_142 = arith.constant 256 : i32
        %lt3A_143 = arith.cmpi slt, %while3A_138, %lt3A_142 : i32
        %and3A = arith.andi %lt3A_141, %lt3A_143 : i1
        scf.condition(%and3A) %while3A_138, %while3A_139 : i32, i32
      } do {
      ^bb0(%while3A_138: i32, %while3A_139: i32):
        %mul3A_140 = arith.constant 16 : i32
        %mul3A_141 = arith.muli %while3A_138, %mul3A_140 : i32
        %add3A_142 = vector.broadcast %mul3A_141 : i32 to vector<16xi32>
        %add3A_143 = arith.addi %iota3A, %add3A_142 : vector<16xi32>
        %get3A_144 = arith.index_cast %mul3A_141 : i32 to index
        %get3A_145 = tpu.vector_load %arg13[%get3A_144] {strides = array<i32>} : memref<4096xf32, #tpu.memory_space<vmem>>, vector<16xf32>,
        %sub3A_146 = arith.subf %get3A_145, %gather3A : vector<16xf32>
        %get3A_147 = arith.index_cast %mul3A_141 : i32 to index
        %get3A_148 = tpu.vector_load %arg14[%get3A_147] {strides = array<i32>} : memref<4096xf32, #tpu.memory_space<vmem>>, vector<16xf32>,
        %sub3A_149 = arith.subf %get3A_148, %gather3A_100 : vector<16xf32>
        %get3A_150 = arith.index_cast %mul3A_141 : i32 to index
        %get3A_151 = tpu.vector_load %arg15[%get3A_150] {strides = array<i32>} : memref<4096xf32, #tpu.memory_space<vmem>>, vector<16xf32>,
        %sub3A_152 = arith.subf %get3A_151, %gather3A_101 : vector<16xf32>
        %mul3A_153 = arith.mulf %sub3A_146, %sub3A_146 : vector<16xf32>
        %mul3A_154 = arith.mulf %sub3A_149, %sub3A_149 : vector<16xf32>
        %add3A_155 = arith.addf %mul3A_153, %mul3A_154 : vector<16xf32>
        %mul3A_156 = arith.mulf %sub3A_152, %sub3A_152 : vector<16xf32>
        %add3A_157 = arith.addf %add3A_155, %mul3A_156 : vector<16xf32>
        %le3A = vector.broadcast %scan3A_3 : f32 to vector<16xf32>
        %le3A_158 = arith.cmpf ole, %add3A_157, %le3A : vector<16xf32>
        %swap3A_159 = arith.index_cast %while3A_139 : i32 to index
        %swap3A_160 = tpu.vector_load %arg16[%swap3A_159] masked %le3A_158 {strides = array<i32>} : memref<48xi32, #tpu.memory_space<vmem>>, vector<16xi32>, vector<16xi1>
        tpu.vector_store %arg16[%swap3A_159], %add3A_143 masked %le3A_158 {strides = array<i32>} : memref<48xi32, #tpu.memory_space<vmem>>, vector<16xi32>, vector<16xi1>
        %add3A_161 = arith.constant 1 : i32
        %add3A_162 = arith.addi %while3A_138, %add3A_161 : i32
        %convert_element_type3A = arith.extui %le3A_158 : vector<16xi1> to vector<16xi32>
        %reduce_sum3A = arith.constant true
        %reduce_sum3A_163 = vector.broadcast %reduce_sum3A : i1 to vector<16xi1>
        %reduce_sum3A_164 = tpu.scan <sum>, %convert_element_type3A masked %reduce_sum3A_163 : vector<16xi32>, vector<16xi1> -> vector<16xi32>
        %reduce_sum3A_165 = vector.extract %reduce_sum3A_164[15] : i32 from vector<16xi32>
        %add3A_166 = arith.addi %while3A_139, %reduce_sum3A_165 : i32
        scf.yield %add3A_162, %add3A_166 : i32, i32
      }
      %min3A = arith.constant 16 : i32
      %min3A_104 = arith.minsi %while3A_103#1, %min3A : i32
      %get3A = arith.constant 0 : index
      %get3A_105 = tpu.vector_load %arg16[%get3A] {strides = array<i32>} : memref<48xi32, #tpu.memory_space<vmem>>, vector<16xi32>,
      %slice3A = vector.extract_strided_slice %get3A_105 {offsets = [0], sizes = [1], strides = [1]} : vector<16xi32> to vector<1xi32>
      %squeeze3A = vector.extract %slice3A[0] : i32 from vector<1xi32>
      %lt3A = vector.broadcast %min3A_104 : i32 to vector<16xi32>
      %lt3A_106 = arith.cmpi slt, %iota3A, %lt3A : vector<16xi32>
      %broadcast_in_dim3A_107 = vector.broadcast %squeeze3A : i32 to vector<16xi32>
      %select_n3A = arith.select %lt3A_106, %get3A_105, %broadcast_in_dim3A_107 : vector<16xi1>, vector<16xi32>
      %gather3A_108 = tpu.vector_load_idx %arg13[%select_n3A] : memref<4096xf32, #tpu.memory_space<vmem>>[vector<16xi32>], vector<16xf32>,
      %gather3A_109 = tpu.vector_load_idx %arg14[%select_n3A] : memref<4096xf32, #tpu.memory_space<vmem>>[vector<16xi32>], vector<16xf32>,
      %gather3A_110 = tpu.vector_load_idx %arg15[%select_n3A] : memref<4096xf32, #tpu.memory_space<vmem>>[vector<16xi32>], vector<16xf32>,
      %swap3A = arith.index_cast %scan3A_97 : i32 to index
      %swap3A_111 = arith.constant 0 : index
      %swap3A_112 = tpu.vector_load %arg17[%swap3A, %swap3A_111] {strides = array<i32>} : memref<8x16xi32, #tpu.memory_space<vmem>>, vector<16xi32>,
      tpu.vector_store %arg17[%swap3A, %swap3A_111], %select_n3A {strides = array<i32>} : memref<8x16xi32, #tpu.memory_space<vmem>>, vector<16xi32>,
      %sub3A = arith.subf %gather3A_108, %gather3A : vector<16xf32>
      %jit3A = arith.constant 1.000000e+06 : f32
      %broadcast_in_dim3A_113 = vector.broadcast %jit3A : f32 to vector<16xf32>
      %select_n3A_114 = arith.select %lt3A_106, %sub3A, %broadcast_in_dim3A_113 : vector<16xi1>, vector<16xf32>
      %swap3A_115 = arith.index_cast %scan3A_97 : i32 to index
      %swap3A_116 = arith.constant 0 : index
      %swap3A_117 = tpu.vector_load %arg18[%swap3A_115, %swap3A_116] {strides = array<i32>} : memref<8x16xf32, #tpu.memory_space<vmem>>, vector<16xf32>,
      tpu.vector_store %arg18[%swap3A_115, %swap3A_116], %select_n3A_114 {strides = array<i32>} : memref<8x16xf32, #tpu.memory_space<vmem>>, vector<16xf32>,
      %sub3A_118 = arith.subf %gather3A_109, %gather3A_100 : vector<16xf32>
      %jit3A_119 = arith.constant 1.000000e+06 : f32
      %broadcast_in_dim3A_120 = vector.broadcast %jit3A_119 : f32 to vector<16xf32>
      %select_n3A_121 = arith.select %lt3A_106, %sub3A_118, %broadcast_in_dim3A_120 : vector<16xi1>, vector<16xf32>
      %swap3A_122 = arith.index_cast %scan3A_97 : i32 to index
      %swap3A_123 = arith.constant 0 : index
      %swap3A_124 = tpu.vector_load %arg19[%swap3A_122, %swap3A_123] {strides = array<i32>} : memref<8x16xf32, #tpu.memory_space<vmem>>, vector<16xf32>,
      tpu.vector_store %arg19[%swap3A_122, %swap3A_123], %select_n3A_121 {strides = array<i32>} : memref<8x16xf32, #tpu.memory_space<vmem>>, vector<16xf32>,
      %sub3A_125 = arith.subf %gather3A_110, %gather3A_101 : vector<16xf32>
      %jit3A_126 = arith.constant 1.000000e+06 : f32
      %broadcast_in_dim3A_127 = vector.broadcast %jit3A_126 : f32 to vector<16xf32>
      %select_n3A_128 = arith.select %lt3A_106, %sub3A_125, %broadcast_in_dim3A_127 : vector<16xi1>, vector<16xf32>
      %swap3A_129 = arith.index_cast %scan3A_97 : i32 to index
      %swap3A_130 = arith.constant 0 : index
      %swap3A_131 = tpu.vector_load %arg20[%swap3A_129, %swap3A_130] {strides = array<i32>} : memref<8x16xf32, #tpu.memory_space<vmem>>, vector<16xf32>,
      tpu.vector_store %arg20[%swap3A_129, %swap3A_130], %select_n3A_128 {strides = array<i32>} : memref<8x16xf32, #tpu.memory_space<vmem>>, vector<16xf32>,
      %add3A_132 = vector.broadcast %mul3A_0 : i32 to vector<16xi32>
      %add3A_133 = arith.addi %select_n3A, %add3A_132 : vector<16xi32>
      %mul3A_134 = arith.constant 16 : i32
      %mul3A_135 = arith.muli %scan3A_97, %mul3A_134 : i32
      %swap3A_136 = arith.index_cast %mul3A_135 : i32 to index
      %swap3A_137 = tpu.vector_load %arg21[%swap3A_136] {strides = array<i32>} : memref<128xi32, #tpu.memory_space<vmem>>, vector<16xi32>,
      tpu.vector_store %arg21[%swap3A_136], %add3A_133 {strides = array<i32>} : memref<128xi32, #tpu.memory_space<vmem>>, vector<16xi32>,
    }
    %scan3A_8 = arith.constant 8 : i32
    %dma_start3A = arith.constant 0 : i32
    %dma_start3A_9 = arith.constant 0 : i32
    %dma_start3A_10 = tpu.memref_slice %arg5[%dma_start3A, %dma_start3A_9] : memref<8192x64xbf16, #tpu.memory_space<hbm>> -> memref<8192x64xbf16, #tpu.memory_space<hbm>>
    tpu.enqueue_indirect_dma source(%dma_start3A_10 : memref<8192x64xbf16, #tpu.memory_space<hbm>>) target(%arg23 : memref<128x64xbf16, #tpu.memory_space<vmem>>) offsets(%arg21 : memref<128xi32, #tpu.memory_space<vmem>>) semaphore(%arg27 : memref<!tpu.dma_semaphore, #tpu.memory_space<semaphore_mem>>)
    %dma_start3A_11 = arith.constant 0 : i32
    %dma_start3A_12 = arith.constant 0 : i32
    %dma_start3A_13 = tpu.memref_slice %arg6[%dma_start3A_11, %dma_start3A_12] : memref<8192x64xbf16, #tpu.memory_space<hbm>> -> memref<8192x64xbf16, #tpu.memory_space<hbm>>
    tpu.enqueue_indirect_dma source(%dma_start3A_13 : memref<8192x64xbf16, #tpu.memory_space<hbm>>) target(%arg24 : memref<128x64xbf16, #tpu.memory_space<vmem>>) offsets(%arg21 : memref<128xi32, #tpu.memory_space<vmem>>) semaphore(%arg28 : memref<!tpu.dma_semaphore, #tpu.memory_space<semaphore_mem>>)
    %add3A = arith.addi %mul3A_0, %mul3A_2 : i32
    %add3A_14 = arith.constant 0 : i32
    %add3A_15 = arith.addi %add3A, %add3A_14 : i32
    "tpu.region"() ({
      %run_scoped3A = tpu.sem_alloc : memref<!tpu.dma_semaphore, #tpu.memory_space<semaphore_mem>>
      %dma_start3A_97 = arith.constant 0 : i32
      %dma_start3A_98 = tpu.memref_slice %arg7[%add3A_15, %dma_start3A_97] : memref<8192x16xi32, #tpu.memory_space<hbm>> -> memref<8x16xi32, #tpu.memory_space<hbm>>
      %dma_start3A_99 = arith.constant 0 : i32
      %dma_start3A_100 = tpu.memref_slice %arg7[%add3A_15, %dma_start3A_99] : memref<8192x16xi32, #tpu.memory_space<hbm>> -> memref<8x16xi32, #tpu.memory_space<hbm>>
      tpu.enqueue_dma source(%arg17 : memref<8x16xi32, #tpu.memory_space<vmem>>) target(%dma_start3A_100 : memref<8x16xi32, #tpu.memory_space<hbm>>) target_semaphore(%run_scoped3A : memref<!tpu.dma_semaphore, #tpu.memory_space<semaphore_mem>>)
      %dma_wait3A_101 = arith.constant 0 : i32
      %dma_wait3A_102 = tpu.memref_slice %arg7[%add3A_15, %dma_wait3A_101] : memref<8192x16xi32, #tpu.memory_space<hbm>> -> memref<8x16xi32, #tpu.memory_space<hbm>>
      %dma_wait3A_103 = arith.constant 0 : i32
      %dma_wait3A_104 = tpu.memref_slice %arg7[%add3A_15, %dma_wait3A_103] : memref<8192x16xi32, #tpu.memory_space<hbm>> -> memref<8x16xi32, #tpu.memory_space<hbm>>
      tpu.wait_dma2 semaphore(%run_scoped3A : memref<!tpu.dma_semaphore, #tpu.memory_space<semaphore_mem>>) src(%arg17 : memref<8x16xi32, #tpu.memory_space<vmem>>) dst(%dma_wait3A_104 : memref<8x16xi32, #tpu.memory_space<hbm>>)
      tpu.yield
    }) : () -> ()
    "tpu.region"() ({
      %run_scoped3A = tpu.sem_alloc : memref<!tpu.dma_semaphore, #tpu.memory_space<semaphore_mem>>
      %dma_start3A_97 = arith.constant 0 : i32
      %dma_start3A_98 = tpu.memref_slice %arg8[%add3A_15, %dma_start3A_97] : memref<8192x16xf32, #tpu.memory_space<hbm>> -> memref<8x16xf32, #tpu.memory_space<hbm>>
      %dma_start3A_99 = arith.constant 0 : i32
      %dma_start3A_100 = tpu.memref_slice %arg8[%add3A_15, %dma_start3A_99] : memref<8192x16xf32, #tpu.memory_space<hbm>> -> memref<8x16xf32, #tpu.memory_space<hbm>>
      tpu.enqueue_dma source(%arg18 : memref<8x16xf32, #tpu.memory_space<vmem>>) target(%dma_start3A_100 : memref<8x16xf32, #tpu.memory_space<hbm>>) target_semaphore(%run_scoped3A : memref<!tpu.dma_semaphore, #tpu.memory_space<semaphore_mem>>)
      %dma_wait3A_101 = arith.constant 0 : i32
      %dma_wait3A_102 = tpu.memref_slice %arg8[%add3A_15, %dma_wait3A_101] : memref<8192x16xf32, #tpu.memory_space<hbm>> -> memref<8x16xf32, #tpu.memory_space<hbm>>
      %dma_wait3A_103 = arith.constant 0 : i32
      %dma_wait3A_104 = tpu.memref_slice %arg8[%add3A_15, %dma_wait3A_103] : memref<8192x16xf32, #tpu.memory_space<hbm>> -> memref<8x16xf32, #tpu.memory_space<hbm>>
      tpu.wait_dma2 semaphore(%run_scoped3A : memref<!tpu.dma_semaphore, #tpu.memory_space<semaphore_mem>>) src(%arg18 : memref<8x16xf32, #tpu.memory_space<vmem>>) dst(%dma_wait3A_104 : memref<8x16xf32, #tpu.memory_space<hbm>>)
      tpu.yield
    }) : () -> ()
    "tpu.region"() ({
      %run_scoped3A = tpu.sem_alloc : memref<!tpu.dma_semaphore, #tpu.memory_space<semaphore_mem>>
      %dma_start3A_97 = arith.constant 0 : i32
      %dma_start3A_98 = tpu.memref_slice %arg9[%add3A_15, %dma_start3A_97] : memref<8192x16xf32, #tpu.memory_space<hbm>> -> memref<8x16xf32, #tpu.memory_space<hbm>>
      %dma_start3A_99 = arith.constant 0 : i32
      %dma_start3A_100 = tpu.memref_slice %arg9[%add3A_15, %dma_start3A_99] : memref<8192x16xf32, #tpu.memory_space<hbm>> -> memref<8x16xf32, #tpu.memory_space<hbm>>
      tpu.enqueue_dma source(%arg19 : memref<8x16xf32, #tpu.memory_space<vmem>>) target(%dma_start3A_100 : memref<8x16xf32, #tpu.memory_space<hbm>>) target_semaphore(%run_scoped3A : memref<!tpu.dma_semaphore, #tpu.memory_space<semaphore_mem>>)
      %dma_wait3A_101 = arith.constant 0 : i32
      %dma_wait3A_102 = tpu.memref_slice %arg9[%add3A_15, %dma_wait3A_101] : memref<8192x16xf32, #tpu.memory_space<hbm>> -> memref<8x16xf32, #tpu.memory_space<hbm>>
      %dma_wait3A_103 = arith.constant 0 : i32
      %dma_wait3A_104 = tpu.memref_slice %arg9[%add3A_15, %dma_wait3A_103] : memref<8192x16xf32, #tpu.memory_space<hbm>> -> memref<8x16xf32, #tpu.memory_space<hbm>>
      tpu.wait_dma2 semaphore(%run_scoped3A : memref<!tpu.dma_semaphore, #tpu.memory_space<semaphore_mem>>) src(%arg19 : memref<8x16xf32, #tpu.memory_space<vmem>>) dst(%dma_wait3A_104 : memref<8x16xf32, #tpu.memory_space<hbm>>)
      tpu.yield
    }) : () -> ()
    "tpu.region"() ({
      %run_scoped3A = tpu.sem_alloc : memref<!tpu.dma_semaphore, #tpu.memory_space<semaphore_mem>>
      %dma_start3A_97 = arith.constant 0 : i32
      %dma_start3A_98 = tpu.memref_slice %arg10[%add3A_15, %dma_start3A_97] : memref<8192x16xf32, #tpu.memory_space<hbm>> -> memref<8x16xf32, #tpu.memory_space<hbm>>
      %dma_start3A_99 = arith.constant 0 : i32
      %dma_start3A_100 = tpu.memref_slice %arg10[%add3A_15, %dma_start3A_99] : memref<8192x16xf32, #tpu.memory_space<hbm>> -> memref<8x16xf32, #tpu.memory_space<hbm>>
      tpu.enqueue_dma source(%arg20 : memref<8x16xf32, #tpu.memory_space<vmem>>) target(%dma_start3A_100 : memref<8x16xf32, #tpu.memory_space<hbm>>) target_semaphore(%run_scoped3A : memref<!tpu.dma_semaphore, #tpu.memory_space<semaphore_mem>>)
      %dma_wait3A_101 = arith.constant 0 : i32
      %dma_wait3A_102 = tpu.memref_slice %arg10[%add3A_15, %dma_wait3A_101] : memref<8192x16xf32, #tpu.memory_space<hbm>> -> memref<8x16xf32, #tpu.memory_space<hbm>>
      %dma_wait3A_103 = arith.constant 0 : i32
      %dma_wait3A_104 = tpu.memref_slice %arg10[%add3A_15, %dma_wait3A_103] : memref<8192x16xf32, #tpu.memory_space<hbm>> -> memref<8x16xf32, #tpu.memory_space<hbm>>
      tpu.wait_dma2 semaphore(%run_scoped3A : memref<!tpu.dma_semaphore, #tpu.memory_space<semaphore_mem>>) src(%arg20 : memref<8x16xf32, #tpu.memory_space<vmem>>) dst(%dma_wait3A_104 : memref<8x16xf32, #tpu.memory_space<hbm>>)
      tpu.yield
    }) : () -> ()
    %scan3A_16 = arith.constant 8 : i32
    %scan3A_17 = arith.constant 6.250000e+00 : f32
    %scan3A_18 = arith.constant 0 : i32
    %scan3A_19 = arith.constant 8 : i32
    %scan3A_20 = arith.addi %scan3A_18, %scan3A_19 : i32
    %scan3A_21 = arith.constant 1 : i32
    scf.for %scan3A_97 = %scan3A_18 to %scan3A_20 step %scan3A_21  : i32 {
      %add3A_98 = arith.addi %mul3A_2, %scan3A_16 : i32
      %add3A_99 = arith.addi %add3A_98, %scan3A_97 : i32
      %broadcast_in_dim3A = vector.broadcast %add3A_99 : i32 to vector<16xi32>
      %gather3A = tpu.vector_load_idx %arg13[%broadcast_in_dim3A] : memref<4096xf32, #tpu.memory_space<vmem>>[vector<16xi32>], vector<16xf32>,
      %gather3A_100 = tpu.vector_load_idx %arg14[%broadcast_in_dim3A] : memref<4096xf32, #tpu.memory_space<vmem>>[vector<16xi32>], vector<16xf32>,
      %gather3A_101 = tpu.vector_load_idx %arg15[%broadcast_in_dim3A] : memref<4096xf32, #tpu.memory_space<vmem>>[vector<16xi32>], vector<16xf32>,
      %while3A = arith.constant 0 : i32
      %while3A_102 = arith.constant 0 : i32
      %while3A_103:2 = scf.while (%while3A_138 = %while3A, %while3A_139 = %while3A_102) : (i32, i32) -> (i32, i32) {
        %lt3A_140 = arith.constant 16 : i32
        %lt3A_141 = arith.cmpi slt, %while3A_139, %lt3A_140 : i32
        %lt3A_142 = arith.constant 256 : i32
        %lt3A_143 = arith.cmpi slt, %while3A_138, %lt3A_142 : i32
        %and3A = arith.andi %lt3A_141, %lt3A_143 : i1
        scf.condition(%and3A) %while3A_138, %while3A_139 : i32, i32
      } do {
      ^bb0(%while3A_138: i32, %while3A_139: i32):
        %mul3A_140 = arith.constant 16 : i32
        %mul3A_141 = arith.muli %while3A_138, %mul3A_140 : i32
        %add3A_142 = vector.broadcast %mul3A_141 : i32 to vector<16xi32>
        %add3A_143 = arith.addi %iota3A, %add3A_142 : vector<16xi32>
        %get3A_144 = arith.index_cast %mul3A_141 : i32 to index
        %get3A_145 = tpu.vector_load %arg13[%get3A_144] {strides = array<i32>} : memref<4096xf32, #tpu.memory_space<vmem>>, vector<16xf32>,
        %sub3A_146 = arith.subf %get3A_145, %gather3A : vector<16xf32>
        %get3A_147 = arith.index_cast %mul3A_141 : i32 to index
        %get3A_148 = tpu.vector_load %arg14[%get3A_147] {strides = array<i32>} : memref<4096xf32, #tpu.memory_space<vmem>>, vector<16xf32>,
        %sub3A_149 = arith.subf %get3A_148, %gather3A_100 : vector<16xf32>
        %get3A_150 = arith.index_cast %mul3A_141 : i32 to index
        %get3A_151 = tpu.vector_load %arg15[%get3A_150] {strides = array<i32>} : memref<4096xf32, #tpu.memory_space<vmem>>, vector<16xf32>,
        %sub3A_152 = arith.subf %get3A_151, %gather3A_101 : vector<16xf32>
        %mul3A_153 = arith.mulf %sub3A_146, %sub3A_146 : vector<16xf32>
        %mul3A_154 = arith.mulf %sub3A_149, %sub3A_149 : vector<16xf32>
        %add3A_155 = arith.addf %mul3A_153, %mul3A_154 : vector<16xf32>
        %mul3A_156 = arith.mulf %sub3A_152, %sub3A_152 : vector<16xf32>
        %add3A_157 = arith.addf %add3A_155, %mul3A_156 : vector<16xf32>
        %le3A = vector.broadcast %scan3A_17 : f32 to vector<16xf32>
        %le3A_158 = arith.cmpf ole, %add3A_157, %le3A : vector<16xf32>
        %swap3A_159 = arith.index_cast %while3A_139 : i32 to index
        %swap3A_160 = tpu.vector_load %arg16[%swap3A_159] masked %le3A_158 {strides = array<i32>} : memref<48xi32, #tpu.memory_space<vmem>>, vector<16xi32>, vector<16xi1>
        tpu.vector_store %arg16[%swap3A_159], %add3A_143 masked %le3A_158 {strides = array<i32>} : memref<48xi32, #tpu.memory_space<vmem>>, vector<16xi32>, vector<16xi1>
        %add3A_161 = arith.constant 1 : i32
        %add3A_162 = arith.addi %while3A_138, %add3A_161 : i32
        %convert_element_type3A = arith.extui %le3A_158 : vector<16xi1> to vector<16xi32>
        %reduce_sum3A = arith.constant true
        %reduce_sum3A_163 = vector.broadcast %reduce_sum3A : i1 to vector<16xi1>
        %reduce_sum3A_164 = tpu.scan <sum>, %convert_element_type3A masked %reduce_sum3A_163 : vector<16xi32>, vector<16xi1> -> vector<16xi32>
        %reduce_sum3A_165 = vector.extract %reduce_sum3A_164[15] : i32 from vector<16xi32>
        %add3A_166 = arith.addi %while3A_139, %reduce_sum3A_165 : i32
        scf.yield %add3A_162, %add3A_166 : i32, i32
      }
      %min3A = arith.constant 16 : i32
      %min3A_104 = arith.minsi %while3A_103#1, %min3A : i32
      %get3A = arith.constant 0 : index
      %get3A_105 = tpu.vector_load %arg16[%get3A] {strides = array<i32>} : memref<48xi32, #tpu.memory_space<vmem>>, vector<16xi32>,
      %slice3A = vector.extract_strided_slice %get3A_105 {offsets = [0], sizes = [1], strides = [1]} : vector<16xi32> to vector<1xi32>
      %squeeze3A = vector.extract %slice3A[0] : i32 from vector<1xi32>
      %lt3A = vector.broadcast %min3A_104 : i32 to vector<16xi32>
      %lt3A_106 = arith.cmpi slt, %iota3A, %lt3A : vector<16xi32>
      %broadcast_in_dim3A_107 = vector.broadcast %squeeze3A : i32 to vector<16xi32>
      %select_n3A = arith.select %lt3A_106, %get3A_105, %broadcast_in_dim3A_107 : vector<16xi1>, vector<16xi32>
      %gather3A_108 = tpu.vector_load_idx %arg13[%select_n3A] : memref<4096xf32, #tpu.memory_space<vmem>>[vector<16xi32>], vector<16xf32>,
      %gather3A_109 = tpu.vector_load_idx %arg14[%select_n3A] : memref<4096xf32, #tpu.memory_space<vmem>>[vector<16xi32>], vector<16xf32>,
      %gather3A_110 = tpu.vector_load_idx %arg15[%select_n3A] : memref<4096xf32, #tpu.memory_space<vmem>>[vector<16xi32>], vector<16xf32>,
      %swap3A = arith.index_cast %scan3A_97 : i32 to index
      %swap3A_111 = arith.constant 0 : index
      %swap3A_112 = tpu.vector_load %arg17[%swap3A, %swap3A_111] {strides = array<i32>} : memref<8x16xi32, #tpu.memory_space<vmem>>, vector<16xi32>,
      tpu.vector_store %arg17[%swap3A, %swap3A_111], %select_n3A {strides = array<i32>} : memref<8x16xi32, #tpu.memory_space<vmem>>, vector<16xi32>,
      %sub3A = arith.subf %gather3A_108, %gather3A : vector<16xf32>
      %jit3A = arith.constant 1.000000e+06 : f32
      %broadcast_in_dim3A_113 = vector.broadcast %jit3A : f32 to vector<16xf32>
      %select_n3A_114 = arith.select %lt3A_106, %sub3A, %broadcast_in_dim3A_113 : vector<16xi1>, vector<16xf32>
      %swap3A_115 = arith.index_cast %scan3A_97 : i32 to index
      %swap3A_116 = arith.constant 0 : index
      %swap3A_117 = tpu.vector_load %arg18[%swap3A_115, %swap3A_116] {strides = array<i32>} : memref<8x16xf32, #tpu.memory_space<vmem>>, vector<16xf32>,
      tpu.vector_store %arg18[%swap3A_115, %swap3A_116], %select_n3A_114 {strides = array<i32>} : memref<8x16xf32, #tpu.memory_space<vmem>>, vector<16xf32>,
      %sub3A_118 = arith.subf %gather3A_109, %gather3A_100 : vector<16xf32>
      %jit3A_119 = arith.constant 1.000000e+06 : f32
      %broadcast_in_dim3A_120 = vector.broadcast %jit3A_119 : f32 to vector<16xf32>
      %select_n3A_121 = arith.select %lt3A_106, %sub3A_118, %broadcast_in_dim3A_120 : vector<16xi1>, vector<16xf32>
      %swap3A_122 = arith.index_cast %scan3A_97 : i32 to index
      %swap3A_123 = arith.constant 0 : index
      %swap3A_124 = tpu.vector_load %arg19[%swap3A_122, %swap3A_123] {strides = array<i32>} : memref<8x16xf32, #tpu.memory_space<vmem>>, vector<16xf32>,
      tpu.vector_store %arg19[%swap3A_122, %swap3A_123], %select_n3A_121 {strides = array<i32>} : memref<8x16xf32, #tpu.memory_space<vmem>>, vector<16xf32>,
      %sub3A_125 = arith.subf %gather3A_110, %gather3A_101 : vector<16xf32>
      %jit3A_126 = arith.constant 1.000000e+06 : f32
      %broadcast_in_dim3A_127 = vector.broadcast %jit3A_126 : f32 to vector<16xf32>
      %select_n3A_128 = arith.select %lt3A_106, %sub3A_125, %broadcast_in_dim3A_127 : vector<16xi1>, vector<16xf32>
      %swap3A_129 = arith.index_cast %scan3A_97 : i32 to index
      %swap3A_130 = arith.constant 0 : index
      %swap3A_131 = tpu.vector_load %arg20[%swap3A_129, %swap3A_130] {strides = array<i32>} : memref<8x16xf32, #tpu.memory_space<vmem>>, vector<16xf32>,
      tpu.vector_store %arg20[%swap3A_129, %swap3A_130], %select_n3A_128 {strides = array<i32>} : memref<8x16xf32, #tpu.memory_space<vmem>>, vector<16xf32>,
      %add3A_132 = vector.broadcast %mul3A_0 : i32 to vector<16xi32>
      %add3A_133 = arith.addi %select_n3A, %add3A_132 : vector<16xi32>
      %mul3A_134 = arith.constant 16 : i32
      %mul3A_135 = arith.muli %scan3A_97, %mul3A_134 : i32
      %swap3A_136 = arith.index_cast %mul3A_135 : i32 to index
      %swap3A_137 = tpu.vector_load %arg22[%swap3A_136] {strides = array<i32>} : memref<128xi32, #tpu.memory_space<vmem>>, vector<16xi32>,
      tpu.vector_store %arg22[%swap3A_136], %add3A_133 {strides = array<i32>} : memref<128xi32, #tpu.memory_space<vmem>>, vector<16xi32>,
    }
    %scan3A_22 = arith.constant 8 : i32
    %dma_start3A_23 = arith.constant 0 : i32
    %dma_start3A_24 = arith.constant 0 : i32
    %dma_start3A_25 = tpu.memref_slice %arg5[%dma_start3A_23, %dma_start3A_24] : memref<8192x64xbf16, #tpu.memory_space<hbm>> -> memref<8192x64xbf16, #tpu.memory_space<hbm>>
    tpu.enqueue_indirect_dma source(%dma_start3A_25 : memref<8192x64xbf16, #tpu.memory_space<hbm>>) target(%arg25 : memref<128x64xbf16, #tpu.memory_space<vmem>>) offsets(%arg22 : memref<128xi32, #tpu.memory_space<vmem>>) semaphore(%arg29 : memref<!tpu.dma_semaphore, #tpu.memory_space<semaphore_mem>>)
    %dma_start3A_26 = arith.constant 0 : i32
    %dma_start3A_27 = arith.constant 0 : i32
    %dma_start3A_28 = tpu.memref_slice %arg6[%dma_start3A_26, %dma_start3A_27] : memref<8192x64xbf16, #tpu.memory_space<hbm>> -> memref<8192x64xbf16, #tpu.memory_space<hbm>>
    tpu.enqueue_indirect_dma source(%dma_start3A_28 : memref<8192x64xbf16, #tpu.memory_space<hbm>>) target(%arg26 : memref<128x64xbf16, #tpu.memory_space<vmem>>) offsets(%arg22 : memref<128xi32, #tpu.memory_space<vmem>>) semaphore(%arg30 : memref<!tpu.dma_semaphore, #tpu.memory_space<semaphore_mem>>)
    %add3A_29 = arith.addi %mul3A_0, %mul3A_2 : i32
    %add3A_30 = arith.constant 8 : i32
    %add3A_31 = arith.addi %add3A_29, %add3A_30 : i32
    "tpu.region"() ({
      %run_scoped3A = tpu.sem_alloc : memref<!tpu.dma_semaphore, #tpu.memory_space<semaphore_mem>>
      %dma_start3A_97 = arith.constant 0 : i32
      %dma_start3A_98 = tpu.memref_slice %arg7[%add3A_31, %dma_start3A_97] : memref<8192x16xi32, #tpu.memory_space<hbm>> -> memref<8x16xi32, #tpu.memory_space<hbm>>
      %dma_start3A_99 = arith.constant 0 : i32
      %dma_start3A_100 = tpu.memref_slice %arg7[%add3A_31, %dma_start3A_99] : memref<8192x16xi32, #tpu.memory_space<hbm>> -> memref<8x16xi32, #tpu.memory_space<hbm>>
      tpu.enqueue_dma source(%arg17 : memref<8x16xi32, #tpu.memory_space<vmem>>) target(%dma_start3A_100 : memref<8x16xi32, #tpu.memory_space<hbm>>) target_semaphore(%run_scoped3A : memref<!tpu.dma_semaphore, #tpu.memory_space<semaphore_mem>>)
      %dma_wait3A_101 = arith.constant 0 : i32
      %dma_wait3A_102 = tpu.memref_slice %arg7[%add3A_31, %dma_wait3A_101] : memref<8192x16xi32, #tpu.memory_space<hbm>> -> memref<8x16xi32, #tpu.memory_space<hbm>>
      %dma_wait3A_103 = arith.constant 0 : i32
      %dma_wait3A_104 = tpu.memref_slice %arg7[%add3A_31, %dma_wait3A_103] : memref<8192x16xi32, #tpu.memory_space<hbm>> -> memref<8x16xi32, #tpu.memory_space<hbm>>
      tpu.wait_dma2 semaphore(%run_scoped3A : memref<!tpu.dma_semaphore, #tpu.memory_space<semaphore_mem>>) src(%arg17 : memref<8x16xi32, #tpu.memory_space<vmem>>) dst(%dma_wait3A_104 : memref<8x16xi32, #tpu.memory_space<hbm>>)
      tpu.yield
    }) : () -> ()
    "tpu.region"() ({
      %run_scoped3A = tpu.sem_alloc : memref<!tpu.dma_semaphore, #tpu.memory_space<semaphore_mem>>
      %dma_start3A_97 = arith.constant 0 : i32
      %dma_start3A_98 = tpu.memref_slice %arg8[%add3A_31, %dma_start3A_97] : memref<8192x16xf32, #tpu.memory_space<hbm>> -> memref<8x16xf32, #tpu.memory_space<hbm>>
      %dma_start3A_99 = arith.constant 0 : i32
      %dma_start3A_100 = tpu.memref_slice %arg8[%add3A_31, %dma_start3A_99] : memref<8192x16xf32, #tpu.memory_space<hbm>> -> memref<8x16xf32, #tpu.memory_space<hbm>>
      tpu.enqueue_dma source(%arg18 : memref<8x16xf32, #tpu.memory_space<vmem>>) target(%dma_start3A_100 : memref<8x16xf32, #tpu.memory_space<hbm>>) target_semaphore(%run_scoped3A : memref<!tpu.dma_semaphore, #tpu.memory_space<semaphore_mem>>)
      %dma_wait3A_101 = arith.constant 0 : i32
      %dma_wait3A_102 = tpu.memref_slice %arg8[%add3A_31, %dma_wait3A_101] : memref<8192x16xf32, #tpu.memory_space<hbm>> -> memref<8x16xf32, #tpu.memory_space<hbm>>
      %dma_wait3A_103 = arith.constant 0 : i32
      %dma_wait3A_104 = tpu.memref_slice %arg8[%add3A_31, %dma_wait3A_103] : memref<8192x16xf32, #tpu.memory_space<hbm>> -> memref<8x16xf32, #tpu.memory_space<hbm>>
      tpu.wait_dma2 semaphore(%run_scoped3A : memref<!tpu.dma_semaphore, #tpu.memory_space<semaphore_mem>>) src(%arg18 : memref<8x16xf32, #tpu.memory_space<vmem>>) dst(%dma_wait3A_104 : memref<8x16xf32, #tpu.memory_space<hbm>>)
      tpu.yield
    }) : () -> ()
    "tpu.region"() ({
      %run_scoped3A = tpu.sem_alloc : memref<!tpu.dma_semaphore, #tpu.memory_space<semaphore_mem>>
      %dma_start3A_97 = arith.constant 0 : i32
      %dma_start3A_98 = tpu.memref_slice %arg9[%add3A_31, %dma_start3A_97] : memref<8192x16xf32, #tpu.memory_space<hbm>> -> memref<8x16xf32, #tpu.memory_space<hbm>>
      %dma_start3A_99 = arith.constant 0 : i32
      %dma_start3A_100 = tpu.memref_slice %arg9[%add3A_31, %dma_start3A_99] : memref<8192x16xf32, #tpu.memory_space<hbm>> -> memref<8x16xf32, #tpu.memory_space<hbm>>
      tpu.enqueue_dma source(%arg19 : memref<8x16xf32, #tpu.memory_space<vmem>>) target(%dma_start3A_100 : memref<8x16xf32, #tpu.memory_space<hbm>>) target_semaphore(%run_scoped3A : memref<!tpu.dma_semaphore, #tpu.memory_space<semaphore_mem>>)
      %dma_wait3A_101 = arith.constant 0 : i32
      %dma_wait3A_102 = tpu.memref_slice %arg9[%add3A_31, %dma_wait3A_101] : memref<8192x16xf32, #tpu.memory_space<hbm>> -> memref<8x16xf32, #tpu.memory_space<hbm>>
      %dma_wait3A_103 = arith.constant 0 : i32
      %dma_wait3A_104 = tpu.memref_slice %arg9[%add3A_31, %dma_wait3A_103] : memref<8192x16xf32, #tpu.memory_space<hbm>> -> memref<8x16xf32, #tpu.memory_space<hbm>>
      tpu.wait_dma2 semaphore(%run_scoped3A : memref<!tpu.dma_semaphore, #tpu.memory_space<semaphore_mem>>) src(%arg19 : memref<8x16xf32, #tpu.memory_space<vmem>>) dst(%dma_wait3A_104 : memref<8x16xf32, #tpu.memory_space<hbm>>)
      tpu.yield
    }) : () -> ()
    "tpu.region"() ({
      %run_scoped3A = tpu.sem_alloc : memref<!tpu.dma_semaphore, #tpu.memory_space<semaphore_mem>>
      %dma_start3A_97 = arith.constant 0 : i32
      %dma_start3A_98 = tpu.memref_slice %arg10[%add3A_31, %dma_start3A_97] : memref<8192x16xf32, #tpu.memory_space<hbm>> -> memref<8x16xf32, #tpu.memory_space<hbm>>
      %dma_start3A_99 = arith.constant 0 : i32
      %dma_start3A_100 = tpu.memref_slice %arg10[%add3A_31, %dma_start3A_99] : memref<8192x16xf32, #tpu.memory_space<hbm>> -> memref<8x16xf32, #tpu.memory_space<hbm>>
      tpu.enqueue_dma source(%arg20 : memref<8x16xf32, #tpu.memory_space<vmem>>) target(%dma_start3A_100 : memref<8x16xf32, #tpu.memory_space<hbm>>) target_semaphore(%run_scoped3A : memref<!tpu.dma_semaphore, #tpu.memory_space<semaphore_mem>>)
      %dma_wait3A_101 = arith.constant 0 : i32
      %dma_wait3A_102 = tpu.memref_slice %arg10[%add3A_31, %dma_wait3A_101] : memref<8192x16xf32, #tpu.memory_space<hbm>> -> memref<8x16xf32, #tpu.memory_space<hbm>>
      %dma_wait3A_103 = arith.constant 0 : i32
      %dma_wait3A_104 = tpu.memref_slice %arg10[%add3A_31, %dma_wait3A_103] : memref<8192x16xf32, #tpu.memory_space<hbm>> -> memref<8x16xf32, #tpu.memory_space<hbm>>
      tpu.wait_dma2 semaphore(%run_scoped3A : memref<!tpu.dma_semaphore, #tpu.memory_space<semaphore_mem>>) src(%arg20 : memref<8x16xf32, #tpu.memory_space<vmem>>) dst(%dma_wait3A_104 : memref<8x16xf32, #tpu.memory_space<hbm>>)
      tpu.yield
    }) : () -> ()
    %dma_wait3A = arith.constant 0 : i32
    %dma_wait3A_32 = arith.constant 0 : i32
    %dma_wait3A_33 = tpu.memref_slice %arg5[%dma_wait3A, %dma_wait3A_32] : memref<8192x64xbf16, #tpu.memory_space<hbm>> -> memref<8192x64xbf16, #tpu.memory_space<hbm>>
    tpu.wait_indirect_dma semaphore(%arg27 : memref<!tpu.dma_semaphore, #tpu.memory_space<semaphore_mem>>) src(%dma_wait3A_33 : memref<8192x64xbf16, #tpu.memory_space<hbm>>) dst(%arg23 : memref<128x64xbf16, #tpu.memory_space<vmem>>)
    %dma_wait3A_34 = arith.constant 0 : i32
    %dma_wait3A_35 = arith.constant 0 : i32
    %dma_wait3A_36 = tpu.memref_slice %arg6[%dma_wait3A_34, %dma_wait3A_35] : memref<8192x64xbf16, #tpu.memory_space<hbm>> -> memref<8192x64xbf16, #tpu.memory_space<hbm>>
    tpu.wait_indirect_dma semaphore(%arg28 : memref<!tpu.dma_semaphore, #tpu.memory_space<semaphore_mem>>) src(%dma_wait3A_36 : memref<8192x64xbf16, #tpu.memory_space<hbm>>) dst(%arg24 : memref<128x64xbf16, #tpu.memory_space<vmem>>)
    %add3A_37 = arith.addi %mul3A_0, %mul3A_2 : i32
    %add3A_38 = arith.constant 0 : i32
    %add3A_39 = arith.addi %add3A_37, %add3A_38 : i32
    %mul3A_40 = arith.constant 16 : i32
    %mul3A_41 = arith.muli %add3A_39, %mul3A_40 : i32
    %dma_start3A_42 = arith.constant 0 : i32
    %dma_start3A_43 = tpu.memref_slice %arg11[%mul3A_41, %dma_start3A_42] : memref<131072x64xbf16, #tpu.memory_space<hbm>> -> memref<128x64xbf16, #tpu.memory_space<hbm>>
    %dma_start3A_44 = arith.constant 0 : i32
    %dma_start3A_45 = tpu.memref_slice %arg11[%mul3A_41, %dma_start3A_44] : memref<131072x64xbf16, #tpu.memory_space<hbm>> -> memref<128x64xbf16, #tpu.memory_space<hbm>>
    tpu.enqueue_dma source(%arg23 : memref<128x64xbf16, #tpu.memory_space<vmem>>) target(%dma_start3A_45 : memref<128x64xbf16, #tpu.memory_space<hbm>>) target_semaphore(%arg31 : memref<!tpu.dma_semaphore, #tpu.memory_space<semaphore_mem>>)
    %add3A_46 = arith.addi %mul3A_0, %mul3A_2 : i32
    %add3A_47 = arith.constant 0 : i32
    %add3A_48 = arith.addi %add3A_46, %add3A_47 : i32
    %mul3A_49 = arith.constant 16 : i32
    %mul3A_50 = arith.muli %add3A_48, %mul3A_49 : i32
    %dma_start3A_51 = arith.constant 0 : i32
    %dma_start3A_52 = tpu.memref_slice %arg12[%mul3A_50, %dma_start3A_51] : memref<131072x64xbf16, #tpu.memory_space<hbm>> -> memref<128x64xbf16, #tpu.memory_space<hbm>>
    %dma_start3A_53 = arith.constant 0 : i32
    %dma_start3A_54 = tpu.memref_slice %arg12[%mul3A_50, %dma_start3A_53] : memref<131072x64xbf16, #tpu.memory_space<hbm>> -> memref<128x64xbf16, #tpu.memory_space<hbm>>
    tpu.enqueue_dma source(%arg24 : memref<128x64xbf16, #tpu.memory_space<vmem>>) target(%dma_start3A_54 : memref<128x64xbf16, #tpu.memory_space<hbm>>) target_semaphore(%arg32 : memref<!tpu.dma_semaphore, #tpu.memory_space<semaphore_mem>>)
    %scan3A_55 = arith.constant 6.250000e+00 : f32
    %scan3A_56 = arith.constant 0 : i32
    %scan3A_57 = arith.constant 1 : i32
    %scan3A_58 = arith.constant 15 : i32
    %scan3A_59 = arith.addi %scan3A_57, %scan3A_58 : i32
    %scan3A_60 = arith.constant 1 : i32
    %scan3A_61 = scf.for %scan3A_97 = %scan3A_57 to %scan3A_59 step %scan3A_60 iter_args(%scan3A_98 = %scan3A_56) -> (i32)  : i32 {
      %mul3A_99 = arith.constant 2 : i32
      %mul3A_100 = arith.muli %mul3A_99, %scan3A_97 : i32
      %add3A_101 = arith.constant 1 : i32
      %add3A_102 = arith.addi %mul3A_100, %add3A_101 : i32
      %mul3A_103 = arith.constant 8 : i32
      %mul3A_104 = arith.muli %mul3A_100, %mul3A_103 : i32
      %scan3A_105 = arith.constant 0 : i32
      %scan3A_106 = arith.constant 8 : i32
      %scan3A_107 = arith.addi %scan3A_105, %scan3A_106 : i32
      %scan3A_108 = arith.constant 1 : i32
      scf.for %scan3A_235 = %scan3A_105 to %scan3A_107 step %scan3A_108  : i32 {
        %add3A_236 = arith.addi %mul3A_2, %mul3A_104 : i32
        %add3A_237 = arith.addi %add3A_236, %scan3A_235 : i32
        %broadcast_in_dim3A = vector.broadcast %add3A_237 : i32 to vector<16xi32>
        %gather3A = tpu.vector_load_idx %arg13[%broadcast_in_dim3A] : memref<4096xf32, #tpu.memory_space<vmem>>[vector<16xi32>], vector<16xf32>,
        %gather3A_238 = tpu.vector_load_idx %arg14[%broadcast_in_dim3A] : memref<4096xf32, #tpu.memory_space<vmem>>[vector<16xi32>], vector<16xf32>,
        %gather3A_239 = tpu.vector_load_idx %arg15[%broadcast_in_dim3A] : memref<4096xf32, #tpu.memory_space<vmem>>[vector<16xi32>], vector<16xf32>,
        %while3A = arith.constant 0 : i32
        %while3A_240 = arith.constant 0 : i32
        %while3A_241:2 = scf.while (%while3A_277 = %while3A, %while3A_278 = %while3A_240) : (i32, i32) -> (i32, i32) {
          %lt3A_279 = arith.constant 16 : i32
          %lt3A_280 = arith.cmpi slt, %while3A_278, %lt3A_279 : i32
          %lt3A_281 = arith.constant 256 : i32
          %lt3A_282 = arith.cmpi slt, %while3A_277, %lt3A_281 : i32
          %and3A = arith.andi %lt3A_280, %lt3A_282 : i1
          scf.condition(%and3A) %while3A_277, %while3A_278 : i32, i32
        } do {
        ^bb0(%while3A_277: i32, %while3A_278: i32):
          %mul3A_279 = arith.constant 16 : i32
          %mul3A_280 = arith.muli %while3A_277, %mul3A_279 : i32
          %add3A_281 = vector.broadcast %mul3A_280 : i32 to vector<16xi32>
          %add3A_282 = arith.addi %iota3A, %add3A_281 : vector<16xi32>
          %get3A_283 = arith.index_cast %mul3A_280 : i32 to index
          %get3A_284 = tpu.vector_load %arg13[%get3A_283] {strides = array<i32>} : memref<4096xf32, #tpu.memory_space<vmem>>, vector<16xf32>,
          %sub3A_285 = arith.subf %get3A_284, %gather3A : vector<16xf32>
          %get3A_286 = arith.index_cast %mul3A_280 : i32 to index
          %get3A_287 = tpu.vector_load %arg14[%get3A_286] {strides = array<i32>} : memref<4096xf32, #tpu.memory_space<vmem>>, vector<16xf32>,
          %sub3A_288 = arith.subf %get3A_287, %gather3A_238 : vector<16xf32>
          %get3A_289 = arith.index_cast %mul3A_280 : i32 to index
          %get3A_290 = tpu.vector_load %arg15[%get3A_289] {strides = array<i32>} : memref<4096xf32, #tpu.memory_space<vmem>>, vector<16xf32>,
          %sub3A_291 = arith.subf %get3A_290, %gather3A_239 : vector<16xf32>
          %mul3A_292 = arith.mulf %sub3A_285, %sub3A_285 : vector<16xf32>
          %mul3A_293 = arith.mulf %sub3A_288, %sub3A_288 : vector<16xf32>
          %add3A_294 = arith.addf %mul3A_292, %mul3A_293 : vector<16xf32>
          %mul3A_295 = arith.mulf %sub3A_291, %sub3A_291 : vector<16xf32>
          %add3A_296 = arith.addf %add3A_294, %mul3A_295 : vector<16xf32>
          %le3A = vector.broadcast %scan3A_55 : f32 to vector<16xf32>
          %le3A_297 = arith.cmpf ole, %add3A_296, %le3A : vector<16xf32>
          %swap3A_298 = arith.index_cast %while3A_278 : i32 to index
          %swap3A_299 = tpu.vector_load %arg16[%swap3A_298] masked %le3A_297 {strides = array<i32>} : memref<48xi32, #tpu.memory_space<vmem>>, vector<16xi32>, vector<16xi1>
          tpu.vector_store %arg16[%swap3A_298], %add3A_282 masked %le3A_297 {strides = array<i32>} : memref<48xi32, #tpu.memory_space<vmem>>, vector<16xi32>, vector<16xi1>
          %add3A_300 = arith.constant 1 : i32
          %add3A_301 = arith.addi %while3A_277, %add3A_300 : i32
          %convert_element_type3A = arith.extui %le3A_297 : vector<16xi1> to vector<16xi32>
          %reduce_sum3A = arith.constant true
          %reduce_sum3A_302 = vector.broadcast %reduce_sum3A : i1 to vector<16xi1>
          %reduce_sum3A_303 = tpu.scan <sum>, %convert_element_type3A masked %reduce_sum3A_302 : vector<16xi32>, vector<16xi1> -> vector<16xi32>
          %reduce_sum3A_304 = vector.extract %reduce_sum3A_303[15] : i32 from vector<16xi32>
          %add3A_305 = arith.addi %while3A_278, %reduce_sum3A_304 : i32
          scf.yield %add3A_301, %add3A_305 : i32, i32
        }
        %min3A = arith.constant 16 : i32
        %min3A_242 = arith.minsi %while3A_241#1, %min3A : i32
        %get3A = arith.constant 0 : index
        %get3A_243 = tpu.vector_load %arg16[%get3A] {strides = array<i32>} : memref<48xi32, #tpu.memory_space<vmem>>, vector<16xi32>,
        %slice3A = vector.extract_strided_slice %get3A_243 {offsets = [0], sizes = [1], strides = [1]} : vector<16xi32> to vector<1xi32>
        %squeeze3A = vector.extract %slice3A[0] : i32 from vector<1xi32>
        %lt3A = vector.broadcast %min3A_242 : i32 to vector<16xi32>
        %lt3A_244 = arith.cmpi slt, %iota3A, %lt3A : vector<16xi32>
        %broadcast_in_dim3A_245 = vector.broadcast %squeeze3A : i32 to vector<16xi32>
        %select_n3A = arith.select %lt3A_244, %get3A_243, %broadcast_in_dim3A_245 : vector<16xi1>, vector<16xi32>
        %gather3A_246 = tpu.vector_load_idx %arg13[%select_n3A] : memref<4096xf32, #tpu.memory_space<vmem>>[vector<16xi32>], vector<16xf32>,
        %gather3A_247 = tpu.vector_load_idx %arg14[%select_n3A] : memref<4096xf32, #tpu.memory_space<vmem>>[vector<16xi32>], vector<16xf32>,
        %gather3A_248 = tpu.vector_load_idx %arg15[%select_n3A] : memref<4096xf32, #tpu.memory_space<vmem>>[vector<16xi32>], vector<16xf32>,
        %swap3A = arith.index_cast %scan3A_235 : i32 to index
        %swap3A_249 = arith.constant 0 : index
        %swap3A_250 = tpu.vector_load %arg17[%swap3A, %swap3A_249] {strides = array<i32>} : memref<8x16xi32, #tpu.memory_space<vmem>>, vector<16xi32>,
        tpu.vector_store %arg17[%swap3A, %swap3A_249], %select_n3A {strides = array<i32>} : memref<8x16xi32, #tpu.memory_space<vmem>>, vector<16xi32>,
        %sub3A_251 = arith.subf %gather3A_246, %gather3A : vector<16xf32>
        %jit3A = arith.constant 1.000000e+06 : f32
        %broadcast_in_dim3A_252 = vector.broadcast %jit3A : f32 to vector<16xf32>
        %select_n3A_253 = arith.select %lt3A_244, %sub3A_251, %broadcast_in_dim3A_252 : vector<16xi1>, vector<16xf32>
        %swap3A_254 = arith.index_cast %scan3A_235 : i32 to index
        %swap3A_255 = arith.constant 0 : index
        %swap3A_256 = tpu.vector_load %arg18[%swap3A_254, %swap3A_255] {strides = array<i32>} : memref<8x16xf32, #tpu.memory_space<vmem>>, vector<16xf32>,
        tpu.vector_store %arg18[%swap3A_254, %swap3A_255], %select_n3A_253 {strides = array<i32>} : memref<8x16xf32, #tpu.memory_space<vmem>>, vector<16xf32>,
        %sub3A_257 = arith.subf %gather3A_247, %gather3A_238 : vector<16xf32>
        %jit3A_258 = arith.constant 1.000000e+06 : f32
        %broadcast_in_dim3A_259 = vector.broadcast %jit3A_258 : f32 to vector<16xf32>
        %select_n3A_260 = arith.select %lt3A_244, %sub3A_257, %broadcast_in_dim3A_259 : vector<16xi1>, vector<16xf32>
        %swap3A_261 = arith.index_cast %scan3A_235 : i32 to index
        %swap3A_262 = arith.constant 0 : index
        %swap3A_263 = tpu.vector_load %arg19[%swap3A_261, %swap3A_262] {strides = array<i32>} : memref<8x16xf32, #tpu.memory_space<vmem>>, vector<16xf32>,
        tpu.vector_store %arg19[%swap3A_261, %swap3A_262], %select_n3A_260 {strides = array<i32>} : memref<8x16xf32, #tpu.memory_space<vmem>>, vector<16xf32>,
        %sub3A_264 = arith.subf %gather3A_248, %gather3A_239 : vector<16xf32>
        %jit3A_265 = arith.constant 1.000000e+06 : f32
        %broadcast_in_dim3A_266 = vector.broadcast %jit3A_265 : f32 to vector<16xf32>
        %select_n3A_267 = arith.select %lt3A_244, %sub3A_264, %broadcast_in_dim3A_266 : vector<16xi1>, vector<16xf32>
        %swap3A_268 = arith.index_cast %scan3A_235 : i32 to index
        %swap3A_269 = arith.constant 0 : index
        %swap3A_270 = tpu.vector_load %arg20[%swap3A_268, %swap3A_269] {strides = array<i32>} : memref<8x16xf32, #tpu.memory_space<vmem>>, vector<16xf32>,
        tpu.vector_store %arg20[%swap3A_268, %swap3A_269], %select_n3A_267 {strides = array<i32>} : memref<8x16xf32, #tpu.memory_space<vmem>>, vector<16xf32>,
        %add3A_271 = vector.broadcast %mul3A_0 : i32 to vector<16xi32>
        %add3A_272 = arith.addi %select_n3A, %add3A_271 : vector<16xi32>
        %mul3A_273 = arith.constant 16 : i32
        %mul3A_274 = arith.muli %scan3A_235, %mul3A_273 : i32
        %swap3A_275 = arith.index_cast %mul3A_274 : i32 to index
        %swap3A_276 = tpu.vector_load %arg21[%swap3A_275] {strides = array<i32>} : memref<128xi32, #tpu.memory_space<vmem>>, vector<16xi32>,
        tpu.vector_store %arg21[%swap3A_275], %add3A_272 {strides = array<i32>} : memref<128xi32, #tpu.memory_space<vmem>>, vector<16xi32>,
      }
      %scan3A_109 = arith.constant 8 : i32
      %sub3A = arith.constant 2 : i32
      %sub3A_110 = arith.subi %mul3A_100, %sub3A : i32
      %add3A_111 = arith.addi %mul3A_0, %mul3A_2 : i32
      %mul3A_112 = arith.constant 8 : i32
      %mul3A_113 = arith.muli %sub3A_110, %mul3A_112 : i32
      %add3A_114 = arith.addi %add3A_111, %mul3A_113 : i32
      %mul3A_115 = arith.constant 16 : i32
      %mul3A_116 = arith.muli %add3A_114, %mul3A_115 : i32
      %dma_wait3A_117 = arith.constant 0 : i32
      %dma_wait3A_118 = tpu.memref_slice %arg11[%mul3A_116, %dma_wait3A_117] : memref<131072x64xbf16, #tpu.memory_space<hbm>> -> memref<128x64xbf16, #tpu.memory_space<hbm>>
      %dma_wait3A_119 = arith.constant 0 : i32
      %dma_wait3A_120 = tpu.memref_slice %arg11[%mul3A_116, %dma_wait3A_119] : memref<131072x64xbf16, #tpu.memory_space<hbm>> -> memref<128x64xbf16, #tpu.memory_space<hbm>>
      tpu.wait_dma2 semaphore(%arg31 : memref<!tpu.dma_semaphore, #tpu.memory_space<semaphore_mem>>) src(%arg23 : memref<128x64xbf16, #tpu.memory_space<vmem>>) dst(%dma_wait3A_120 : memref<128x64xbf16, #tpu.memory_space<hbm>>)
      %add3A_121 = arith.addi %mul3A_0, %mul3A_2 : i32
      %mul3A_122 = arith.constant 8 : i32
      %mul3A_123 = arith.muli %sub3A_110, %mul3A_122 : i32
      %add3A_124 = arith.addi %add3A_121, %mul3A_123 : i32
      %mul3A_125 = arith.constant 16 : i32
      %mul3A_126 = arith.muli %add3A_124, %mul3A_125 : i32
      %dma_wait3A_127 = arith.constant 0 : i32
      %dma_wait3A_128 = tpu.memref_slice %arg12[%mul3A_126, %dma_wait3A_127] : memref<131072x64xbf16, #tpu.memory_space<hbm>> -> memref<128x64xbf16, #tpu.memory_space<hbm>>
      %dma_wait3A_129 = arith.constant 0 : i32
      %dma_wait3A_130 = tpu.memref_slice %arg12[%mul3A_126, %dma_wait3A_129] : memref<131072x64xbf16, #tpu.memory_space<hbm>> -> memref<128x64xbf16, #tpu.memory_space<hbm>>
      tpu.wait_dma2 semaphore(%arg32 : memref<!tpu.dma_semaphore, #tpu.memory_space<semaphore_mem>>) src(%arg24 : memref<128x64xbf16, #tpu.memory_space<vmem>>) dst(%dma_wait3A_130 : memref<128x64xbf16, #tpu.memory_space<hbm>>)
      %dma_start3A_131 = arith.constant 0 : i32
      %dma_start3A_132 = arith.constant 0 : i32
      %dma_start3A_133 = tpu.memref_slice %arg5[%dma_start3A_131, %dma_start3A_132] : memref<8192x64xbf16, #tpu.memory_space<hbm>> -> memref<8192x64xbf16, #tpu.memory_space<hbm>>
      tpu.enqueue_indirect_dma source(%dma_start3A_133 : memref<8192x64xbf16, #tpu.memory_space<hbm>>) target(%arg23 : memref<128x64xbf16, #tpu.memory_space<vmem>>) offsets(%arg21 : memref<128xi32, #tpu.memory_space<vmem>>) semaphore(%arg27 : memref<!tpu.dma_semaphore, #tpu.memory_space<semaphore_mem>>)
      %dma_start3A_134 = arith.constant 0 : i32
      %dma_start3A_135 = arith.constant 0 : i32
      %dma_start3A_136 = tpu.memref_slice %arg6[%dma_start3A_134, %dma_start3A_135] : memref<8192x64xbf16, #tpu.memory_space<hbm>> -> memref<8192x64xbf16, #tpu.memory_space<hbm>>
      tpu.enqueue_indirect_dma source(%dma_start3A_136 : memref<8192x64xbf16, #tpu.memory_space<hbm>>) target(%arg24 : memref<128x64xbf16, #tpu.memory_space<vmem>>) offsets(%arg21 : memref<128xi32, #tpu.memory_space<vmem>>) semaphore(%arg28 : memref<!tpu.dma_semaphore, #tpu.memory_space<semaphore_mem>>)
      %add3A_137 = arith.addi %mul3A_0, %mul3A_2 : i32
      %mul3A_138 = arith.constant 8 : i32
      %mul3A_139 = arith.muli %mul3A_100, %mul3A_138 : i32
      %add3A_140 = arith.addi %add3A_137, %mul3A_139 : i32
      "tpu.region"() ({
        %run_scoped3A = tpu.sem_alloc : memref<!tpu.dma_semaphore, #tpu.memory_space<semaphore_mem>>
        %dma_start3A_235 = arith.constant 0 : i32
        %dma_start3A_236 = tpu.memref_slice %arg7[%add3A_140, %dma_start3A_235] : memref<8192x16xi32, #tpu.memory_space<hbm>> -> memref<8x16xi32, #tpu.memory_space<hbm>>
        %dma_start3A_237 = arith.constant 0 : i32
        %dma_start3A_238 = tpu.memref_slice %arg7[%add3A_140, %dma_start3A_237] : memref<8192x16xi32, #tpu.memory_space<hbm>> -> memref<8x16xi32, #tpu.memory_space<hbm>>
        tpu.enqueue_dma source(%arg17 : memref<8x16xi32, #tpu.memory_space<vmem>>) target(%dma_start3A_238 : memref<8x16xi32, #tpu.memory_space<hbm>>) target_semaphore(%run_scoped3A : memref<!tpu.dma_semaphore, #tpu.memory_space<semaphore_mem>>)
        %dma_wait3A_239 = arith.constant 0 : i32
        %dma_wait3A_240 = tpu.memref_slice %arg7[%add3A_140, %dma_wait3A_239] : memref<8192x16xi32, #tpu.memory_space<hbm>> -> memref<8x16xi32, #tpu.memory_space<hbm>>
        %dma_wait3A_241 = arith.constant 0 : i32
        %dma_wait3A_242 = tpu.memref_slice %arg7[%add3A_140, %dma_wait3A_241] : memref<8192x16xi32, #tpu.memory_space<hbm>> -> memref<8x16xi32, #tpu.memory_space<hbm>>
        tpu.wait_dma2 semaphore(%run_scoped3A : memref<!tpu.dma_semaphore, #tpu.memory_space<semaphore_mem>>) src(%arg17 : memref<8x16xi32, #tpu.memory_space<vmem>>) dst(%dma_wait3A_242 : memref<8x16xi32, #tpu.memory_space<hbm>>)
        tpu.yield
      }) : () -> ()
      "tpu.region"() ({
        %run_scoped3A = tpu.sem_alloc : memref<!tpu.dma_semaphore, #tpu.memory_space<semaphore_mem>>
        %dma_start3A_235 = arith.constant 0 : i32
        %dma_start3A_236 = tpu.memref_slice %arg8[%add3A_140, %dma_start3A_235] : memref<8192x16xf32, #tpu.memory_space<hbm>> -> memref<8x16xf32, #tpu.memory_space<hbm>>
        %dma_start3A_237 = arith.constant 0 : i32
        %dma_start3A_238 = tpu.memref_slice %arg8[%add3A_140, %dma_start3A_237] : memref<8192x16xf32, #tpu.memory_space<hbm>> -> memref<8x16xf32, #tpu.memory_space<hbm>>
        tpu.enqueue_dma source(%arg18 : memref<8x16xf32, #tpu.memory_space<vmem>>) target(%dma_start3A_238 : memref<8x16xf32, #tpu.memory_space<hbm>>) target_semaphore(%run_scoped3A : memref<!tpu.dma_semaphore, #tpu.memory_space<semaphore_mem>>)
        %dma_wait3A_239 = arith.constant 0 : i32
        %dma_wait3A_240 = tpu.memref_slice %arg8[%add3A_140, %dma_wait3A_239] : memref<8192x16xf32, #tpu.memory_space<hbm>> -> memref<8x16xf32, #tpu.memory_space<hbm>>
        %dma_wait3A_241 = arith.constant 0 : i32
        %dma_wait3A_242 = tpu.memref_slice %arg8[%add3A_140, %dma_wait3A_241] : memref<8192x16xf32, #tpu.memory_space<hbm>> -> memref<8x16xf32, #tpu.memory_space<hbm>>
        tpu.wait_dma2 semaphore(%run_scoped3A : memref<!tpu.dma_semaphore, #tpu.memory_space<semaphore_mem>>) src(%arg18 : memref<8x16xf32, #tpu.memory_space<vmem>>) dst(%dma_wait3A_242 : memref<8x16xf32, #tpu.memory_space<hbm>>)
        tpu.yield
      }) : () -> ()
      "tpu.region"() ({
        %run_scoped3A = tpu.sem_alloc : memref<!tpu.dma_semaphore, #tpu.memory_space<semaphore_mem>>
        %dma_start3A_235 = arith.constant 0 : i32
        %dma_start3A_236 = tpu.memref_slice %arg9[%add3A_140, %dma_start3A_235] : memref<8192x16xf32, #tpu.memory_space<hbm>> -> memref<8x16xf32, #tpu.memory_space<hbm>>
        %dma_start3A_237 = arith.constant 0 : i32
        %dma_start3A_238 = tpu.memref_slice %arg9[%add3A_140, %dma_start3A_237] : memref<8192x16xf32, #tpu.memory_space<hbm>> -> memref<8x16xf32, #tpu.memory_space<hbm>>
        tpu.enqueue_dma source(%arg19 : memref<8x16xf32, #tpu.memory_space<vmem>>) target(%dma_start3A_238 : memref<8x16xf32, #tpu.memory_space<hbm>>) target_semaphore(%run_scoped3A : memref<!tpu.dma_semaphore, #tpu.memory_space<semaphore_mem>>)
        %dma_wait3A_239 = arith.constant 0 : i32
        %dma_wait3A_240 = tpu.memref_slice %arg9[%add3A_140, %dma_wait3A_239] : memref<8192x16xf32, #tpu.memory_space<hbm>> -> memref<8x16xf32, #tpu.memory_space<hbm>>
        %dma_wait3A_241 = arith.constant 0 : i32
        %dma_wait3A_242 = tpu.memref_slice %arg9[%add3A_140, %dma_wait3A_241] : memref<8192x16xf32, #tpu.memory_space<hbm>> -> memref<8x16xf32, #tpu.memory_space<hbm>>
        tpu.wait_dma2 semaphore(%run_scoped3A : memref<!tpu.dma_semaphore, #tpu.memory_space<semaphore_mem>>) src(%arg19 : memref<8x16xf32, #tpu.memory_space<vmem>>) dst(%dma_wait3A_242 : memref<8x16xf32, #tpu.memory_space<hbm>>)
        tpu.yield
      }) : () -> ()
      "tpu.region"() ({
        %run_scoped3A = tpu.sem_alloc : memref<!tpu.dma_semaphore, #tpu.memory_space<semaphore_mem>>
        %dma_start3A_235 = arith.constant 0 : i32
        %dma_start3A_236 = tpu.memref_slice %arg10[%add3A_140, %dma_start3A_235] : memref<8192x16xf32, #tpu.memory_space<hbm>> -> memref<8x16xf32, #tpu.memory_space<hbm>>
        %dma_start3A_237 = arith.constant 0 : i32
        %dma_start3A_238 = tpu.memref_slice %arg10[%add3A_140, %dma_start3A_237] : memref<8192x16xf32, #tpu.memory_space<hbm>> -> memref<8x16xf32, #tpu.memory_space<hbm>>
        tpu.enqueue_dma source(%arg20 : memref<8x16xf32, #tpu.memory_space<vmem>>) target(%dma_start3A_238 : memref<8x16xf32, #tpu.memory_space<hbm>>) target_semaphore(%run_scoped3A : memref<!tpu.dma_semaphore, #tpu.memory_space<semaphore_mem>>)
        %dma_wait3A_239 = arith.constant 0 : i32
        %dma_wait3A_240 = tpu.memref_slice %arg10[%add3A_140, %dma_wait3A_239] : memref<8192x16xf32, #tpu.memory_space<hbm>> -> memref<8x16xf32, #tpu.memory_space<hbm>>
        %dma_wait3A_241 = arith.constant 0 : i32
        %dma_wait3A_242 = tpu.memref_slice %arg10[%add3A_140, %dma_wait3A_241] : memref<8192x16xf32, #tpu.memory_space<hbm>> -> memref<8x16xf32, #tpu.memory_space<hbm>>
        tpu.wait_dma2 semaphore(%run_scoped3A : memref<!tpu.dma_semaphore, #tpu.memory_space<semaphore_mem>>) src(%arg20 : memref<8x16xf32, #tpu.memory_space<vmem>>) dst(%dma_wait3A_242 : memref<8x16xf32, #tpu.memory_space<hbm>>)
        tpu.yield
      }) : () -> ()
      %dma_wait3A_141 = arith.constant 0 : i32
      %dma_wait3A_142 = arith.constant 0 : i32
      %dma_wait3A_143 = tpu.memref_slice %arg5[%dma_wait3A_141, %dma_wait3A_142] : memref<8192x64xbf16, #tpu.memory_space<hbm>> -> memref<8192x64xbf16, #tpu.memory_space<hbm>>
      tpu.wait_indirect_dma semaphore(%arg29 : memref<!tpu.dma_semaphore, #tpu.memory_space<semaphore_mem>>) src(%dma_wait3A_143 : memref<8192x64xbf16, #tpu.memory_space<hbm>>) dst(%arg25 : memref<128x64xbf16, #tpu.memory_space<vmem>>)
      %dma_wait3A_144 = arith.constant 0 : i32
      %dma_wait3A_145 = arith.constant 0 : i32
      %dma_wait3A_146 = tpu.memref_slice %arg6[%dma_wait3A_144, %dma_wait3A_145] : memref<8192x64xbf16, #tpu.memory_space<hbm>> -> memref<8192x64xbf16, #tpu.memory_space<hbm>>
      tpu.wait_indirect_dma semaphore(%arg30 : memref<!tpu.dma_semaphore, #tpu.memory_space<semaphore_mem>>) src(%dma_wait3A_146 : memref<8192x64xbf16, #tpu.memory_space<hbm>>) dst(%arg26 : memref<128x64xbf16, #tpu.memory_space<vmem>>)
      %sub3A_147 = arith.constant 1 : i32
      %sub3A_148 = arith.subi %mul3A_100, %sub3A_147 : i32
      %add3A_149 = arith.addi %mul3A_0, %mul3A_2 : i32
      %mul3A_150 = arith.constant 8 : i32
      %mul3A_151 = arith.muli %sub3A_148, %mul3A_150 : i32
      %add3A_152 = arith.addi %add3A_149, %mul3A_151 : i32
      %mul3A_153 = arith.constant 16 : i32
      %mul3A_154 = arith.muli %add3A_152, %mul3A_153 : i32
      %dma_start3A_155 = arith.constant 0 : i32
      %dma_start3A_156 = tpu.memref_slice %arg11[%mul3A_154, %dma_start3A_155] : memref<131072x64xbf16, #tpu.memory_space<hbm>> -> memref<128x64xbf16, #tpu.memory_space<hbm>>
      %dma_start3A_157 = arith.constant 0 : i32
      %dma_start3A_158 = tpu.memref_slice %arg11[%mul3A_154, %dma_start3A_157] : memref<131072x64xbf16, #tpu.memory_space<hbm>> -> memref<128x64xbf16, #tpu.memory_space<hbm>>
      tpu.enqueue_dma source(%arg25 : memref<128x64xbf16, #tpu.memory_space<vmem>>) target(%dma_start3A_158 : memref<128x64xbf16, #tpu.memory_space<hbm>>) target_semaphore(%arg33 : memref<!tpu.dma_semaphore, #tpu.memory_space<semaphore_mem>>)
      %add3A_159 = arith.addi %mul3A_0, %mul3A_2 : i32
      %mul3A_160 = arith.constant 8 : i32
      %mul3A_161 = arith.muli %sub3A_148, %mul3A_160 : i32
      %add3A_162 = arith.addi %add3A_159, %mul3A_161 : i32
      %mul3A_163 = arith.constant 16 : i32
      %mul3A_164 = arith.muli %add3A_162, %mul3A_163 : i32
      %dma_start3A_165 = arith.constant 0 : i32
      %dma_start3A_166 = tpu.memref_slice %arg12[%mul3A_164, %dma_start3A_165] : memref<131072x64xbf16, #tpu.memory_space<hbm>> -> memref<128x64xbf16, #tpu.memory_space<hbm>>
      %dma_start3A_167 = arith.constant 0 : i32
      %dma_start3A_168 = tpu.memref_slice %arg12[%mul3A_164, %dma_start3A_167] : memref<131072x64xbf16, #tpu.memory_space<hbm>> -> memref<128x64xbf16, #tpu.memory_space<hbm>>
      tpu.enqueue_dma source(%arg26 : memref<128x64xbf16, #tpu.memory_space<vmem>>) target(%dma_start3A_168 : memref<128x64xbf16, #tpu.memory_space<hbm>>) target_semaphore(%arg34 : memref<!tpu.dma_semaphore, #tpu.memory_space<semaphore_mem>>)
      %mul3A_169 = arith.constant 8 : i32
      %mul3A_170 = arith.muli %add3A_102, %mul3A_169 : i32
      %scan3A_171 = arith.constant 0 : i32
      %scan3A_172 = arith.constant 8 : i32
      %scan3A_173 = arith.addi %scan3A_171, %scan3A_172 : i32
      %scan3A_174 = arith.constant 1 : i32
      scf.for %scan3A_235 = %scan3A_171 to %scan3A_173 step %scan3A_174  : i32 {
        %add3A_236 = arith.addi %mul3A_2, %mul3A_170 : i32
        %add3A_237 = arith.addi %add3A_236, %scan3A_235 : i32
        %broadcast_in_dim3A = vector.broadcast %add3A_237 : i32 to vector<16xi32>
        %gather3A = tpu.vector_load_idx %arg13[%broadcast_in_dim3A] : memref<4096xf32, #tpu.memory_space<vmem>>[vector<16xi32>], vector<16xf32>,
        %gather3A_238 = tpu.vector_load_idx %arg14[%broadcast_in_dim3A] : memref<4096xf32, #tpu.memory_space<vmem>>[vector<16xi32>], vector<16xf32>,
        %gather3A_239 = tpu.vector_load_idx %arg15[%broadcast_in_dim3A] : memref<4096xf32, #tpu.memory_space<vmem>>[vector<16xi32>], vector<16xf32>,
        %while3A = arith.constant 0 : i32
        %while3A_240 = arith.constant 0 : i32
        %while3A_241:2 = scf.while (%while3A_277 = %while3A, %while3A_278 = %while3A_240) : (i32, i32) -> (i32, i32) {
          %lt3A_279 = arith.constant 16 : i32
          %lt3A_280 = arith.cmpi slt, %while3A_278, %lt3A_279 : i32
          %lt3A_281 = arith.constant 256 : i32
          %lt3A_282 = arith.cmpi slt, %while3A_277, %lt3A_281 : i32
          %and3A = arith.andi %lt3A_280, %lt3A_282 : i1
          scf.condition(%and3A) %while3A_277, %while3A_278 : i32, i32
        } do {
        ^bb0(%while3A_277: i32, %while3A_278: i32):
          %mul3A_279 = arith.constant 16 : i32
          %mul3A_280 = arith.muli %while3A_277, %mul3A_279 : i32
          %add3A_281 = vector.broadcast %mul3A_280 : i32 to vector<16xi32>
          %add3A_282 = arith.addi %iota3A, %add3A_281 : vector<16xi32>
          %get3A_283 = arith.index_cast %mul3A_280 : i32 to index
          %get3A_284 = tpu.vector_load %arg13[%get3A_283] {strides = array<i32>} : memref<4096xf32, #tpu.memory_space<vmem>>, vector<16xf32>,
          %sub3A_285 = arith.subf %get3A_284, %gather3A : vector<16xf32>
          %get3A_286 = arith.index_cast %mul3A_280 : i32 to index
          %get3A_287 = tpu.vector_load %arg14[%get3A_286] {strides = array<i32>} : memref<4096xf32, #tpu.memory_space<vmem>>, vector<16xf32>,
          %sub3A_288 = arith.subf %get3A_287, %gather3A_238 : vector<16xf32>
          %get3A_289 = arith.index_cast %mul3A_280 : i32 to index
          %get3A_290 = tpu.vector_load %arg15[%get3A_289] {strides = array<i32>} : memref<4096xf32, #tpu.memory_space<vmem>>, vector<16xf32>,
          %sub3A_291 = arith.subf %get3A_290, %gather3A_239 : vector<16xf32>
          %mul3A_292 = arith.mulf %sub3A_285, %sub3A_285 : vector<16xf32>
          %mul3A_293 = arith.mulf %sub3A_288, %sub3A_288 : vector<16xf32>
          %add3A_294 = arith.addf %mul3A_292, %mul3A_293 : vector<16xf32>
          %mul3A_295 = arith.mulf %sub3A_291, %sub3A_291 : vector<16xf32>
          %add3A_296 = arith.addf %add3A_294, %mul3A_295 : vector<16xf32>
          %le3A = vector.broadcast %scan3A_55 : f32 to vector<16xf32>
          %le3A_297 = arith.cmpf ole, %add3A_296, %le3A : vector<16xf32>
          %swap3A_298 = arith.index_cast %while3A_278 : i32 to index
          %swap3A_299 = tpu.vector_load %arg16[%swap3A_298] masked %le3A_297 {strides = array<i32>} : memref<48xi32, #tpu.memory_space<vmem>>, vector<16xi32>, vector<16xi1>
          tpu.vector_store %arg16[%swap3A_298], %add3A_282 masked %le3A_297 {strides = array<i32>} : memref<48xi32, #tpu.memory_space<vmem>>, vector<16xi32>, vector<16xi1>
          %add3A_300 = arith.constant 1 : i32
          %add3A_301 = arith.addi %while3A_277, %add3A_300 : i32
          %convert_element_type3A = arith.extui %le3A_297 : vector<16xi1> to vector<16xi32>
          %reduce_sum3A = arith.constant true
          %reduce_sum3A_302 = vector.broadcast %reduce_sum3A : i1 to vector<16xi1>
          %reduce_sum3A_303 = tpu.scan <sum>, %convert_element_type3A masked %reduce_sum3A_302 : vector<16xi32>, vector<16xi1> -> vector<16xi32>
          %reduce_sum3A_304 = vector.extract %reduce_sum3A_303[15] : i32 from vector<16xi32>
          %add3A_305 = arith.addi %while3A_278, %reduce_sum3A_304 : i32
          scf.yield %add3A_301, %add3A_305 : i32, i32
        }
        %min3A = arith.constant 16 : i32
        %min3A_242 = arith.minsi %while3A_241#1, %min3A : i32
        %get3A = arith.constant 0 : index
        %get3A_243 = tpu.vector_load %arg16[%get3A] {strides = array<i32>} : memref<48xi32, #tpu.memory_space<vmem>>, vector<16xi32>,
        %slice3A = vector.extract_strided_slice %get3A_243 {offsets = [0], sizes = [1], strides = [1]} : vector<16xi32> to vector<1xi32>
        %squeeze3A = vector.extract %slice3A[0] : i32 from vector<1xi32>
        %lt3A = vector.broadcast %min3A_242 : i32 to vector<16xi32>
        %lt3A_244 = arith.cmpi slt, %iota3A, %lt3A : vector<16xi32>
        %broadcast_in_dim3A_245 = vector.broadcast %squeeze3A : i32 to vector<16xi32>
        %select_n3A = arith.select %lt3A_244, %get3A_243, %broadcast_in_dim3A_245 : vector<16xi1>, vector<16xi32>
        %gather3A_246 = tpu.vector_load_idx %arg13[%select_n3A] : memref<4096xf32, #tpu.memory_space<vmem>>[vector<16xi32>], vector<16xf32>,
        %gather3A_247 = tpu.vector_load_idx %arg14[%select_n3A] : memref<4096xf32, #tpu.memory_space<vmem>>[vector<16xi32>], vector<16xf32>,
        %gather3A_248 = tpu.vector_load_idx %arg15[%select_n3A] : memref<4096xf32, #tpu.memory_space<vmem>>[vector<16xi32>], vector<16xf32>,
        %swap3A = arith.index_cast %scan3A_235 : i32 to index
        %swap3A_249 = arith.constant 0 : index
        %swap3A_250 = tpu.vector_load %arg17[%swap3A, %swap3A_249] {strides = array<i32>} : memref<8x16xi32, #tpu.memory_space<vmem>>, vector<16xi32>,
        tpu.vector_store %arg17[%swap3A, %swap3A_249], %select_n3A {strides = array<i32>} : memref<8x16xi32, #tpu.memory_space<vmem>>, vector<16xi32>,
        %sub3A_251 = arith.subf %gather3A_246, %gather3A : vector<16xf32>
        %jit3A = arith.constant 1.000000e+06 : f32
        %broadcast_in_dim3A_252 = vector.broadcast %jit3A : f32 to vector<16xf32>
        %select_n3A_253 = arith.select %lt3A_244, %sub3A_251, %broadcast_in_dim3A_252 : vector<16xi1>, vector<16xf32>
        %swap3A_254 = arith.index_cast %scan3A_235 : i32 to index
        %swap3A_255 = arith.constant 0 : index
        %swap3A_256 = tpu.vector_load %arg18[%swap3A_254, %swap3A_255] {strides = array<i32>} : memref<8x16xf32, #tpu.memory_space<vmem>>, vector<16xf32>,
        tpu.vector_store %arg18[%swap3A_254, %swap3A_255], %select_n3A_253 {strides = array<i32>} : memref<8x16xf32, #tpu.memory_space<vmem>>, vector<16xf32>,
        %sub3A_257 = arith.subf %gather3A_247, %gather3A_238 : vector<16xf32>
        %jit3A_258 = arith.constant 1.000000e+06 : f32
        %broadcast_in_dim3A_259 = vector.broadcast %jit3A_258 : f32 to vector<16xf32>
        %select_n3A_260 = arith.select %lt3A_244, %sub3A_257, %broadcast_in_dim3A_259 : vector<16xi1>, vector<16xf32>
        %swap3A_261 = arith.index_cast %scan3A_235 : i32 to index
        %swap3A_262 = arith.constant 0 : index
        %swap3A_263 = tpu.vector_load %arg19[%swap3A_261, %swap3A_262] {strides = array<i32>} : memref<8x16xf32, #tpu.memory_space<vmem>>, vector<16xf32>,
        tpu.vector_store %arg19[%swap3A_261, %swap3A_262], %select_n3A_260 {strides = array<i32>} : memref<8x16xf32, #tpu.memory_space<vmem>>, vector<16xf32>,
        %sub3A_264 = arith.subf %gather3A_248, %gather3A_239 : vector<16xf32>
        %jit3A_265 = arith.constant 1.000000e+06 : f32
        %broadcast_in_dim3A_266 = vector.broadcast %jit3A_265 : f32 to vector<16xf32>
        %select_n3A_267 = arith.select %lt3A_244, %sub3A_264, %broadcast_in_dim3A_266 : vector<16xi1>, vector<16xf32>
        %swap3A_268 = arith.index_cast %scan3A_235 : i32 to index
        %swap3A_269 = arith.constant 0 : index
        %swap3A_270 = tpu.vector_load %arg20[%swap3A_268, %swap3A_269] {strides = array<i32>} : memref<8x16xf32, #tpu.memory_space<vmem>>, vector<16xf32>,
        tpu.vector_store %arg20[%swap3A_268, %swap3A_269], %select_n3A_267 {strides = array<i32>} : memref<8x16xf32, #tpu.memory_space<vmem>>, vector<16xf32>,
        %add3A_271 = vector.broadcast %mul3A_0 : i32 to vector<16xi32>
        %add3A_272 = arith.addi %select_n3A, %add3A_271 : vector<16xi32>
        %mul3A_273 = arith.constant 16 : i32
        %mul3A_274 = arith.muli %scan3A_235, %mul3A_273 : i32
        %swap3A_275 = arith.index_cast %mul3A_274 : i32 to index
        %swap3A_276 = tpu.vector_load %arg22[%swap3A_275] {strides = array<i32>} : memref<128xi32, #tpu.memory_space<vmem>>, vector<16xi32>,
        tpu.vector_store %arg22[%swap3A_275], %add3A_272 {strides = array<i32>} : memref<128xi32, #tpu.memory_space<vmem>>, vector<16xi32>,
      }
      %scan3A_175 = arith.constant 8 : i32
      %sub3A_176 = arith.constant 1 : i32
      %sub3A_177 = arith.subi %mul3A_100, %sub3A_176 : i32
      %add3A_178 = arith.addi %mul3A_0, %mul3A_2 : i32
      %mul3A_179 = arith.constant 8 : i32
      %mul3A_180 = arith.muli %sub3A_177, %mul3A_179 : i32
      %add3A_181 = arith.addi %add3A_178, %mul3A_180 : i32
      %mul3A_182 = arith.constant 16 : i32
      %mul3A_183 = arith.muli %add3A_181, %mul3A_182 : i32
      %dma_wait3A_184 = arith.constant 0 : i32
      %dma_wait3A_185 = tpu.memref_slice %arg11[%mul3A_183, %dma_wait3A_184] : memref<131072x64xbf16, #tpu.memory_space<hbm>> -> memref<128x64xbf16, #tpu.memory_space<hbm>>
      %dma_wait3A_186 = arith.constant 0 : i32
      %dma_wait3A_187 = tpu.memref_slice %arg11[%mul3A_183, %dma_wait3A_186] : memref<131072x64xbf16, #tpu.memory_space<hbm>> -> memref<128x64xbf16, #tpu.memory_space<hbm>>
      tpu.wait_dma2 semaphore(%arg33 : memref<!tpu.dma_semaphore, #tpu.memory_space<semaphore_mem>>) src(%arg25 : memref<128x64xbf16, #tpu.memory_space<vmem>>) dst(%dma_wait3A_187 : memref<128x64xbf16, #tpu.memory_space<hbm>>)
      %add3A_188 = arith.addi %mul3A_0, %mul3A_2 : i32
      %mul3A_189 = arith.constant 8 : i32
      %mul3A_190 = arith.muli %sub3A_177, %mul3A_189 : i32
      %add3A_191 = arith.addi %add3A_188, %mul3A_190 : i32
      %mul3A_192 = arith.constant 16 : i32
      %mul3A_193 = arith.muli %add3A_191, %mul3A_192 : i32
      %dma_wait3A_194 = arith.constant 0 : i32
      %dma_wait3A_195 = tpu.memref_slice %arg12[%mul3A_193, %dma_wait3A_194] : memref<131072x64xbf16, #tpu.memory_space<hbm>> -> memref<128x64xbf16, #tpu.memory_space<hbm>>
      %dma_wait3A_196 = arith.constant 0 : i32
      %dma_wait3A_197 = tpu.memref_slice %arg12[%mul3A_193, %dma_wait3A_196] : memref<131072x64xbf16, #tpu.memory_space<hbm>> -> memref<128x64xbf16, #tpu.memory_space<hbm>>
      tpu.wait_dma2 semaphore(%arg34 : memref<!tpu.dma_semaphore, #tpu.memory_space<semaphore_mem>>) src(%arg26 : memref<128x64xbf16, #tpu.memory_space<vmem>>) dst(%dma_wait3A_197 : memref<128x64xbf16, #tpu.memory_space<hbm>>)
      %dma_start3A_198 = arith.constant 0 : i32
      %dma_start3A_199 = arith.constant 0 : i32
      %dma_start3A_200 = tpu.memref_slice %arg5[%dma_start3A_198, %dma_start3A_199] : memref<8192x64xbf16, #tpu.memory_space<hbm>> -> memref<8192x64xbf16, #tpu.memory_space<hbm>>
      tpu.enqueue_indirect_dma source(%dma_start3A_200 : memref<8192x64xbf16, #tpu.memory_space<hbm>>) target(%arg25 : memref<128x64xbf16, #tpu.memory_space<vmem>>) offsets(%arg22 : memref<128xi32, #tpu.memory_space<vmem>>) semaphore(%arg29 : memref<!tpu.dma_semaphore, #tpu.memory_space<semaphore_mem>>)
      %dma_start3A_201 = arith.constant 0 : i32
      %dma_start3A_202 = arith.constant 0 : i32
      %dma_start3A_203 = tpu.memref_slice %arg6[%dma_start3A_201, %dma_start3A_202] : memref<8192x64xbf16, #tpu.memory_space<hbm>> -> memref<8192x64xbf16, #tpu.memory_space<hbm>>
      tpu.enqueue_indirect_dma source(%dma_start3A_203 : memref<8192x64xbf16, #tpu.memory_space<hbm>>) target(%arg26 : memref<128x64xbf16, #tpu.memory_space<vmem>>) offsets(%arg22 : memref<128xi32, #tpu.memory_space<vmem>>) semaphore(%arg30 : memref<!tpu.dma_semaphore, #tpu.memory_space<semaphore_mem>>)
      %add3A_204 = arith.addi %mul3A_0, %mul3A_2 : i32
      %mul3A_205 = arith.constant 8 : i32
      %mul3A_206 = arith.muli %add3A_102, %mul3A_205 : i32
      %add3A_207 = arith.addi %add3A_204, %mul3A_206 : i32
      "tpu.region"() ({
        %run_scoped3A = tpu.sem_alloc : memref<!tpu.dma_semaphore, #tpu.memory_space<semaphore_mem>>
        %dma_start3A_235 = arith.constant 0 : i32
        %dma_start3A_236 = tpu.memref_slice %arg7[%add3A_207, %dma_start3A_235] : memref<8192x16xi32, #tpu.memory_space<hbm>> -> memref<8x16xi32, #tpu.memory_space<hbm>>
        %dma_start3A_237 = arith.constant 0 : i32
        %dma_start3A_238 = tpu.memref_slice %arg7[%add3A_207, %dma_start3A_237] : memref<8192x16xi32, #tpu.memory_space<hbm>> -> memref<8x16xi32, #tpu.memory_space<hbm>>
        tpu.enqueue_dma source(%arg17 : memref<8x16xi32, #tpu.memory_space<vmem>>) target(%dma_start3A_238 : memref<8x16xi32, #tpu.memory_space<hbm>>) target_semaphore(%run_scoped3A : memref<!tpu.dma_semaphore, #tpu.memory_space<semaphore_mem>>)
        %dma_wait3A_239 = arith.constant 0 : i32
        %dma_wait3A_240 = tpu.memref_slice %arg7[%add3A_207, %dma_wait3A_239] : memref<8192x16xi32, #tpu.memory_space<hbm>> -> memref<8x16xi32, #tpu.memory_space<hbm>>
        %dma_wait3A_241 = arith.constant 0 : i32
        %dma_wait3A_242 = tpu.memref_slice %arg7[%add3A_207, %dma_wait3A_241] : memref<8192x16xi32, #tpu.memory_space<hbm>> -> memref<8x16xi32, #tpu.memory_space<hbm>>
        tpu.wait_dma2 semaphore(%run_scoped3A : memref<!tpu.dma_semaphore, #tpu.memory_space<semaphore_mem>>) src(%arg17 : memref<8x16xi32, #tpu.memory_space<vmem>>) dst(%dma_wait3A_242 : memref<8x16xi32, #tpu.memory_space<hbm>>)
        tpu.yield
      }) : () -> ()
      "tpu.region"() ({
        %run_scoped3A = tpu.sem_alloc : memref<!tpu.dma_semaphore, #tpu.memory_space<semaphore_mem>>
        %dma_start3A_235 = arith.constant 0 : i32
        %dma_start3A_236 = tpu.memref_slice %arg8[%add3A_207, %dma_start3A_235] : memref<8192x16xf32, #tpu.memory_space<hbm>> -> memref<8x16xf32, #tpu.memory_space<hbm>>
        %dma_start3A_237 = arith.constant 0 : i32
        %dma_start3A_238 = tpu.memref_slice %arg8[%add3A_207, %dma_start3A_237] : memref<8192x16xf32, #tpu.memory_space<hbm>> -> memref<8x16xf32, #tpu.memory_space<hbm>>
        tpu.enqueue_dma source(%arg18 : memref<8x16xf32, #tpu.memory_space<vmem>>) target(%dma_start3A_238 : memref<8x16xf32, #tpu.memory_space<hbm>>) target_semaphore(%run_scoped3A : memref<!tpu.dma_semaphore, #tpu.memory_space<semaphore_mem>>)
        %dma_wait3A_239 = arith.constant 0 : i32
        %dma_wait3A_240 = tpu.memref_slice %arg8[%add3A_207, %dma_wait3A_239] : memref<8192x16xf32, #tpu.memory_space<hbm>> -> memref<8x16xf32, #tpu.memory_space<hbm>>
        %dma_wait3A_241 = arith.constant 0 : i32
        %dma_wait3A_242 = tpu.memref_slice %arg8[%add3A_207, %dma_wait3A_241] : memref<8192x16xf32, #tpu.memory_space<hbm>> -> memref<8x16xf32, #tpu.memory_space<hbm>>
        tpu.wait_dma2 semaphore(%run_scoped3A : memref<!tpu.dma_semaphore, #tpu.memory_space<semaphore_mem>>) src(%arg18 : memref<8x16xf32, #tpu.memory_space<vmem>>) dst(%dma_wait3A_242 : memref<8x16xf32, #tpu.memory_space<hbm>>)
        tpu.yield
      }) : () -> ()
      "tpu.region"() ({
        %run_scoped3A = tpu.sem_alloc : memref<!tpu.dma_semaphore, #tpu.memory_space<semaphore_mem>>
        %dma_start3A_235 = arith.constant 0 : i32
        %dma_start3A_236 = tpu.memref_slice %arg9[%add3A_207, %dma_start3A_235] : memref<8192x16xf32, #tpu.memory_space<hbm>> -> memref<8x16xf32, #tpu.memory_space<hbm>>
        %dma_start3A_237 = arith.constant 0 : i32
        %dma_start3A_238 = tpu.memref_slice %arg9[%add3A_207, %dma_start3A_237] : memref<8192x16xf32, #tpu.memory_space<hbm>> -> memref<8x16xf32, #tpu.memory_space<hbm>>
        tpu.enqueue_dma source(%arg19 : memref<8x16xf32, #tpu.memory_space<vmem>>) target(%dma_start3A_238 : memref<8x16xf32, #tpu.memory_space<hbm>>) target_semaphore(%run_scoped3A : memref<!tpu.dma_semaphore, #tpu.memory_space<semaphore_mem>>)
        %dma_wait3A_239 = arith.constant 0 : i32
        %dma_wait3A_240 = tpu.memref_slice %arg9[%add3A_207, %dma_wait3A_239] : memref<8192x16xf32, #tpu.memory_space<hbm>> -> memref<8x16xf32, #tpu.memory_space<hbm>>
        %dma_wait3A_241 = arith.constant 0 : i32
        %dma_wait3A_242 = tpu.memref_slice %arg9[%add3A_207, %dma_wait3A_241] : memref<8192x16xf32, #tpu.memory_space<hbm>> -> memref<8x16xf32, #tpu.memory_space<hbm>>
        tpu.wait_dma2 semaphore(%run_scoped3A : memref<!tpu.dma_semaphore, #tpu.memory_space<semaphore_mem>>) src(%arg19 : memref<8x16xf32, #tpu.memory_space<vmem>>) dst(%dma_wait3A_242 : memref<8x16xf32, #tpu.memory_space<hbm>>)
        tpu.yield
      }) : () -> ()
      "tpu.region"() ({
        %run_scoped3A = tpu.sem_alloc : memref<!tpu.dma_semaphore, #tpu.memory_space<semaphore_mem>>
        %dma_start3A_235 = arith.constant 0 : i32
        %dma_start3A_236 = tpu.memref_slice %arg10[%add3A_207, %dma_start3A_235] : memref<8192x16xf32, #tpu.memory_space<hbm>> -> memref<8x16xf32, #tpu.memory_space<hbm>>
        %dma_start3A_237 = arith.constant 0 : i32
        %dma_start3A_238 = tpu.memref_slice %arg10[%add3A_207, %dma_start3A_237] : memref<8192x16xf32, #tpu.memory_space<hbm>> -> memref<8x16xf32, #tpu.memory_space<hbm>>
        tpu.enqueue_dma source(%arg20 : memref<8x16xf32, #tpu.memory_space<vmem>>) target(%dma_start3A_238 : memref<8x16xf32, #tpu.memory_space<hbm>>) target_semaphore(%run_scoped3A : memref<!tpu.dma_semaphore, #tpu.memory_space<semaphore_mem>>)
        %dma_wait3A_239 = arith.constant 0 : i32
        %dma_wait3A_240 = tpu.memref_slice %arg10[%add3A_207, %dma_wait3A_239] : memref<8192x16xf32, #tpu.memory_space<hbm>> -> memref<8x16xf32, #tpu.memory_space<hbm>>
        %dma_wait3A_241 = arith.constant 0 : i32
        %dma_wait3A_242 = tpu.memref_slice %arg10[%add3A_207, %dma_wait3A_241] : memref<8192x16xf32, #tpu.memory_space<hbm>> -> memref<8x16xf32, #tpu.memory_space<hbm>>
        tpu.wait_dma2 semaphore(%run_scoped3A : memref<!tpu.dma_semaphore, #tpu.memory_space<semaphore_mem>>) src(%arg20 : memref<8x16xf32, #tpu.memory_space<vmem>>) dst(%dma_wait3A_242 : memref<8x16xf32, #tpu.memory_space<hbm>>)
        tpu.yield
      }) : () -> ()
      %dma_wait3A_208 = arith.constant 0 : i32
      %dma_wait3A_209 = arith.constant 0 : i32
      %dma_wait3A_210 = tpu.memref_slice %arg5[%dma_wait3A_208, %dma_wait3A_209] : memref<8192x64xbf16, #tpu.memory_space<hbm>> -> memref<8192x64xbf16, #tpu.memory_space<hbm>>
      tpu.wait_indirect_dma semaphore(%arg27 : memref<!tpu.dma_semaphore, #tpu.memory_space<semaphore_mem>>) src(%dma_wait3A_210 : memref<8192x64xbf16, #tpu.memory_space<hbm>>) dst(%arg23 : memref<128x64xbf16, #tpu.memory_space<vmem>>)
      %dma_wait3A_211 = arith.constant 0 : i32
      %dma_wait3A_212 = arith.constant 0 : i32
      %dma_wait3A_213 = tpu.memref_slice %arg6[%dma_wait3A_211, %dma_wait3A_212] : memref<8192x64xbf16, #tpu.memory_space<hbm>> -> memref<8192x64xbf16, #tpu.memory_space<hbm>>
      tpu.wait_indirect_dma semaphore(%arg28 : memref<!tpu.dma_semaphore, #tpu.memory_space<semaphore_mem>>) src(%dma_wait3A_213 : memref<8192x64xbf16, #tpu.memory_space<hbm>>) dst(%arg24 : memref<128x64xbf16, #tpu.memory_space<vmem>>)
      %add3A_214 = arith.addi %mul3A_0, %mul3A_2 : i32
      %mul3A_215 = arith.constant 8 : i32
      %mul3A_216 = arith.muli %mul3A_100, %mul3A_215 : i32
      %add3A_217 = arith.addi %add3A_214, %mul3A_216 : i32
      %mul3A_218 = arith.constant 16 : i32
      %mul3A_219 = arith.muli %add3A_217, %mul3A_218 : i32
      %dma_start3A_220 = arith.constant 0 : i32
      %dma_start3A_221 = tpu.memref_slice %arg11[%mul3A_219, %dma_start3A_220] : memref<131072x64xbf16, #tpu.memory_space<hbm>> -> memref<128x64xbf16, #tpu.memory_space<hbm>>
      %dma_start3A_222 = arith.constant 0 : i32
      %dma_start3A_223 = tpu.memref_slice %arg11[%mul3A_219, %dma_start3A_222] : memref<131072x64xbf16, #tpu.memory_space<hbm>> -> memref<128x64xbf16, #tpu.memory_space<hbm>>
      tpu.enqueue_dma source(%arg23 : memref<128x64xbf16, #tpu.memory_space<vmem>>) target(%dma_start3A_223 : memref<128x64xbf16, #tpu.memory_space<hbm>>) target_semaphore(%arg31 : memref<!tpu.dma_semaphore, #tpu.memory_space<semaphore_mem>>)
      %add3A_224 = arith.addi %mul3A_0, %mul3A_2 : i32
      %mul3A_225 = arith.constant 8 : i32
      %mul3A_226 = arith.muli %mul3A_100, %mul3A_225 : i32
      %add3A_227 = arith.addi %add3A_224, %mul3A_226 : i32
      %mul3A_228 = arith.constant 16 : i32
      %mul3A_229 = arith.muli %add3A_227, %mul3A_228 : i32
      %dma_start3A_230 = arith.constant 0 : i32
      %dma_start3A_231 = tpu.memref_slice %arg12[%mul3A_229, %dma_start3A_230] : memref<131072x64xbf16, #tpu.memory_space<hbm>> -> memref<128x64xbf16, #tpu.memory_space<hbm>>
      %dma_start3A_232 = arith.constant 0 : i32
      %dma_start3A_233 = tpu.memref_slice %arg12[%mul3A_229, %dma_start3A_232] : memref<131072x64xbf16, #tpu.memory_space<hbm>> -> memref<128x64xbf16, #tpu.memory_space<hbm>>
      tpu.enqueue_dma source(%arg24 : memref<128x64xbf16, #tpu.memory_space<vmem>>) target(%dma_start3A_233 : memref<128x64xbf16, #tpu.memory_space<hbm>>) target_semaphore(%arg32 : memref<!tpu.dma_semaphore, #tpu.memory_space<semaphore_mem>>)
      %scan3A_234 = arith.constant 0 : i32
      scf.yield %scan3A_234 : i32
    }
    %scan3A_62 = arith.constant 15 : i32
    %dma_wait3A_63 = arith.constant 0 : i32
    %dma_wait3A_64 = arith.constant 0 : i32
    %dma_wait3A_65 = tpu.memref_slice %arg5[%dma_wait3A_63, %dma_wait3A_64] : memref<8192x64xbf16, #tpu.memory_space<hbm>> -> memref<8192x64xbf16, #tpu.memory_space<hbm>>
    tpu.wait_indirect_dma semaphore(%arg29 : memref<!tpu.dma_semaphore, #tpu.memory_space<semaphore_mem>>) src(%dma_wait3A_65 : memref<8192x64xbf16, #tpu.memory_space<hbm>>) dst(%arg25 : memref<128x64xbf16, #tpu.memory_space<vmem>>)
    %dma_wait3A_66 = arith.constant 0 : i32
    %dma_wait3A_67 = arith.constant 0 : i32
    %dma_wait3A_68 = tpu.memref_slice %arg6[%dma_wait3A_66, %dma_wait3A_67] : memref<8192x64xbf16, #tpu.memory_space<hbm>> -> memref<8192x64xbf16, #tpu.memory_space<hbm>>
    tpu.wait_indirect_dma semaphore(%arg30 : memref<!tpu.dma_semaphore, #tpu.memory_space<semaphore_mem>>) src(%dma_wait3A_68 : memref<8192x64xbf16, #tpu.memory_space<hbm>>) dst(%arg26 : memref<128x64xbf16, #tpu.memory_space<vmem>>)
    %add3A_69 = arith.addi %mul3A_0, %mul3A_2 : i32
    %add3A_70 = arith.constant 248 : i32
    %add3A_71 = arith.addi %add3A_69, %add3A_70 : i32
    %mul3A_72 = arith.constant 16 : i32
    %mul3A_73 = arith.muli %add3A_71, %mul3A_72 : i32
    "tpu.region"() ({
      %run_scoped3A = tpu.sem_alloc : memref<!tpu.dma_semaphore, #tpu.memory_space<semaphore_mem>>
      %dma_start3A_97 = arith.constant 0 : i32
      %dma_start3A_98 = tpu.memref_slice %arg11[%mul3A_73, %dma_start3A_97] : memref<131072x64xbf16, #tpu.memory_space<hbm>> -> memref<128x64xbf16, #tpu.memory_space<hbm>>
      %dma_start3A_99 = arith.constant 0 : i32
      %dma_start3A_100 = tpu.memref_slice %arg11[%mul3A_73, %dma_start3A_99] : memref<131072x64xbf16, #tpu.memory_space<hbm>> -> memref<128x64xbf16, #tpu.memory_space<hbm>>
      tpu.enqueue_dma source(%arg25 : memref<128x64xbf16, #tpu.memory_space<vmem>>) target(%dma_start3A_100 : memref<128x64xbf16, #tpu.memory_space<hbm>>) target_semaphore(%run_scoped3A : memref<!tpu.dma_semaphore, #tpu.memory_space<semaphore_mem>>)
      %dma_wait3A_101 = arith.constant 0 : i32
      %dma_wait3A_102 = tpu.memref_slice %arg11[%mul3A_73, %dma_wait3A_101] : memref<131072x64xbf16, #tpu.memory_space<hbm>> -> memref<128x64xbf16, #tpu.memory_space<hbm>>
      %dma_wait3A_103 = arith.constant 0 : i32
      %dma_wait3A_104 = tpu.memref_slice %arg11[%mul3A_73, %dma_wait3A_103] : memref<131072x64xbf16, #tpu.memory_space<hbm>> -> memref<128x64xbf16, #tpu.memory_space<hbm>>
      tpu.wait_dma2 semaphore(%run_scoped3A : memref<!tpu.dma_semaphore, #tpu.memory_space<semaphore_mem>>) src(%arg25 : memref<128x64xbf16, #tpu.memory_space<vmem>>) dst(%dma_wait3A_104 : memref<128x64xbf16, #tpu.memory_space<hbm>>)
      tpu.yield
    }) : () -> ()
    %add3A_74 = arith.addi %mul3A_0, %mul3A_2 : i32
    %add3A_75 = arith.constant 248 : i32
    %add3A_76 = arith.addi %add3A_74, %add3A_75 : i32
    %mul3A_77 = arith.constant 16 : i32
    %mul3A_78 = arith.muli %add3A_76, %mul3A_77 : i32
    "tpu.region"() ({
      %run_scoped3A = tpu.sem_alloc : memref<!tpu.dma_semaphore, #tpu.memory_space<semaphore_mem>>
      %dma_start3A_97 = arith.constant 0 : i32
      %dma_start3A_98 = tpu.memref_slice %arg12[%mul3A_78, %dma_start3A_97] : memref<131072x64xbf16, #tpu.memory_space<hbm>> -> memref<128x64xbf16, #tpu.memory_space<hbm>>
      %dma_start3A_99 = arith.constant 0 : i32
      %dma_start3A_100 = tpu.memref_slice %arg12[%mul3A_78, %dma_start3A_99] : memref<131072x64xbf16, #tpu.memory_space<hbm>> -> memref<128x64xbf16, #tpu.memory_space<hbm>>
      tpu.enqueue_dma source(%arg26 : memref<128x64xbf16, #tpu.memory_space<vmem>>) target(%dma_start3A_100 : memref<128x64xbf16, #tpu.memory_space<hbm>>) target_semaphore(%run_scoped3A : memref<!tpu.dma_semaphore, #tpu.memory_space<semaphore_mem>>)
      %dma_wait3A_101 = arith.constant 0 : i32
      %dma_wait3A_102 = tpu.memref_slice %arg12[%mul3A_78, %dma_wait3A_101] : memref<131072x64xbf16, #tpu.memory_space<hbm>> -> memref<128x64xbf16, #tpu.memory_space<hbm>>
      %dma_wait3A_103 = arith.constant 0 : i32
      %dma_wait3A_104 = tpu.memref_slice %arg12[%mul3A_78, %dma_wait3A_103] : memref<131072x64xbf16, #tpu.memory_space<hbm>> -> memref<128x64xbf16, #tpu.memory_space<hbm>>
      tpu.wait_dma2 semaphore(%run_scoped3A : memref<!tpu.dma_semaphore, #tpu.memory_space<semaphore_mem>>) src(%arg26 : memref<128x64xbf16, #tpu.memory_space<vmem>>) dst(%dma_wait3A_104 : memref<128x64xbf16, #tpu.memory_space<hbm>>)
      tpu.yield
    }) : () -> ()
    %add3A_79 = arith.addi %mul3A_0, %mul3A_2 : i32
    %add3A_80 = arith.constant 240 : i32
    %add3A_81 = arith.addi %add3A_79, %add3A_80 : i32
    %mul3A_82 = arith.constant 16 : i32
    %mul3A_83 = arith.muli %add3A_81, %mul3A_82 : i32
    %dma_wait3A_84 = arith.constant 0 : i32
    %dma_wait3A_85 = tpu.memref_slice %arg11[%mul3A_83, %dma_wait3A_84] : memref<131072x64xbf16, #tpu.memory_space<hbm>> -> memref<128x64xbf16, #tpu.memory_space<hbm>>
    %dma_wait3A_86 = arith.constant 0 : i32
    %dma_wait3A_87 = tpu.memref_slice %arg11[%mul3A_83, %dma_wait3A_86] : memref<131072x64xbf16, #tpu.memory_space<hbm>> -> memref<128x64xbf16, #tpu.memory_space<hbm>>
    tpu.wait_dma2 semaphore(%arg31 : memref<!tpu.dma_semaphore, #tpu.memory_space<semaphore_mem>>) src(%arg23 : memref<128x64xbf16, #tpu.memory_space<vmem>>) dst(%dma_wait3A_87 : memref<128x64xbf16, #tpu.memory_space<hbm>>)
    %add3A_88 = arith.addi %mul3A_0, %mul3A_2 : i32
    %add3A_89 = arith.constant 240 : i32
    %add3A_90 = arith.addi %add3A_88, %add3A_89 : i32
    %mul3A_91 = arith.constant 16 : i32
    %mul3A_92 = arith.muli %add3A_90, %mul3A_91 : i32
    %dma_wait3A_93 = arith.constant 0 : i32
    %dma_wait3A_94 = tpu.memref_slice %arg12[%mul3A_92, %dma_wait3A_93] : memref<131072x64xbf16, #tpu.memory_space<hbm>> -> memref<128x64xbf16, #tpu.memory_space<hbm>>
    %dma_wait3A_95 = arith.constant 0 : i32
    %dma_wait3A_96 = tpu.memref_slice %arg12[%mul3A_92, %dma_wait3A_95] : memref<131072x64xbf16, #tpu.memory_space<hbm>> -> memref<128x64xbf16, #tpu.memory_space<hbm>>
    tpu.wait_dma2 semaphore(%arg32 : memref<!tpu.dma_semaphore, #tpu.memory_space<semaphore_mem>>) src(%arg24 : memref<128x64xbf16, #tpu.memory_space<vmem>>) dst(%dma_wait3A_96 : memref<128x64xbf16, #tpu.memory_space<hbm>>)
    return
  }
}

module attributes {stable_mosaic.version = 14 : i64} {
  func.func @_tc_body(%arg0: i32, %arg1: memref<256x16xi32, #tpu.memory_space<vmem>>, %arg2: memref<256x16xf32, #tpu.memory_space<vmem>>, %arg3: memref<256x16xf32, #tpu.memory_space<vmem>>, %arg4: memref<256x16xf32, #tpu.memory_space<vmem>>, %arg5: memref<256x1024xbf16, #tpu.memory_space<vmem>>, %arg6: memref<256x1024xbf16, #tpu.memory_space<vmem>>, %arg7: memref<15x1024x64xbf16, #tpu.memory_space<vmem>>, %arg8: memref<15x3xf32, #tpu.memory_space<smem>>, %arg9: memref<1x64x256xf32, #tpu.memory_space<vmem>>, %arg10: memref<1x64x256xf32, #tpu.memory_space<vmem>>) attributes {dimension_semantics = [#tpu.dimension_semantics<arbitrary>], iteration_bounds = array<i64: 32>, scalar_prefetch = 0 : i64, scratch_operands = 0 : i64, tpu.core_type = #tpu.core_type<tc>, window_params = [{transform_indices = @transform_0, window_bounds = array<i64: 256, 16>}, {transform_indices = @transform_1, window_bounds = array<i64: 256, 16>}, {transform_indices = @transform_2, window_bounds = array<i64: 256, 16>}, {transform_indices = @transform_3, window_bounds = array<i64: 256, 16>}, {transform_indices = @transform_4, window_bounds = array<i64: 256, 1024>}, {transform_indices = @transform_5, window_bounds = array<i64: 256, 1024>}, {pipeline_mode = #tpu.pipeline_mode<synchronous>, transform_indices = @transform_6, window_bounds = array<i64: 15, 1024, 64>}, {transform_indices = @transform_7, window_bounds = array<i64: 15, 3>}, {transform_indices = @transform_8, window_bounds = array<i64: 1, 64, 256>}, {transform_indices = @transform_9, window_bounds = array<i64: 1, 64, 256>}]} {
    %get3A = arith.constant 0 : index
    %get3A_0 = arith.constant 0 : index
    %get3A_1 = vector.load %arg1[%get3A, %get3A_0] : memref<256x16xi32, #tpu.memory_space<vmem>>, vector<256x16xi32>
    %iota3A = tpu.iota {dimensions = array<i32: 1>} : vector<256x16xi32>
    %slice3A = vector.extract_strided_slice %get3A_1 {offsets = [0, 0], sizes = [256, 1], strides = [1, 1]} : vector<256x16xi32> to vector<256x1xi32>
    %eq3A = vector.broadcast %slice3A : vector<256x1xi32> to vector<256x16xi32>
    %eq3A_2 = arith.cmpi eq, %get3A_1, %eq3A : vector<256x16xi32>
    %gt3A = arith.constant 0 : i32
    %gt3A_3 = vector.broadcast %gt3A : i32 to vector<256x16xi32>
    %gt3A_4 = arith.cmpi sgt, %iota3A, %gt3A_3 : vector<256x16xi32>
    %and3A = arith.andi %eq3A_2, %gt3A_4 : vector<256x16xi1>
    %jit3A = arith.constant 0.000000e+00 : f32
    %jit3A_5 = arith.constant 1.000000e+00 : f32
    %broadcast_in_dim3A = vector.broadcast %jit3A : f32 to vector<256x16xf32>
    %broadcast_in_dim3A_6 = vector.broadcast %jit3A_5 : f32 to vector<256x16xf32>
    %select_n3A = arith.select %and3A, %broadcast_in_dim3A, %broadcast_in_dim3A_6 : vector<256x16xi1>, vector<256x16xf32>
    %get3A_7 = arith.constant 0 : index
    %get3A_8 = arith.constant 0 : index
    %get3A_9 = vector.load %arg2[%get3A_7, %get3A_8] : memref<256x16xf32, #tpu.memory_space<vmem>>, vector<256x16xf32>
    %get3A_10 = arith.constant 0 : index
    %get3A_11 = arith.constant 0 : index
    %get3A_12 = vector.load %arg3[%get3A_10, %get3A_11] : memref<256x16xf32, #tpu.memory_space<vmem>>, vector<256x16xf32>
    %get3A_13 = arith.constant 0 : index
    %get3A_14 = arith.constant 0 : index
    %get3A_15 = vector.load %arg4[%get3A_13, %get3A_14] : memref<256x16xf32, #tpu.memory_space<vmem>>, vector<256x16xf32>
    %iota3A_16 = tpu.iota {dimensions = array<i32: 0>} : vector<16x1024xi32>
    %iota3A_17 = tpu.iota {dimensions = array<i32: 1>} : vector<16x1024xi32>
    %jit3A_18 = arith.constant 64 : i32
    %div3A = vector.broadcast %jit3A_18 : i32 to vector<16x1024xi32>
    %div3A_19 = arith.divsi %iota3A_17, %div3A : vector<16x1024xi32>
    %sign3A = arith.constant 0 : i32
    %sign3A_20 = vector.broadcast %sign3A : i32 to vector<16x1024xi32>
    %sign3A_21 = arith.cmpi sgt, %iota3A_17, %sign3A_20 : vector<16x1024xi32>
    %sign3A_22 = arith.extui %sign3A_21 : vector<16x1024xi1> to vector<16x1024xi32>
    %sign3A_23 = arith.constant 0 : i32
    %sign3A_24 = vector.broadcast %sign3A_23 : i32 to vector<16x1024xi32>
    %sign3A_25 = arith.cmpi slt, %iota3A_17, %sign3A_24 : vector<16x1024xi32>
    %sign3A_26 = arith.extui %sign3A_25 : vector<16x1024xi1> to vector<16x1024xi32>
    %sign3A_27 = arith.subi %sign3A_22, %sign3A_26 : vector<16x1024xi32>
    %sign3A_28 = arith.constant 0 : i32
    %sign3A_29 = arith.cmpi sgt, %jit3A_18, %sign3A_28 : i32
    %sign3A_30 = arith.extui %sign3A_29 : i1 to i32
    %sign3A_31 = arith.constant 0 : i32
    %sign3A_32 = arith.cmpi slt, %jit3A_18, %sign3A_31 : i32
    %sign3A_33 = arith.extui %sign3A_32 : i1 to i32
    %sign3A_34 = arith.subi %sign3A_30, %sign3A_33 : i32
    %ne3A = vector.broadcast %sign3A_34 : i32 to vector<16x1024xi32>
    %ne3A_35 = arith.cmpi ne, %sign3A_27, %ne3A : vector<16x1024xi32>
    %rem3A = vector.broadcast %jit3A_18 : i32 to vector<16x1024xi32>
    %rem3A_36 = arith.remsi %iota3A_17, %rem3A : vector<16x1024xi32>
    %ne3A_37 = arith.constant 0 : i32
    %ne3A_38 = vector.broadcast %ne3A_37 : i32 to vector<16x1024xi32>
    %ne3A_39 = arith.cmpi ne, %rem3A_36, %ne3A_38 : vector<16x1024xi32>
    %and3A_40 = arith.andi %ne3A_35, %ne3A_39 : vector<16x1024xi1>
    %sub3A = arith.constant 1 : i32
    %sub3A_41 = vector.broadcast %sub3A : i32 to vector<16x1024xi32>
    %sub3A_42 = arith.subi %div3A_19, %sub3A_41 : vector<16x1024xi32>
    %select_n3A_43 = arith.select %and3A_40, %sub3A_42, %div3A_19 : vector<16x1024xi1>, vector<16x1024xi32>
    %eq3A_44 = arith.cmpi eq, %select_n3A_43, %iota3A_16 : vector<16x1024xi32>
    %jit3A_45 = arith.constant 1.000000e+00 : f32
    %jit3A_46 = arith.constant 0.000000e+00 : f32
    %broadcast_in_dim3A_47 = vector.broadcast %jit3A_45 : f32 to vector<16x1024xf32>
    %broadcast_in_dim3A_48 = vector.broadcast %jit3A_46 : f32 to vector<16x1024xf32>
    %select_n3A_49 = arith.select %eq3A_44, %broadcast_in_dim3A_47, %broadcast_in_dim3A_48 : vector<16x1024xi1>, vector<16x1024xf32>
    %convert_element_type3A = arith.truncf %select_n3A_49 : vector<16x1024xf32> to vector<16x1024xbf16>
    %get3A_50 = arith.constant 0 : index
    %get3A_51 = arith.constant 0 : index
    %get3A_52 = vector.load %arg5[%get3A_50, %get3A_51] : memref<256x1024xbf16, #tpu.memory_space<vmem>>, vector<256x1024xbf16>
    %broadcast_in_dim3A_53 = arith.constant 0.000000e+00 : f32
    %broadcast_in_dim3A_54 = vector.broadcast %broadcast_in_dim3A_53 : f32 to vector<256x64xf32>
    %get3A_55 = arith.constant 0 : index
    %get3A_56 = arith.constant 0 : index
    %get3A_57 = memref.load %arg8[%get3A_55, %get3A_56] : memref<15x3xf32, #tpu.memory_space<smem>>
    %get3A_58 = arith.constant 0 : index
    %get3A_59 = arith.constant 1 : index
    %get3A_60 = memref.load %arg8[%get3A_58, %get3A_59] : memref<15x3xf32, #tpu.memory_space<smem>>
    %get3A_61 = arith.constant 0 : index
    %get3A_62 = arith.constant 2 : index
    %get3A_63 = memref.load %arg8[%get3A_61, %get3A_62] : memref<15x3xf32, #tpu.memory_space<smem>>
    %sub3A_64 = vector.broadcast %get3A_57 : f32 to vector<256x16xf32>
    %sub3A_65 = arith.subf %get3A_9, %sub3A_64 : vector<256x16xf32>
    %integer_pow3A = arith.mulf %sub3A_65, %sub3A_65 : vector<256x16xf32>
    %sub3A_66 = vector.broadcast %get3A_60 : f32 to vector<256x16xf32>
    %sub3A_67 = arith.subf %get3A_12, %sub3A_66 : vector<256x16xf32>
    %integer_pow3A_68 = arith.mulf %sub3A_67, %sub3A_67 : vector<256x16xf32>
    %add3A = arith.addf %integer_pow3A, %integer_pow3A_68 : vector<256x16xf32>
    %sub3A_69 = vector.broadcast %get3A_63 : f32 to vector<256x16xf32>
    %sub3A_70 = arith.subf %get3A_15, %sub3A_69 : vector<256x16xf32>
    %integer_pow3A_71 = arith.mulf %sub3A_70, %sub3A_70 : vector<256x16xf32>
    %add3A_72 = arith.addf %add3A, %integer_pow3A_71 : vector<256x16xf32>
    %add3A_73 = arith.constant 9.99999971E-10 : f32
    %add3A_74 = vector.broadcast %add3A_73 : f32 to vector<256x16xf32>
    %add3A_75 = arith.addf %add3A_72, %add3A_74 : vector<256x16xf32>
    %sqrt3A = math.sqrt %add3A_75 : vector<256x16xf32>
    %div3A_76 = arith.constant 1.200000e+00 : f32
    %div3A_77 = vector.broadcast %div3A_76 : f32 to vector<256x16xf32>
    %div3A_78 = arith.divf %sqrt3A, %div3A_77 : vector<256x16xf32>
    %sub3A_79 = arith.constant 1.000000e+00 : f32
    %sub3A_80 = vector.broadcast %sub3A_79 : f32 to vector<256x16xf32>
    %sub3A_81 = arith.subf %sub3A_80, %div3A_78 : vector<256x16xf32>
    %max3A = arith.constant 0.000000e+00 : f32
    %max3A_82 = vector.broadcast %max3A : f32 to vector<256x16xf32>
    %max3A_83 = arith.maximumf %sub3A_81, %max3A_82 : vector<256x16xf32>
    %convert_element_type3A_84 = arith.truncf %max3A_83 : vector<256x16xf32> to vector<256x16xbf16>
    %dot_general3A = arith.constant dense<0.000000e+00> : vector<256x1024xf32>
    %dot_general3A_85 = tpu.matmul %convert_element_type3A_84, %convert_element_type3A, %dot_general3A {dimension_numbers = #tpu.dot_dimension_numbers<[1], [0], [0], [1], [0, 0, 1, 1], [], []>, transpose_lhs_hint = false} : vector<256x16xbf16>, vector<16x1024xbf16>, vector<256x1024xf32> -> vector<256x1024xf32>
    %convert_element_type3A_86 = arith.truncf %dot_general3A_85 : vector<256x1024xf32> to vector<256x1024xbf16>
    %mul3A = arith.mulf %convert_element_type3A_86, %get3A_52 : vector<256x1024xbf16>
    %get3A_87 = arith.constant 0 : index
    %get3A_88 = arith.constant 0 : index
    %get3A_89 = arith.constant 0 : index
    %get3A_90 = vector.load %arg7[%get3A_87, %get3A_88, %get3A_89] : memref<15x1024x64xbf16, #tpu.memory_space<vmem>>, vector<1x1024x64xbf16>
    %get3A_91 = vector.shape_cast %get3A_90 : vector<1x1024x64xbf16> to vector<1024x64xbf16>
    %dot_general3A_92 = arith.constant dense<0.000000e+00> : vector<256x64xf32>
    %dot_general3A_93 = tpu.matmul %mul3A, %get3A_91, %dot_general3A_92 {dimension_numbers = #tpu.dot_dimension_numbers<[1], [0], [0], [1], [0, 0, 1, 1], [], []>, transpose_lhs_hint = false} : vector<256x1024xbf16>, vector<1024x64xbf16>, vector<256x64xf32> -> vector<256x64xf32>
    %add3A_94 = arith.addf %broadcast_in_dim3A_54, %dot_general3A_93 : vector<256x64xf32>
    %get3A_95 = arith.constant 1 : index
    %get3A_96 = arith.constant 0 : index
    %get3A_97 = memref.load %arg8[%get3A_95, %get3A_96] : memref<15x3xf32, #tpu.memory_space<smem>>
    %get3A_98 = arith.constant 1 : index
    %get3A_99 = arith.constant 1 : index
    %get3A_100 = memref.load %arg8[%get3A_98, %get3A_99] : memref<15x3xf32, #tpu.memory_space<smem>>
    %get3A_101 = arith.constant 1 : index
    %get3A_102 = arith.constant 2 : index
    %get3A_103 = memref.load %arg8[%get3A_101, %get3A_102] : memref<15x3xf32, #tpu.memory_space<smem>>
    %sub3A_104 = vector.broadcast %get3A_97 : f32 to vector<256x16xf32>
    %sub3A_105 = arith.subf %get3A_9, %sub3A_104 : vector<256x16xf32>
    %integer_pow3A_106 = arith.mulf %sub3A_105, %sub3A_105 : vector<256x16xf32>
    %sub3A_107 = vector.broadcast %get3A_100 : f32 to vector<256x16xf32>
    %sub3A_108 = arith.subf %get3A_12, %sub3A_107 : vector<256x16xf32>
    %integer_pow3A_109 = arith.mulf %sub3A_108, %sub3A_108 : vector<256x16xf32>
    %add3A_110 = arith.addf %integer_pow3A_106, %integer_pow3A_109 : vector<256x16xf32>
    %sub3A_111 = vector.broadcast %get3A_103 : f32 to vector<256x16xf32>
    %sub3A_112 = arith.subf %get3A_15, %sub3A_111 : vector<256x16xf32>
    %integer_pow3A_113 = arith.mulf %sub3A_112, %sub3A_112 : vector<256x16xf32>
    %add3A_114 = arith.addf %add3A_110, %integer_pow3A_113 : vector<256x16xf32>
    %add3A_115 = arith.constant 9.99999971E-10 : f32
    %add3A_116 = vector.broadcast %add3A_115 : f32 to vector<256x16xf32>
    %add3A_117 = arith.addf %add3A_114, %add3A_116 : vector<256x16xf32>
    %sqrt3A_118 = math.sqrt %add3A_117 : vector<256x16xf32>
    %div3A_119 = arith.constant 1.200000e+00 : f32
    %div3A_120 = vector.broadcast %div3A_119 : f32 to vector<256x16xf32>
    %div3A_121 = arith.divf %sqrt3A_118, %div3A_120 : vector<256x16xf32>
    %sub3A_122 = arith.constant 1.000000e+00 : f32
    %sub3A_123 = vector.broadcast %sub3A_122 : f32 to vector<256x16xf32>
    %sub3A_124 = arith.subf %sub3A_123, %div3A_121 : vector<256x16xf32>
    %max3A_125 = arith.constant 0.000000e+00 : f32
    %max3A_126 = vector.broadcast %max3A_125 : f32 to vector<256x16xf32>
    %max3A_127 = arith.maximumf %sub3A_124, %max3A_126 : vector<256x16xf32>
    %convert_element_type3A_128 = arith.truncf %max3A_127 : vector<256x16xf32> to vector<256x16xbf16>
    %dot_general3A_129 = arith.constant dense<0.000000e+00> : vector<256x1024xf32>
    %dot_general3A_130 = tpu.matmul %convert_element_type3A_128, %convert_element_type3A, %dot_general3A_129 {dimension_numbers = #tpu.dot_dimension_numbers<[1], [0], [0], [1], [0, 0, 1, 1], [], []>, transpose_lhs_hint = false} : vector<256x16xbf16>, vector<16x1024xbf16>, vector<256x1024xf32> -> vector<256x1024xf32>
    %convert_element_type3A_131 = arith.truncf %dot_general3A_130 : vector<256x1024xf32> to vector<256x1024xbf16>
    %mul3A_132 = arith.mulf %convert_element_type3A_131, %get3A_52 : vector<256x1024xbf16>
    %get3A_133 = arith.constant 1 : index
    %get3A_134 = arith.constant 0 : index
    %get3A_135 = arith.constant 0 : index
    %get3A_136 = vector.load %arg7[%get3A_133, %get3A_134, %get3A_135] : memref<15x1024x64xbf16, #tpu.memory_space<vmem>>, vector<1x1024x64xbf16>
    %get3A_137 = vector.shape_cast %get3A_136 : vector<1x1024x64xbf16> to vector<1024x64xbf16>
    %dot_general3A_138 = arith.constant dense<0.000000e+00> : vector<256x64xf32>
    %dot_general3A_139 = tpu.matmul %mul3A_132, %get3A_137, %dot_general3A_138 {dimension_numbers = #tpu.dot_dimension_numbers<[1], [0], [0], [1], [0, 0, 1, 1], [], []>, transpose_lhs_hint = false} : vector<256x1024xbf16>, vector<1024x64xbf16>, vector<256x64xf32> -> vector<256x64xf32>
    %add3A_140 = arith.addf %add3A_94, %dot_general3A_139 : vector<256x64xf32>
    %get3A_141 = arith.constant 2 : index
    %get3A_142 = arith.constant 0 : index
    %get3A_143 = memref.load %arg8[%get3A_141, %get3A_142] : memref<15x3xf32, #tpu.memory_space<smem>>
    %get3A_144 = arith.constant 2 : index
    %get3A_145 = arith.constant 1 : index
    %get3A_146 = memref.load %arg8[%get3A_144, %get3A_145] : memref<15x3xf32, #tpu.memory_space<smem>>
    %get3A_147 = arith.constant 2 : index
    %get3A_148 = arith.constant 2 : index
    %get3A_149 = memref.load %arg8[%get3A_147, %get3A_148] : memref<15x3xf32, #tpu.memory_space<smem>>
    %sub3A_150 = vector.broadcast %get3A_143 : f32 to vector<256x16xf32>
    %sub3A_151 = arith.subf %get3A_9, %sub3A_150 : vector<256x16xf32>
    %integer_pow3A_152 = arith.mulf %sub3A_151, %sub3A_151 : vector<256x16xf32>
    %sub3A_153 = vector.broadcast %get3A_146 : f32 to vector<256x16xf32>
    %sub3A_154 = arith.subf %get3A_12, %sub3A_153 : vector<256x16xf32>
    %integer_pow3A_155 = arith.mulf %sub3A_154, %sub3A_154 : vector<256x16xf32>
    %add3A_156 = arith.addf %integer_pow3A_152, %integer_pow3A_155 : vector<256x16xf32>
    %sub3A_157 = vector.broadcast %get3A_149 : f32 to vector<256x16xf32>
    %sub3A_158 = arith.subf %get3A_15, %sub3A_157 : vector<256x16xf32>
    %integer_pow3A_159 = arith.mulf %sub3A_158, %sub3A_158 : vector<256x16xf32>
    %add3A_160 = arith.addf %add3A_156, %integer_pow3A_159 : vector<256x16xf32>
    %add3A_161 = arith.constant 9.99999971E-10 : f32
    %add3A_162 = vector.broadcast %add3A_161 : f32 to vector<256x16xf32>
    %add3A_163 = arith.addf %add3A_160, %add3A_162 : vector<256x16xf32>
    %sqrt3A_164 = math.sqrt %add3A_163 : vector<256x16xf32>
    %div3A_165 = arith.constant 1.200000e+00 : f32
    %div3A_166 = vector.broadcast %div3A_165 : f32 to vector<256x16xf32>
    %div3A_167 = arith.divf %sqrt3A_164, %div3A_166 : vector<256x16xf32>
    %sub3A_168 = arith.constant 1.000000e+00 : f32
    %sub3A_169 = vector.broadcast %sub3A_168 : f32 to vector<256x16xf32>
    %sub3A_170 = arith.subf %sub3A_169, %div3A_167 : vector<256x16xf32>
    %max3A_171 = arith.constant 0.000000e+00 : f32
    %max3A_172 = vector.broadcast %max3A_171 : f32 to vector<256x16xf32>
    %max3A_173 = arith.maximumf %sub3A_170, %max3A_172 : vector<256x16xf32>
    %convert_element_type3A_174 = arith.truncf %max3A_173 : vector<256x16xf32> to vector<256x16xbf16>
    %dot_general3A_175 = arith.constant dense<0.000000e+00> : vector<256x1024xf32>
    %dot_general3A_176 = tpu.matmul %convert_element_type3A_174, %convert_element_type3A, %dot_general3A_175 {dimension_numbers = #tpu.dot_dimension_numbers<[1], [0], [0], [1], [0, 0, 1, 1], [], []>, transpose_lhs_hint = false} : vector<256x16xbf16>, vector<16x1024xbf16>, vector<256x1024xf32> -> vector<256x1024xf32>
    %convert_element_type3A_177 = arith.truncf %dot_general3A_176 : vector<256x1024xf32> to vector<256x1024xbf16>
    %mul3A_178 = arith.mulf %convert_element_type3A_177, %get3A_52 : vector<256x1024xbf16>
    %get3A_179 = arith.constant 2 : index
    %get3A_180 = arith.constant 0 : index
    %get3A_181 = arith.constant 0 : index
    %get3A_182 = vector.load %arg7[%get3A_179, %get3A_180, %get3A_181] : memref<15x1024x64xbf16, #tpu.memory_space<vmem>>, vector<1x1024x64xbf16>
    %get3A_183 = vector.shape_cast %get3A_182 : vector<1x1024x64xbf16> to vector<1024x64xbf16>
    %dot_general3A_184 = arith.constant dense<0.000000e+00> : vector<256x64xf32>
    %dot_general3A_185 = tpu.matmul %mul3A_178, %get3A_183, %dot_general3A_184 {dimension_numbers = #tpu.dot_dimension_numbers<[1], [0], [0], [1], [0, 0, 1, 1], [], []>, transpose_lhs_hint = false} : vector<256x1024xbf16>, vector<1024x64xbf16>, vector<256x64xf32> -> vector<256x64xf32>
    %add3A_186 = arith.addf %add3A_140, %dot_general3A_185 : vector<256x64xf32>
    %get3A_187 = arith.constant 3 : index
    %get3A_188 = arith.constant 0 : index
    %get3A_189 = memref.load %arg8[%get3A_187, %get3A_188] : memref<15x3xf32, #tpu.memory_space<smem>>
    %get3A_190 = arith.constant 3 : index
    %get3A_191 = arith.constant 1 : index
    %get3A_192 = memref.load %arg8[%get3A_190, %get3A_191] : memref<15x3xf32, #tpu.memory_space<smem>>
    %get3A_193 = arith.constant 3 : index
    %get3A_194 = arith.constant 2 : index
    %get3A_195 = memref.load %arg8[%get3A_193, %get3A_194] : memref<15x3xf32, #tpu.memory_space<smem>>
    %sub3A_196 = vector.broadcast %get3A_189 : f32 to vector<256x16xf32>
    %sub3A_197 = arith.subf %get3A_9, %sub3A_196 : vector<256x16xf32>
    %integer_pow3A_198 = arith.mulf %sub3A_197, %sub3A_197 : vector<256x16xf32>
    %sub3A_199 = vector.broadcast %get3A_192 : f32 to vector<256x16xf32>
    %sub3A_200 = arith.subf %get3A_12, %sub3A_199 : vector<256x16xf32>
    %integer_pow3A_201 = arith.mulf %sub3A_200, %sub3A_200 : vector<256x16xf32>
    %add3A_202 = arith.addf %integer_pow3A_198, %integer_pow3A_201 : vector<256x16xf32>
    %sub3A_203 = vector.broadcast %get3A_195 : f32 to vector<256x16xf32>
    %sub3A_204 = arith.subf %get3A_15, %sub3A_203 : vector<256x16xf32>
    %integer_pow3A_205 = arith.mulf %sub3A_204, %sub3A_204 : vector<256x16xf32>
    %add3A_206 = arith.addf %add3A_202, %integer_pow3A_205 : vector<256x16xf32>
    %add3A_207 = arith.constant 9.99999971E-10 : f32
    %add3A_208 = vector.broadcast %add3A_207 : f32 to vector<256x16xf32>
    %add3A_209 = arith.addf %add3A_206, %add3A_208 : vector<256x16xf32>
    %sqrt3A_210 = math.sqrt %add3A_209 : vector<256x16xf32>
    %div3A_211 = arith.constant 1.200000e+00 : f32
    %div3A_212 = vector.broadcast %div3A_211 : f32 to vector<256x16xf32>
    %div3A_213 = arith.divf %sqrt3A_210, %div3A_212 : vector<256x16xf32>
    %sub3A_214 = arith.constant 1.000000e+00 : f32
    %sub3A_215 = vector.broadcast %sub3A_214 : f32 to vector<256x16xf32>
    %sub3A_216 = arith.subf %sub3A_215, %div3A_213 : vector<256x16xf32>
    %max3A_217 = arith.constant 0.000000e+00 : f32
    %max3A_218 = vector.broadcast %max3A_217 : f32 to vector<256x16xf32>
    %max3A_219 = arith.maximumf %sub3A_216, %max3A_218 : vector<256x16xf32>
    %convert_element_type3A_220 = arith.truncf %max3A_219 : vector<256x16xf32> to vector<256x16xbf16>
    %dot_general3A_221 = arith.constant dense<0.000000e+00> : vector<256x1024xf32>
    %dot_general3A_222 = tpu.matmul %convert_element_type3A_220, %convert_element_type3A, %dot_general3A_221 {dimension_numbers = #tpu.dot_dimension_numbers<[1], [0], [0], [1], [0, 0, 1, 1], [], []>, transpose_lhs_hint = false} : vector<256x16xbf16>, vector<16x1024xbf16>, vector<256x1024xf32> -> vector<256x1024xf32>
    %convert_element_type3A_223 = arith.truncf %dot_general3A_222 : vector<256x1024xf32> to vector<256x1024xbf16>
    %mul3A_224 = arith.mulf %convert_element_type3A_223, %get3A_52 : vector<256x1024xbf16>
    %get3A_225 = arith.constant 3 : index
    %get3A_226 = arith.constant 0 : index
    %get3A_227 = arith.constant 0 : index
    %get3A_228 = vector.load %arg7[%get3A_225, %get3A_226, %get3A_227] : memref<15x1024x64xbf16, #tpu.memory_space<vmem>>, vector<1x1024x64xbf16>
    %get3A_229 = vector.shape_cast %get3A_228 : vector<1x1024x64xbf16> to vector<1024x64xbf16>
    %dot_general3A_230 = arith.constant dense<0.000000e+00> : vector<256x64xf32>
    %dot_general3A_231 = tpu.matmul %mul3A_224, %get3A_229, %dot_general3A_230 {dimension_numbers = #tpu.dot_dimension_numbers<[1], [0], [0], [1], [0, 0, 1, 1], [], []>, transpose_lhs_hint = false} : vector<256x1024xbf16>, vector<1024x64xbf16>, vector<256x64xf32> -> vector<256x64xf32>
    %add3A_232 = arith.addf %add3A_186, %dot_general3A_231 : vector<256x64xf32>
    %get3A_233 = arith.constant 4 : index
    %get3A_234 = arith.constant 0 : index
    %get3A_235 = memref.load %arg8[%get3A_233, %get3A_234] : memref<15x3xf32, #tpu.memory_space<smem>>
    %get3A_236 = arith.constant 4 : index
    %get3A_237 = arith.constant 1 : index
    %get3A_238 = memref.load %arg8[%get3A_236, %get3A_237] : memref<15x3xf32, #tpu.memory_space<smem>>
    %get3A_239 = arith.constant 4 : index
    %get3A_240 = arith.constant 2 : index
    %get3A_241 = memref.load %arg8[%get3A_239, %get3A_240] : memref<15x3xf32, #tpu.memory_space<smem>>
    %sub3A_242 = vector.broadcast %get3A_235 : f32 to vector<256x16xf32>
    %sub3A_243 = arith.subf %get3A_9, %sub3A_242 : vector<256x16xf32>
    %integer_pow3A_244 = arith.mulf %sub3A_243, %sub3A_243 : vector<256x16xf32>
    %sub3A_245 = vector.broadcast %get3A_238 : f32 to vector<256x16xf32>
    %sub3A_246 = arith.subf %get3A_12, %sub3A_245 : vector<256x16xf32>
    %integer_pow3A_247 = arith.mulf %sub3A_246, %sub3A_246 : vector<256x16xf32>
    %add3A_248 = arith.addf %integer_pow3A_244, %integer_pow3A_247 : vector<256x16xf32>
    %sub3A_249 = vector.broadcast %get3A_241 : f32 to vector<256x16xf32>
    %sub3A_250 = arith.subf %get3A_15, %sub3A_249 : vector<256x16xf32>
    %integer_pow3A_251 = arith.mulf %sub3A_250, %sub3A_250 : vector<256x16xf32>
    %add3A_252 = arith.addf %add3A_248, %integer_pow3A_251 : vector<256x16xf32>
    %add3A_253 = arith.constant 9.99999971E-10 : f32
    %add3A_254 = vector.broadcast %add3A_253 : f32 to vector<256x16xf32>
    %add3A_255 = arith.addf %add3A_252, %add3A_254 : vector<256x16xf32>
    %sqrt3A_256 = math.sqrt %add3A_255 : vector<256x16xf32>
    %div3A_257 = arith.constant 1.200000e+00 : f32
    %div3A_258 = vector.broadcast %div3A_257 : f32 to vector<256x16xf32>
    %div3A_259 = arith.divf %sqrt3A_256, %div3A_258 : vector<256x16xf32>
    %sub3A_260 = arith.constant 1.000000e+00 : f32
    %sub3A_261 = vector.broadcast %sub3A_260 : f32 to vector<256x16xf32>
    %sub3A_262 = arith.subf %sub3A_261, %div3A_259 : vector<256x16xf32>
    %max3A_263 = arith.constant 0.000000e+00 : f32
    %max3A_264 = vector.broadcast %max3A_263 : f32 to vector<256x16xf32>
    %max3A_265 = arith.maximumf %sub3A_262, %max3A_264 : vector<256x16xf32>
    %convert_element_type3A_266 = arith.truncf %max3A_265 : vector<256x16xf32> to vector<256x16xbf16>
    %dot_general3A_267 = arith.constant dense<0.000000e+00> : vector<256x1024xf32>
    %dot_general3A_268 = tpu.matmul %convert_element_type3A_266, %convert_element_type3A, %dot_general3A_267 {dimension_numbers = #tpu.dot_dimension_numbers<[1], [0], [0], [1], [0, 0, 1, 1], [], []>, transpose_lhs_hint = false} : vector<256x16xbf16>, vector<16x1024xbf16>, vector<256x1024xf32> -> vector<256x1024xf32>
    %convert_element_type3A_269 = arith.truncf %dot_general3A_268 : vector<256x1024xf32> to vector<256x1024xbf16>
    %mul3A_270 = arith.mulf %convert_element_type3A_269, %get3A_52 : vector<256x1024xbf16>
    %get3A_271 = arith.constant 4 : index
    %get3A_272 = arith.constant 0 : index
    %get3A_273 = arith.constant 0 : index
    %get3A_274 = vector.load %arg7[%get3A_271, %get3A_272, %get3A_273] : memref<15x1024x64xbf16, #tpu.memory_space<vmem>>, vector<1x1024x64xbf16>
    %get3A_275 = vector.shape_cast %get3A_274 : vector<1x1024x64xbf16> to vector<1024x64xbf16>
    %dot_general3A_276 = arith.constant dense<0.000000e+00> : vector<256x64xf32>
    %dot_general3A_277 = tpu.matmul %mul3A_270, %get3A_275, %dot_general3A_276 {dimension_numbers = #tpu.dot_dimension_numbers<[1], [0], [0], [1], [0, 0, 1, 1], [], []>, transpose_lhs_hint = false} : vector<256x1024xbf16>, vector<1024x64xbf16>, vector<256x64xf32> -> vector<256x64xf32>
    %add3A_278 = arith.addf %add3A_232, %dot_general3A_277 : vector<256x64xf32>
    %get3A_279 = arith.constant 5 : index
    %get3A_280 = arith.constant 0 : index
    %get3A_281 = memref.load %arg8[%get3A_279, %get3A_280] : memref<15x3xf32, #tpu.memory_space<smem>>
    %get3A_282 = arith.constant 5 : index
    %get3A_283 = arith.constant 1 : index
    %get3A_284 = memref.load %arg8[%get3A_282, %get3A_283] : memref<15x3xf32, #tpu.memory_space<smem>>
    %get3A_285 = arith.constant 5 : index
    %get3A_286 = arith.constant 2 : index
    %get3A_287 = memref.load %arg8[%get3A_285, %get3A_286] : memref<15x3xf32, #tpu.memory_space<smem>>
    %sub3A_288 = vector.broadcast %get3A_281 : f32 to vector<256x16xf32>
    %sub3A_289 = arith.subf %get3A_9, %sub3A_288 : vector<256x16xf32>
    %integer_pow3A_290 = arith.mulf %sub3A_289, %sub3A_289 : vector<256x16xf32>
    %sub3A_291 = vector.broadcast %get3A_284 : f32 to vector<256x16xf32>
    %sub3A_292 = arith.subf %get3A_12, %sub3A_291 : vector<256x16xf32>
    %integer_pow3A_293 = arith.mulf %sub3A_292, %sub3A_292 : vector<256x16xf32>
    %add3A_294 = arith.addf %integer_pow3A_290, %integer_pow3A_293 : vector<256x16xf32>
    %sub3A_295 = vector.broadcast %get3A_287 : f32 to vector<256x16xf32>
    %sub3A_296 = arith.subf %get3A_15, %sub3A_295 : vector<256x16xf32>
    %integer_pow3A_297 = arith.mulf %sub3A_296, %sub3A_296 : vector<256x16xf32>
    %add3A_298 = arith.addf %add3A_294, %integer_pow3A_297 : vector<256x16xf32>
    %add3A_299 = arith.constant 9.99999971E-10 : f32
    %add3A_300 = vector.broadcast %add3A_299 : f32 to vector<256x16xf32>
    %add3A_301 = arith.addf %add3A_298, %add3A_300 : vector<256x16xf32>
    %sqrt3A_302 = math.sqrt %add3A_301 : vector<256x16xf32>
    %div3A_303 = arith.constant 1.200000e+00 : f32
    %div3A_304 = vector.broadcast %div3A_303 : f32 to vector<256x16xf32>
    %div3A_305 = arith.divf %sqrt3A_302, %div3A_304 : vector<256x16xf32>
    %sub3A_306 = arith.constant 1.000000e+00 : f32
    %sub3A_307 = vector.broadcast %sub3A_306 : f32 to vector<256x16xf32>
    %sub3A_308 = arith.subf %sub3A_307, %div3A_305 : vector<256x16xf32>
    %max3A_309 = arith.constant 0.000000e+00 : f32
    %max3A_310 = vector.broadcast %max3A_309 : f32 to vector<256x16xf32>
    %max3A_311 = arith.maximumf %sub3A_308, %max3A_310 : vector<256x16xf32>
    %convert_element_type3A_312 = arith.truncf %max3A_311 : vector<256x16xf32> to vector<256x16xbf16>
    %dot_general3A_313 = arith.constant dense<0.000000e+00> : vector<256x1024xf32>
    %dot_general3A_314 = tpu.matmul %convert_element_type3A_312, %convert_element_type3A, %dot_general3A_313 {dimension_numbers = #tpu.dot_dimension_numbers<[1], [0], [0], [1], [0, 0, 1, 1], [], []>, transpose_lhs_hint = false} : vector<256x16xbf16>, vector<16x1024xbf16>, vector<256x1024xf32> -> vector<256x1024xf32>
    %convert_element_type3A_315 = arith.truncf %dot_general3A_314 : vector<256x1024xf32> to vector<256x1024xbf16>
    %mul3A_316 = arith.mulf %convert_element_type3A_315, %get3A_52 : vector<256x1024xbf16>
    %get3A_317 = arith.constant 5 : index
    %get3A_318 = arith.constant 0 : index
    %get3A_319 = arith.constant 0 : index
    %get3A_320 = vector.load %arg7[%get3A_317, %get3A_318, %get3A_319] : memref<15x1024x64xbf16, #tpu.memory_space<vmem>>, vector<1x1024x64xbf16>
    %get3A_321 = vector.shape_cast %get3A_320 : vector<1x1024x64xbf16> to vector<1024x64xbf16>
    %dot_general3A_322 = arith.constant dense<0.000000e+00> : vector<256x64xf32>
    %dot_general3A_323 = tpu.matmul %mul3A_316, %get3A_321, %dot_general3A_322 {dimension_numbers = #tpu.dot_dimension_numbers<[1], [0], [0], [1], [0, 0, 1, 1], [], []>, transpose_lhs_hint = false} : vector<256x1024xbf16>, vector<1024x64xbf16>, vector<256x64xf32> -> vector<256x64xf32>
    %add3A_324 = arith.addf %add3A_278, %dot_general3A_323 : vector<256x64xf32>
    %get3A_325 = arith.constant 6 : index
    %get3A_326 = arith.constant 0 : index
    %get3A_327 = memref.load %arg8[%get3A_325, %get3A_326] : memref<15x3xf32, #tpu.memory_space<smem>>
    %get3A_328 = arith.constant 6 : index
    %get3A_329 = arith.constant 1 : index
    %get3A_330 = memref.load %arg8[%get3A_328, %get3A_329] : memref<15x3xf32, #tpu.memory_space<smem>>
    %get3A_331 = arith.constant 6 : index
    %get3A_332 = arith.constant 2 : index
    %get3A_333 = memref.load %arg8[%get3A_331, %get3A_332] : memref<15x3xf32, #tpu.memory_space<smem>>
    %sub3A_334 = vector.broadcast %get3A_327 : f32 to vector<256x16xf32>
    %sub3A_335 = arith.subf %get3A_9, %sub3A_334 : vector<256x16xf32>
    %integer_pow3A_336 = arith.mulf %sub3A_335, %sub3A_335 : vector<256x16xf32>
    %sub3A_337 = vector.broadcast %get3A_330 : f32 to vector<256x16xf32>
    %sub3A_338 = arith.subf %get3A_12, %sub3A_337 : vector<256x16xf32>
    %integer_pow3A_339 = arith.mulf %sub3A_338, %sub3A_338 : vector<256x16xf32>
    %add3A_340 = arith.addf %integer_pow3A_336, %integer_pow3A_339 : vector<256x16xf32>
    %sub3A_341 = vector.broadcast %get3A_333 : f32 to vector<256x16xf32>
    %sub3A_342 = arith.subf %get3A_15, %sub3A_341 : vector<256x16xf32>
    %integer_pow3A_343 = arith.mulf %sub3A_342, %sub3A_342 : vector<256x16xf32>
    %add3A_344 = arith.addf %add3A_340, %integer_pow3A_343 : vector<256x16xf32>
    %add3A_345 = arith.constant 9.99999971E-10 : f32
    %add3A_346 = vector.broadcast %add3A_345 : f32 to vector<256x16xf32>
    %add3A_347 = arith.addf %add3A_344, %add3A_346 : vector<256x16xf32>
    %sqrt3A_348 = math.sqrt %add3A_347 : vector<256x16xf32>
    %div3A_349 = arith.constant 1.200000e+00 : f32
    %div3A_350 = vector.broadcast %div3A_349 : f32 to vector<256x16xf32>
    %div3A_351 = arith.divf %sqrt3A_348, %div3A_350 : vector<256x16xf32>
    %sub3A_352 = arith.constant 1.000000e+00 : f32
    %sub3A_353 = vector.broadcast %sub3A_352 : f32 to vector<256x16xf32>
    %sub3A_354 = arith.subf %sub3A_353, %div3A_351 : vector<256x16xf32>
    %max3A_355 = arith.constant 0.000000e+00 : f32
    %max3A_356 = vector.broadcast %max3A_355 : f32 to vector<256x16xf32>
    %max3A_357 = arith.maximumf %sub3A_354, %max3A_356 : vector<256x16xf32>
    %convert_element_type3A_358 = arith.truncf %max3A_357 : vector<256x16xf32> to vector<256x16xbf16>
    %dot_general3A_359 = arith.constant dense<0.000000e+00> : vector<256x1024xf32>
    %dot_general3A_360 = tpu.matmul %convert_element_type3A_358, %convert_element_type3A, %dot_general3A_359 {dimension_numbers = #tpu.dot_dimension_numbers<[1], [0], [0], [1], [0, 0, 1, 1], [], []>, transpose_lhs_hint = false} : vector<256x16xbf16>, vector<16x1024xbf16>, vector<256x1024xf32> -> vector<256x1024xf32>
    %convert_element_type3A_361 = arith.truncf %dot_general3A_360 : vector<256x1024xf32> to vector<256x1024xbf16>
    %mul3A_362 = arith.mulf %convert_element_type3A_361, %get3A_52 : vector<256x1024xbf16>
    %get3A_363 = arith.constant 6 : index
    %get3A_364 = arith.constant 0 : index
    %get3A_365 = arith.constant 0 : index
    %get3A_366 = vector.load %arg7[%get3A_363, %get3A_364, %get3A_365] : memref<15x1024x64xbf16, #tpu.memory_space<vmem>>, vector<1x1024x64xbf16>
    %get3A_367 = vector.shape_cast %get3A_366 : vector<1x1024x64xbf16> to vector<1024x64xbf16>
    %dot_general3A_368 = arith.constant dense<0.000000e+00> : vector<256x64xf32>
    %dot_general3A_369 = tpu.matmul %mul3A_362, %get3A_367, %dot_general3A_368 {dimension_numbers = #tpu.dot_dimension_numbers<[1], [0], [0], [1], [0, 0, 1, 1], [], []>, transpose_lhs_hint = false} : vector<256x1024xbf16>, vector<1024x64xbf16>, vector<256x64xf32> -> vector<256x64xf32>
    %add3A_370 = arith.addf %add3A_324, %dot_general3A_369 : vector<256x64xf32>
    %get3A_371 = arith.constant 7 : index
    %get3A_372 = arith.constant 0 : index
    %get3A_373 = memref.load %arg8[%get3A_371, %get3A_372] : memref<15x3xf32, #tpu.memory_space<smem>>
    %get3A_374 = arith.constant 7 : index
    %get3A_375 = arith.constant 1 : index
    %get3A_376 = memref.load %arg8[%get3A_374, %get3A_375] : memref<15x3xf32, #tpu.memory_space<smem>>
    %get3A_377 = arith.constant 7 : index
    %get3A_378 = arith.constant 2 : index
    %get3A_379 = memref.load %arg8[%get3A_377, %get3A_378] : memref<15x3xf32, #tpu.memory_space<smem>>
    %sub3A_380 = vector.broadcast %get3A_373 : f32 to vector<256x16xf32>
    %sub3A_381 = arith.subf %get3A_9, %sub3A_380 : vector<256x16xf32>
    %integer_pow3A_382 = arith.mulf %sub3A_381, %sub3A_381 : vector<256x16xf32>
    %sub3A_383 = vector.broadcast %get3A_376 : f32 to vector<256x16xf32>
    %sub3A_384 = arith.subf %get3A_12, %sub3A_383 : vector<256x16xf32>
    %integer_pow3A_385 = arith.mulf %sub3A_384, %sub3A_384 : vector<256x16xf32>
    %add3A_386 = arith.addf %integer_pow3A_382, %integer_pow3A_385 : vector<256x16xf32>
    %sub3A_387 = vector.broadcast %get3A_379 : f32 to vector<256x16xf32>
    %sub3A_388 = arith.subf %get3A_15, %sub3A_387 : vector<256x16xf32>
    %integer_pow3A_389 = arith.mulf %sub3A_388, %sub3A_388 : vector<256x16xf32>
    %add3A_390 = arith.addf %add3A_386, %integer_pow3A_389 : vector<256x16xf32>
    %add3A_391 = arith.constant 9.99999971E-10 : f32
    %add3A_392 = vector.broadcast %add3A_391 : f32 to vector<256x16xf32>
    %add3A_393 = arith.addf %add3A_390, %add3A_392 : vector<256x16xf32>
    %sqrt3A_394 = math.sqrt %add3A_393 : vector<256x16xf32>
    %div3A_395 = arith.constant 1.200000e+00 : f32
    %div3A_396 = vector.broadcast %div3A_395 : f32 to vector<256x16xf32>
    %div3A_397 = arith.divf %sqrt3A_394, %div3A_396 : vector<256x16xf32>
    %sub3A_398 = arith.constant 1.000000e+00 : f32
    %sub3A_399 = vector.broadcast %sub3A_398 : f32 to vector<256x16xf32>
    %sub3A_400 = arith.subf %sub3A_399, %div3A_397 : vector<256x16xf32>
    %max3A_401 = arith.constant 0.000000e+00 : f32
    %max3A_402 = vector.broadcast %max3A_401 : f32 to vector<256x16xf32>
    %max3A_403 = arith.maximumf %sub3A_400, %max3A_402 : vector<256x16xf32>
    %convert_element_type3A_404 = arith.truncf %max3A_403 : vector<256x16xf32> to vector<256x16xbf16>
    %dot_general3A_405 = arith.constant dense<0.000000e+00> : vector<256x1024xf32>
    %dot_general3A_406 = tpu.matmul %convert_element_type3A_404, %convert_element_type3A, %dot_general3A_405 {dimension_numbers = #tpu.dot_dimension_numbers<[1], [0], [0], [1], [0, 0, 1, 1], [], []>, transpose_lhs_hint = false} : vector<256x16xbf16>, vector<16x1024xbf16>, vector<256x1024xf32> -> vector<256x1024xf32>
    %convert_element_type3A_407 = arith.truncf %dot_general3A_406 : vector<256x1024xf32> to vector<256x1024xbf16>
    %mul3A_408 = arith.mulf %convert_element_type3A_407, %get3A_52 : vector<256x1024xbf16>
    %get3A_409 = arith.constant 7 : index
    %get3A_410 = arith.constant 0 : index
    %get3A_411 = arith.constant 0 : index
    %get3A_412 = vector.load %arg7[%get3A_409, %get3A_410, %get3A_411] : memref<15x1024x64xbf16, #tpu.memory_space<vmem>>, vector<1x1024x64xbf16>
    %get3A_413 = vector.shape_cast %get3A_412 : vector<1x1024x64xbf16> to vector<1024x64xbf16>
    %dot_general3A_414 = arith.constant dense<0.000000e+00> : vector<256x64xf32>
    %dot_general3A_415 = tpu.matmul %mul3A_408, %get3A_413, %dot_general3A_414 {dimension_numbers = #tpu.dot_dimension_numbers<[1], [0], [0], [1], [0, 0, 1, 1], [], []>, transpose_lhs_hint = false} : vector<256x1024xbf16>, vector<1024x64xbf16>, vector<256x64xf32> -> vector<256x64xf32>
    %add3A_416 = arith.addf %add3A_370, %dot_general3A_415 : vector<256x64xf32>
    %get3A_417 = arith.constant 8 : index
    %get3A_418 = arith.constant 0 : index
    %get3A_419 = memref.load %arg8[%get3A_417, %get3A_418] : memref<15x3xf32, #tpu.memory_space<smem>>
    %get3A_420 = arith.constant 8 : index
    %get3A_421 = arith.constant 1 : index
    %get3A_422 = memref.load %arg8[%get3A_420, %get3A_421] : memref<15x3xf32, #tpu.memory_space<smem>>
    %get3A_423 = arith.constant 8 : index
    %get3A_424 = arith.constant 2 : index
    %get3A_425 = memref.load %arg8[%get3A_423, %get3A_424] : memref<15x3xf32, #tpu.memory_space<smem>>
    %sub3A_426 = vector.broadcast %get3A_419 : f32 to vector<256x16xf32>
    %sub3A_427 = arith.subf %get3A_9, %sub3A_426 : vector<256x16xf32>
    %integer_pow3A_428 = arith.mulf %sub3A_427, %sub3A_427 : vector<256x16xf32>
    %sub3A_429 = vector.broadcast %get3A_422 : f32 to vector<256x16xf32>
    %sub3A_430 = arith.subf %get3A_12, %sub3A_429 : vector<256x16xf32>
    %integer_pow3A_431 = arith.mulf %sub3A_430, %sub3A_430 : vector<256x16xf32>
    %add3A_432 = arith.addf %integer_pow3A_428, %integer_pow3A_431 : vector<256x16xf32>
    %sub3A_433 = vector.broadcast %get3A_425 : f32 to vector<256x16xf32>
    %sub3A_434 = arith.subf %get3A_15, %sub3A_433 : vector<256x16xf32>
    %integer_pow3A_435 = arith.mulf %sub3A_434, %sub3A_434 : vector<256x16xf32>
    %add3A_436 = arith.addf %add3A_432, %integer_pow3A_435 : vector<256x16xf32>
    %add3A_437 = arith.constant 9.99999971E-10 : f32
    %add3A_438 = vector.broadcast %add3A_437 : f32 to vector<256x16xf32>
    %add3A_439 = arith.addf %add3A_436, %add3A_438 : vector<256x16xf32>
    %sqrt3A_440 = math.sqrt %add3A_439 : vector<256x16xf32>
    %div3A_441 = arith.constant 1.200000e+00 : f32
    %div3A_442 = vector.broadcast %div3A_441 : f32 to vector<256x16xf32>
    %div3A_443 = arith.divf %sqrt3A_440, %div3A_442 : vector<256x16xf32>
    %sub3A_444 = arith.constant 1.000000e+00 : f32
    %sub3A_445 = vector.broadcast %sub3A_444 : f32 to vector<256x16xf32>
    %sub3A_446 = arith.subf %sub3A_445, %div3A_443 : vector<256x16xf32>
    %max3A_447 = arith.constant 0.000000e+00 : f32
    %max3A_448 = vector.broadcast %max3A_447 : f32 to vector<256x16xf32>
    %max3A_449 = arith.maximumf %sub3A_446, %max3A_448 : vector<256x16xf32>
    %convert_element_type3A_450 = arith.truncf %max3A_449 : vector<256x16xf32> to vector<256x16xbf16>
    %dot_general3A_451 = arith.constant dense<0.000000e+00> : vector<256x1024xf32>
    %dot_general3A_452 = tpu.matmul %convert_element_type3A_450, %convert_element_type3A, %dot_general3A_451 {dimension_numbers = #tpu.dot_dimension_numbers<[1], [0], [0], [1], [0, 0, 1, 1], [], []>, transpose_lhs_hint = false} : vector<256x16xbf16>, vector<16x1024xbf16>, vector<256x1024xf32> -> vector<256x1024xf32>
    %convert_element_type3A_453 = arith.truncf %dot_general3A_452 : vector<256x1024xf32> to vector<256x1024xbf16>
    %mul3A_454 = arith.mulf %convert_element_type3A_453, %get3A_52 : vector<256x1024xbf16>
    %get3A_455 = arith.constant 8 : index
    %get3A_456 = arith.constant 0 : index
    %get3A_457 = arith.constant 0 : index
    %get3A_458 = vector.load %arg7[%get3A_455, %get3A_456, %get3A_457] : memref<15x1024x64xbf16, #tpu.memory_space<vmem>>, vector<1x1024x64xbf16>
    %get3A_459 = vector.shape_cast %get3A_458 : vector<1x1024x64xbf16> to vector<1024x64xbf16>
    %dot_general3A_460 = arith.constant dense<0.000000e+00> : vector<256x64xf32>
    %dot_general3A_461 = tpu.matmul %mul3A_454, %get3A_459, %dot_general3A_460 {dimension_numbers = #tpu.dot_dimension_numbers<[1], [0], [0], [1], [0, 0, 1, 1], [], []>, transpose_lhs_hint = false} : vector<256x1024xbf16>, vector<1024x64xbf16>, vector<256x64xf32> -> vector<256x64xf32>
    %add3A_462 = arith.addf %add3A_416, %dot_general3A_461 : vector<256x64xf32>
    %get3A_463 = arith.constant 9 : index
    %get3A_464 = arith.constant 0 : index
    %get3A_465 = memref.load %arg8[%get3A_463, %get3A_464] : memref<15x3xf32, #tpu.memory_space<smem>>
    %get3A_466 = arith.constant 9 : index
    %get3A_467 = arith.constant 1 : index
    %get3A_468 = memref.load %arg8[%get3A_466, %get3A_467] : memref<15x3xf32, #tpu.memory_space<smem>>
    %get3A_469 = arith.constant 9 : index
    %get3A_470 = arith.constant 2 : index
    %get3A_471 = memref.load %arg8[%get3A_469, %get3A_470] : memref<15x3xf32, #tpu.memory_space<smem>>
    %sub3A_472 = vector.broadcast %get3A_465 : f32 to vector<256x16xf32>
    %sub3A_473 = arith.subf %get3A_9, %sub3A_472 : vector<256x16xf32>
    %integer_pow3A_474 = arith.mulf %sub3A_473, %sub3A_473 : vector<256x16xf32>
    %sub3A_475 = vector.broadcast %get3A_468 : f32 to vector<256x16xf32>
    %sub3A_476 = arith.subf %get3A_12, %sub3A_475 : vector<256x16xf32>
    %integer_pow3A_477 = arith.mulf %sub3A_476, %sub3A_476 : vector<256x16xf32>
    %add3A_478 = arith.addf %integer_pow3A_474, %integer_pow3A_477 : vector<256x16xf32>
    %sub3A_479 = vector.broadcast %get3A_471 : f32 to vector<256x16xf32>
    %sub3A_480 = arith.subf %get3A_15, %sub3A_479 : vector<256x16xf32>
    %integer_pow3A_481 = arith.mulf %sub3A_480, %sub3A_480 : vector<256x16xf32>
    %add3A_482 = arith.addf %add3A_478, %integer_pow3A_481 : vector<256x16xf32>
    %add3A_483 = arith.constant 9.99999971E-10 : f32
    %add3A_484 = vector.broadcast %add3A_483 : f32 to vector<256x16xf32>
    %add3A_485 = arith.addf %add3A_482, %add3A_484 : vector<256x16xf32>
    %sqrt3A_486 = math.sqrt %add3A_485 : vector<256x16xf32>
    %div3A_487 = arith.constant 1.200000e+00 : f32
    %div3A_488 = vector.broadcast %div3A_487 : f32 to vector<256x16xf32>
    %div3A_489 = arith.divf %sqrt3A_486, %div3A_488 : vector<256x16xf32>
    %sub3A_490 = arith.constant 1.000000e+00 : f32
    %sub3A_491 = vector.broadcast %sub3A_490 : f32 to vector<256x16xf32>
    %sub3A_492 = arith.subf %sub3A_491, %div3A_489 : vector<256x16xf32>
    %max3A_493 = arith.constant 0.000000e+00 : f32
    %max3A_494 = vector.broadcast %max3A_493 : f32 to vector<256x16xf32>
    %max3A_495 = arith.maximumf %sub3A_492, %max3A_494 : vector<256x16xf32>
    %convert_element_type3A_496 = arith.truncf %max3A_495 : vector<256x16xf32> to vector<256x16xbf16>
    %dot_general3A_497 = arith.constant dense<0.000000e+00> : vector<256x1024xf32>
    %dot_general3A_498 = tpu.matmul %convert_element_type3A_496, %convert_element_type3A, %dot_general3A_497 {dimension_numbers = #tpu.dot_dimension_numbers<[1], [0], [0], [1], [0, 0, 1, 1], [], []>, transpose_lhs_hint = false} : vector<256x16xbf16>, vector<16x1024xbf16>, vector<256x1024xf32> -> vector<256x1024xf32>
    %convert_element_type3A_499 = arith.truncf %dot_general3A_498 : vector<256x1024xf32> to vector<256x1024xbf16>
    %mul3A_500 = arith.mulf %convert_element_type3A_499, %get3A_52 : vector<256x1024xbf16>
    %get3A_501 = arith.constant 9 : index
    %get3A_502 = arith.constant 0 : index
    %get3A_503 = arith.constant 0 : index
    %get3A_504 = vector.load %arg7[%get3A_501, %get3A_502, %get3A_503] : memref<15x1024x64xbf16, #tpu.memory_space<vmem>>, vector<1x1024x64xbf16>
    %get3A_505 = vector.shape_cast %get3A_504 : vector<1x1024x64xbf16> to vector<1024x64xbf16>
    %dot_general3A_506 = arith.constant dense<0.000000e+00> : vector<256x64xf32>
    %dot_general3A_507 = tpu.matmul %mul3A_500, %get3A_505, %dot_general3A_506 {dimension_numbers = #tpu.dot_dimension_numbers<[1], [0], [0], [1], [0, 0, 1, 1], [], []>, transpose_lhs_hint = false} : vector<256x1024xbf16>, vector<1024x64xbf16>, vector<256x64xf32> -> vector<256x64xf32>
    %add3A_508 = arith.addf %add3A_462, %dot_general3A_507 : vector<256x64xf32>
    %get3A_509 = arith.constant 10 : index
    %get3A_510 = arith.constant 0 : index
    %get3A_511 = memref.load %arg8[%get3A_509, %get3A_510] : memref<15x3xf32, #tpu.memory_space<smem>>
    %get3A_512 = arith.constant 10 : index
    %get3A_513 = arith.constant 1 : index
    %get3A_514 = memref.load %arg8[%get3A_512, %get3A_513] : memref<15x3xf32, #tpu.memory_space<smem>>
    %get3A_515 = arith.constant 10 : index
    %get3A_516 = arith.constant 2 : index
    %get3A_517 = memref.load %arg8[%get3A_515, %get3A_516] : memref<15x3xf32, #tpu.memory_space<smem>>
    %sub3A_518 = vector.broadcast %get3A_511 : f32 to vector<256x16xf32>
    %sub3A_519 = arith.subf %get3A_9, %sub3A_518 : vector<256x16xf32>
    %integer_pow3A_520 = arith.mulf %sub3A_519, %sub3A_519 : vector<256x16xf32>
    %sub3A_521 = vector.broadcast %get3A_514 : f32 to vector<256x16xf32>
    %sub3A_522 = arith.subf %get3A_12, %sub3A_521 : vector<256x16xf32>
    %integer_pow3A_523 = arith.mulf %sub3A_522, %sub3A_522 : vector<256x16xf32>
    %add3A_524 = arith.addf %integer_pow3A_520, %integer_pow3A_523 : vector<256x16xf32>
    %sub3A_525 = vector.broadcast %get3A_517 : f32 to vector<256x16xf32>
    %sub3A_526 = arith.subf %get3A_15, %sub3A_525 : vector<256x16xf32>
    %integer_pow3A_527 = arith.mulf %sub3A_526, %sub3A_526 : vector<256x16xf32>
    %add3A_528 = arith.addf %add3A_524, %integer_pow3A_527 : vector<256x16xf32>
    %add3A_529 = arith.constant 9.99999971E-10 : f32
    %add3A_530 = vector.broadcast %add3A_529 : f32 to vector<256x16xf32>
    %add3A_531 = arith.addf %add3A_528, %add3A_530 : vector<256x16xf32>
    %sqrt3A_532 = math.sqrt %add3A_531 : vector<256x16xf32>
    %div3A_533 = arith.constant 1.200000e+00 : f32
    %div3A_534 = vector.broadcast %div3A_533 : f32 to vector<256x16xf32>
    %div3A_535 = arith.divf %sqrt3A_532, %div3A_534 : vector<256x16xf32>
    %sub3A_536 = arith.constant 1.000000e+00 : f32
    %sub3A_537 = vector.broadcast %sub3A_536 : f32 to vector<256x16xf32>
    %sub3A_538 = arith.subf %sub3A_537, %div3A_535 : vector<256x16xf32>
    %max3A_539 = arith.constant 0.000000e+00 : f32
    %max3A_540 = vector.broadcast %max3A_539 : f32 to vector<256x16xf32>
    %max3A_541 = arith.maximumf %sub3A_538, %max3A_540 : vector<256x16xf32>
    %convert_element_type3A_542 = arith.truncf %max3A_541 : vector<256x16xf32> to vector<256x16xbf16>
    %dot_general3A_543 = arith.constant dense<0.000000e+00> : vector<256x1024xf32>
    %dot_general3A_544 = tpu.matmul %convert_element_type3A_542, %convert_element_type3A, %dot_general3A_543 {dimension_numbers = #tpu.dot_dimension_numbers<[1], [0], [0], [1], [0, 0, 1, 1], [], []>, transpose_lhs_hint = false} : vector<256x16xbf16>, vector<16x1024xbf16>, vector<256x1024xf32> -> vector<256x1024xf32>
    %convert_element_type3A_545 = arith.truncf %dot_general3A_544 : vector<256x1024xf32> to vector<256x1024xbf16>
    %mul3A_546 = arith.mulf %convert_element_type3A_545, %get3A_52 : vector<256x1024xbf16>
    %get3A_547 = arith.constant 10 : index
    %get3A_548 = arith.constant 0 : index
    %get3A_549 = arith.constant 0 : index
    %get3A_550 = vector.load %arg7[%get3A_547, %get3A_548, %get3A_549] : memref<15x1024x64xbf16, #tpu.memory_space<vmem>>, vector<1x1024x64xbf16>
    %get3A_551 = vector.shape_cast %get3A_550 : vector<1x1024x64xbf16> to vector<1024x64xbf16>
    %dot_general3A_552 = arith.constant dense<0.000000e+00> : vector<256x64xf32>
    %dot_general3A_553 = tpu.matmul %mul3A_546, %get3A_551, %dot_general3A_552 {dimension_numbers = #tpu.dot_dimension_numbers<[1], [0], [0], [1], [0, 0, 1, 1], [], []>, transpose_lhs_hint = false} : vector<256x1024xbf16>, vector<1024x64xbf16>, vector<256x64xf32> -> vector<256x64xf32>
    %add3A_554 = arith.addf %add3A_508, %dot_general3A_553 : vector<256x64xf32>
    %get3A_555 = arith.constant 11 : index
    %get3A_556 = arith.constant 0 : index
    %get3A_557 = memref.load %arg8[%get3A_555, %get3A_556] : memref<15x3xf32, #tpu.memory_space<smem>>
    %get3A_558 = arith.constant 11 : index
    %get3A_559 = arith.constant 1 : index
    %get3A_560 = memref.load %arg8[%get3A_558, %get3A_559] : memref<15x3xf32, #tpu.memory_space<smem>>
    %get3A_561 = arith.constant 11 : index
    %get3A_562 = arith.constant 2 : index
    %get3A_563 = memref.load %arg8[%get3A_561, %get3A_562] : memref<15x3xf32, #tpu.memory_space<smem>>
    %sub3A_564 = vector.broadcast %get3A_557 : f32 to vector<256x16xf32>
    %sub3A_565 = arith.subf %get3A_9, %sub3A_564 : vector<256x16xf32>
    %integer_pow3A_566 = arith.mulf %sub3A_565, %sub3A_565 : vector<256x16xf32>
    %sub3A_567 = vector.broadcast %get3A_560 : f32 to vector<256x16xf32>
    %sub3A_568 = arith.subf %get3A_12, %sub3A_567 : vector<256x16xf32>
    %integer_pow3A_569 = arith.mulf %sub3A_568, %sub3A_568 : vector<256x16xf32>
    %add3A_570 = arith.addf %integer_pow3A_566, %integer_pow3A_569 : vector<256x16xf32>
    %sub3A_571 = vector.broadcast %get3A_563 : f32 to vector<256x16xf32>
    %sub3A_572 = arith.subf %get3A_15, %sub3A_571 : vector<256x16xf32>
    %integer_pow3A_573 = arith.mulf %sub3A_572, %sub3A_572 : vector<256x16xf32>
    %add3A_574 = arith.addf %add3A_570, %integer_pow3A_573 : vector<256x16xf32>
    %add3A_575 = arith.constant 9.99999971E-10 : f32
    %add3A_576 = vector.broadcast %add3A_575 : f32 to vector<256x16xf32>
    %add3A_577 = arith.addf %add3A_574, %add3A_576 : vector<256x16xf32>
    %sqrt3A_578 = math.sqrt %add3A_577 : vector<256x16xf32>
    %div3A_579 = arith.constant 1.200000e+00 : f32
    %div3A_580 = vector.broadcast %div3A_579 : f32 to vector<256x16xf32>
    %div3A_581 = arith.divf %sqrt3A_578, %div3A_580 : vector<256x16xf32>
    %sub3A_582 = arith.constant 1.000000e+00 : f32
    %sub3A_583 = vector.broadcast %sub3A_582 : f32 to vector<256x16xf32>
    %sub3A_584 = arith.subf %sub3A_583, %div3A_581 : vector<256x16xf32>
    %max3A_585 = arith.constant 0.000000e+00 : f32
    %max3A_586 = vector.broadcast %max3A_585 : f32 to vector<256x16xf32>
    %max3A_587 = arith.maximumf %sub3A_584, %max3A_586 : vector<256x16xf32>
    %convert_element_type3A_588 = arith.truncf %max3A_587 : vector<256x16xf32> to vector<256x16xbf16>
    %dot_general3A_589 = arith.constant dense<0.000000e+00> : vector<256x1024xf32>
    %dot_general3A_590 = tpu.matmul %convert_element_type3A_588, %convert_element_type3A, %dot_general3A_589 {dimension_numbers = #tpu.dot_dimension_numbers<[1], [0], [0], [1], [0, 0, 1, 1], [], []>, transpose_lhs_hint = false} : vector<256x16xbf16>, vector<16x1024xbf16>, vector<256x1024xf32> -> vector<256x1024xf32>
    %convert_element_type3A_591 = arith.truncf %dot_general3A_590 : vector<256x1024xf32> to vector<256x1024xbf16>
    %mul3A_592 = arith.mulf %convert_element_type3A_591, %get3A_52 : vector<256x1024xbf16>
    %get3A_593 = arith.constant 11 : index
    %get3A_594 = arith.constant 0 : index
    %get3A_595 = arith.constant 0 : index
    %get3A_596 = vector.load %arg7[%get3A_593, %get3A_594, %get3A_595] : memref<15x1024x64xbf16, #tpu.memory_space<vmem>>, vector<1x1024x64xbf16>
    %get3A_597 = vector.shape_cast %get3A_596 : vector<1x1024x64xbf16> to vector<1024x64xbf16>
    %dot_general3A_598 = arith.constant dense<0.000000e+00> : vector<256x64xf32>
    %dot_general3A_599 = tpu.matmul %mul3A_592, %get3A_597, %dot_general3A_598 {dimension_numbers = #tpu.dot_dimension_numbers<[1], [0], [0], [1], [0, 0, 1, 1], [], []>, transpose_lhs_hint = false} : vector<256x1024xbf16>, vector<1024x64xbf16>, vector<256x64xf32> -> vector<256x64xf32>
    %add3A_600 = arith.addf %add3A_554, %dot_general3A_599 : vector<256x64xf32>
    %get3A_601 = arith.constant 12 : index
    %get3A_602 = arith.constant 0 : index
    %get3A_603 = memref.load %arg8[%get3A_601, %get3A_602] : memref<15x3xf32, #tpu.memory_space<smem>>
    %get3A_604 = arith.constant 12 : index
    %get3A_605 = arith.constant 1 : index
    %get3A_606 = memref.load %arg8[%get3A_604, %get3A_605] : memref<15x3xf32, #tpu.memory_space<smem>>
    %get3A_607 = arith.constant 12 : index
    %get3A_608 = arith.constant 2 : index
    %get3A_609 = memref.load %arg8[%get3A_607, %get3A_608] : memref<15x3xf32, #tpu.memory_space<smem>>
    %sub3A_610 = vector.broadcast %get3A_603 : f32 to vector<256x16xf32>
    %sub3A_611 = arith.subf %get3A_9, %sub3A_610 : vector<256x16xf32>
    %integer_pow3A_612 = arith.mulf %sub3A_611, %sub3A_611 : vector<256x16xf32>
    %sub3A_613 = vector.broadcast %get3A_606 : f32 to vector<256x16xf32>
    %sub3A_614 = arith.subf %get3A_12, %sub3A_613 : vector<256x16xf32>
    %integer_pow3A_615 = arith.mulf %sub3A_614, %sub3A_614 : vector<256x16xf32>
    %add3A_616 = arith.addf %integer_pow3A_612, %integer_pow3A_615 : vector<256x16xf32>
    %sub3A_617 = vector.broadcast %get3A_609 : f32 to vector<256x16xf32>
    %sub3A_618 = arith.subf %get3A_15, %sub3A_617 : vector<256x16xf32>
    %integer_pow3A_619 = arith.mulf %sub3A_618, %sub3A_618 : vector<256x16xf32>
    %add3A_620 = arith.addf %add3A_616, %integer_pow3A_619 : vector<256x16xf32>
    %add3A_621 = arith.constant 9.99999971E-10 : f32
    %add3A_622 = vector.broadcast %add3A_621 : f32 to vector<256x16xf32>
    %add3A_623 = arith.addf %add3A_620, %add3A_622 : vector<256x16xf32>
    %sqrt3A_624 = math.sqrt %add3A_623 : vector<256x16xf32>
    %div3A_625 = arith.constant 1.200000e+00 : f32
    %div3A_626 = vector.broadcast %div3A_625 : f32 to vector<256x16xf32>
    %div3A_627 = arith.divf %sqrt3A_624, %div3A_626 : vector<256x16xf32>
    %sub3A_628 = arith.constant 1.000000e+00 : f32
    %sub3A_629 = vector.broadcast %sub3A_628 : f32 to vector<256x16xf32>
    %sub3A_630 = arith.subf %sub3A_629, %div3A_627 : vector<256x16xf32>
    %max3A_631 = arith.constant 0.000000e+00 : f32
    %max3A_632 = vector.broadcast %max3A_631 : f32 to vector<256x16xf32>
    %max3A_633 = arith.maximumf %sub3A_630, %max3A_632 : vector<256x16xf32>
    %convert_element_type3A_634 = arith.truncf %max3A_633 : vector<256x16xf32> to vector<256x16xbf16>
    %dot_general3A_635 = arith.constant dense<0.000000e+00> : vector<256x1024xf32>
    %dot_general3A_636 = tpu.matmul %convert_element_type3A_634, %convert_element_type3A, %dot_general3A_635 {dimension_numbers = #tpu.dot_dimension_numbers<[1], [0], [0], [1], [0, 0, 1, 1], [], []>, transpose_lhs_hint = false} : vector<256x16xbf16>, vector<16x1024xbf16>, vector<256x1024xf32> -> vector<256x1024xf32>
    %convert_element_type3A_637 = arith.truncf %dot_general3A_636 : vector<256x1024xf32> to vector<256x1024xbf16>
    %mul3A_638 = arith.mulf %convert_element_type3A_637, %get3A_52 : vector<256x1024xbf16>
    %get3A_639 = arith.constant 12 : index
    %get3A_640 = arith.constant 0 : index
    %get3A_641 = arith.constant 0 : index
    %get3A_642 = vector.load %arg7[%get3A_639, %get3A_640, %get3A_641] : memref<15x1024x64xbf16, #tpu.memory_space<vmem>>, vector<1x1024x64xbf16>
    %get3A_643 = vector.shape_cast %get3A_642 : vector<1x1024x64xbf16> to vector<1024x64xbf16>
    %dot_general3A_644 = arith.constant dense<0.000000e+00> : vector<256x64xf32>
    %dot_general3A_645 = tpu.matmul %mul3A_638, %get3A_643, %dot_general3A_644 {dimension_numbers = #tpu.dot_dimension_numbers<[1], [0], [0], [1], [0, 0, 1, 1], [], []>, transpose_lhs_hint = false} : vector<256x1024xbf16>, vector<1024x64xbf16>, vector<256x64xf32> -> vector<256x64xf32>
    %add3A_646 = arith.addf %add3A_600, %dot_general3A_645 : vector<256x64xf32>
    %get3A_647 = arith.constant 13 : index
    %get3A_648 = arith.constant 0 : index
    %get3A_649 = memref.load %arg8[%get3A_647, %get3A_648] : memref<15x3xf32, #tpu.memory_space<smem>>
    %get3A_650 = arith.constant 13 : index
    %get3A_651 = arith.constant 1 : index
    %get3A_652 = memref.load %arg8[%get3A_650, %get3A_651] : memref<15x3xf32, #tpu.memory_space<smem>>
    %get3A_653 = arith.constant 13 : index
    %get3A_654 = arith.constant 2 : index
    %get3A_655 = memref.load %arg8[%get3A_653, %get3A_654] : memref<15x3xf32, #tpu.memory_space<smem>>
    %sub3A_656 = vector.broadcast %get3A_649 : f32 to vector<256x16xf32>
    %sub3A_657 = arith.subf %get3A_9, %sub3A_656 : vector<256x16xf32>
    %integer_pow3A_658 = arith.mulf %sub3A_657, %sub3A_657 : vector<256x16xf32>
    %sub3A_659 = vector.broadcast %get3A_652 : f32 to vector<256x16xf32>
    %sub3A_660 = arith.subf %get3A_12, %sub3A_659 : vector<256x16xf32>
    %integer_pow3A_661 = arith.mulf %sub3A_660, %sub3A_660 : vector<256x16xf32>
    %add3A_662 = arith.addf %integer_pow3A_658, %integer_pow3A_661 : vector<256x16xf32>
    %sub3A_663 = vector.broadcast %get3A_655 : f32 to vector<256x16xf32>
    %sub3A_664 = arith.subf %get3A_15, %sub3A_663 : vector<256x16xf32>
    %integer_pow3A_665 = arith.mulf %sub3A_664, %sub3A_664 : vector<256x16xf32>
    %add3A_666 = arith.addf %add3A_662, %integer_pow3A_665 : vector<256x16xf32>
    %add3A_667 = arith.constant 9.99999971E-10 : f32
    %add3A_668 = vector.broadcast %add3A_667 : f32 to vector<256x16xf32>
    %add3A_669 = arith.addf %add3A_666, %add3A_668 : vector<256x16xf32>
    %sqrt3A_670 = math.sqrt %add3A_669 : vector<256x16xf32>
    %div3A_671 = arith.constant 1.200000e+00 : f32
    %div3A_672 = vector.broadcast %div3A_671 : f32 to vector<256x16xf32>
    %div3A_673 = arith.divf %sqrt3A_670, %div3A_672 : vector<256x16xf32>
    %sub3A_674 = arith.constant 1.000000e+00 : f32
    %sub3A_675 = vector.broadcast %sub3A_674 : f32 to vector<256x16xf32>
    %sub3A_676 = arith.subf %sub3A_675, %div3A_673 : vector<256x16xf32>
    %max3A_677 = arith.constant 0.000000e+00 : f32
    %max3A_678 = vector.broadcast %max3A_677 : f32 to vector<256x16xf32>
    %max3A_679 = arith.maximumf %sub3A_676, %max3A_678 : vector<256x16xf32>
    %convert_element_type3A_680 = arith.truncf %max3A_679 : vector<256x16xf32> to vector<256x16xbf16>
    %dot_general3A_681 = arith.constant dense<0.000000e+00> : vector<256x1024xf32>
    %dot_general3A_682 = tpu.matmul %convert_element_type3A_680, %convert_element_type3A, %dot_general3A_681 {dimension_numbers = #tpu.dot_dimension_numbers<[1], [0], [0], [1], [0, 0, 1, 1], [], []>, transpose_lhs_hint = false} : vector<256x16xbf16>, vector<16x1024xbf16>, vector<256x1024xf32> -> vector<256x1024xf32>
    %convert_element_type3A_683 = arith.truncf %dot_general3A_682 : vector<256x1024xf32> to vector<256x1024xbf16>
    %mul3A_684 = arith.mulf %convert_element_type3A_683, %get3A_52 : vector<256x1024xbf16>
    %get3A_685 = arith.constant 13 : index
    %get3A_686 = arith.constant 0 : index
    %get3A_687 = arith.constant 0 : index
    %get3A_688 = vector.load %arg7[%get3A_685, %get3A_686, %get3A_687] : memref<15x1024x64xbf16, #tpu.memory_space<vmem>>, vector<1x1024x64xbf16>
    %get3A_689 = vector.shape_cast %get3A_688 : vector<1x1024x64xbf16> to vector<1024x64xbf16>
    %dot_general3A_690 = arith.constant dense<0.000000e+00> : vector<256x64xf32>
    %dot_general3A_691 = tpu.matmul %mul3A_684, %get3A_689, %dot_general3A_690 {dimension_numbers = #tpu.dot_dimension_numbers<[1], [0], [0], [1], [0, 0, 1, 1], [], []>, transpose_lhs_hint = false} : vector<256x1024xbf16>, vector<1024x64xbf16>, vector<256x64xf32> -> vector<256x64xf32>
    %add3A_692 = arith.addf %add3A_646, %dot_general3A_691 : vector<256x64xf32>
    %get3A_693 = arith.constant 14 : index
    %get3A_694 = arith.constant 0 : index
    %get3A_695 = memref.load %arg8[%get3A_693, %get3A_694] : memref<15x3xf32, #tpu.memory_space<smem>>
    %get3A_696 = arith.constant 14 : index
    %get3A_697 = arith.constant 1 : index
    %get3A_698 = memref.load %arg8[%get3A_696, %get3A_697] : memref<15x3xf32, #tpu.memory_space<smem>>
    %get3A_699 = arith.constant 14 : index
    %get3A_700 = arith.constant 2 : index
    %get3A_701 = memref.load %arg8[%get3A_699, %get3A_700] : memref<15x3xf32, #tpu.memory_space<smem>>
    %sub3A_702 = vector.broadcast %get3A_695 : f32 to vector<256x16xf32>
    %sub3A_703 = arith.subf %get3A_9, %sub3A_702 : vector<256x16xf32>
    %integer_pow3A_704 = arith.mulf %sub3A_703, %sub3A_703 : vector<256x16xf32>
    %sub3A_705 = vector.broadcast %get3A_698 : f32 to vector<256x16xf32>
    %sub3A_706 = arith.subf %get3A_12, %sub3A_705 : vector<256x16xf32>
    %integer_pow3A_707 = arith.mulf %sub3A_706, %sub3A_706 : vector<256x16xf32>
    %add3A_708 = arith.addf %integer_pow3A_704, %integer_pow3A_707 : vector<256x16xf32>
    %sub3A_709 = vector.broadcast %get3A_701 : f32 to vector<256x16xf32>
    %sub3A_710 = arith.subf %get3A_15, %sub3A_709 : vector<256x16xf32>
    %integer_pow3A_711 = arith.mulf %sub3A_710, %sub3A_710 : vector<256x16xf32>
    %add3A_712 = arith.addf %add3A_708, %integer_pow3A_711 : vector<256x16xf32>
    %add3A_713 = arith.constant 9.99999971E-10 : f32
    %add3A_714 = vector.broadcast %add3A_713 : f32 to vector<256x16xf32>
    %add3A_715 = arith.addf %add3A_712, %add3A_714 : vector<256x16xf32>
    %sqrt3A_716 = math.sqrt %add3A_715 : vector<256x16xf32>
    %div3A_717 = arith.constant 1.200000e+00 : f32
    %div3A_718 = vector.broadcast %div3A_717 : f32 to vector<256x16xf32>
    %div3A_719 = arith.divf %sqrt3A_716, %div3A_718 : vector<256x16xf32>
    %sub3A_720 = arith.constant 1.000000e+00 : f32
    %sub3A_721 = vector.broadcast %sub3A_720 : f32 to vector<256x16xf32>
    %sub3A_722 = arith.subf %sub3A_721, %div3A_719 : vector<256x16xf32>
    %max3A_723 = arith.constant 0.000000e+00 : f32
    %max3A_724 = vector.broadcast %max3A_723 : f32 to vector<256x16xf32>
    %max3A_725 = arith.maximumf %sub3A_722, %max3A_724 : vector<256x16xf32>
    %convert_element_type3A_726 = arith.truncf %max3A_725 : vector<256x16xf32> to vector<256x16xbf16>
    %dot_general3A_727 = arith.constant dense<0.000000e+00> : vector<256x1024xf32>
    %dot_general3A_728 = tpu.matmul %convert_element_type3A_726, %convert_element_type3A, %dot_general3A_727 {dimension_numbers = #tpu.dot_dimension_numbers<[1], [0], [0], [1], [0, 0, 1, 1], [], []>, transpose_lhs_hint = false} : vector<256x16xbf16>, vector<16x1024xbf16>, vector<256x1024xf32> -> vector<256x1024xf32>
    %convert_element_type3A_729 = arith.truncf %dot_general3A_728 : vector<256x1024xf32> to vector<256x1024xbf16>
    %mul3A_730 = arith.mulf %convert_element_type3A_729, %get3A_52 : vector<256x1024xbf16>
    %get3A_731 = arith.constant 14 : index
    %get3A_732 = arith.constant 0 : index
    %get3A_733 = arith.constant 0 : index
    %get3A_734 = vector.load %arg7[%get3A_731, %get3A_732, %get3A_733] : memref<15x1024x64xbf16, #tpu.memory_space<vmem>>, vector<1x1024x64xbf16>
    %get3A_735 = vector.shape_cast %get3A_734 : vector<1x1024x64xbf16> to vector<1024x64xbf16>
    %dot_general3A_736 = arith.constant dense<0.000000e+00> : vector<256x64xf32>
    %dot_general3A_737 = tpu.matmul %mul3A_730, %get3A_735, %dot_general3A_736 {dimension_numbers = #tpu.dot_dimension_numbers<[1], [0], [0], [1], [0, 0, 1, 1], [], []>, transpose_lhs_hint = false} : vector<256x1024xbf16>, vector<1024x64xbf16>, vector<256x64xf32> -> vector<256x64xf32>
    %add3A_738 = arith.addf %add3A_692, %dot_general3A_737 : vector<256x64xf32>
    %transpose3A = tpu.transpose %add3A_738, [1, 0] : vector<256x64xf32> -> vector<64x256xf32>
    %swap3A = arith.constant 0 : index
    %swap3A_739 = arith.constant 0 : index
    %swap3A_740 = arith.constant 0 : index
    %swap3A_741 = vector.load %arg9[%swap3A, %swap3A_739, %swap3A_740] : memref<1x64x256xf32, #tpu.memory_space<vmem>>, vector<1x64x256xf32>
    %swap3A_742 = vector.shape_cast %swap3A_741 : vector<1x64x256xf32> to vector<64x256xf32>
    %swap3A_743 = vector.shape_cast %transpose3A : vector<64x256xf32> to vector<1x64x256xf32>
    tpu.vector_store %arg9[%swap3A, %swap3A_739, %swap3A_740], %swap3A_743 {strides = array<i32>} : memref<1x64x256xf32, #tpu.memory_space<vmem>>, vector<1x64x256xf32>,
    %convert_element_type3A_744 = arith.truncf %select_n3A : vector<256x16xf32> to vector<256x16xbf16>
    %dot_general3A_745 = arith.constant dense<0.000000e+00> : vector<256x1024xf32>
    %dot_general3A_746 = tpu.matmul %convert_element_type3A_744, %convert_element_type3A, %dot_general3A_745 {dimension_numbers = #tpu.dot_dimension_numbers<[1], [0], [0], [1], [0, 0, 1, 1], [], []>, transpose_lhs_hint = false} : vector<256x16xbf16>, vector<16x1024xbf16>, vector<256x1024xf32> -> vector<256x1024xf32>
    %get3A_747 = arith.constant 0 : index
    %get3A_748 = arith.constant 0 : index
    %get3A_749 = vector.load %arg6[%get3A_747, %get3A_748] : memref<256x1024xbf16, #tpu.memory_space<vmem>>, vector<256x1024xbf16>
    %convert_element_type3A_750 = arith.truncf %dot_general3A_746 : vector<256x1024xf32> to vector<256x1024xbf16>
    %mul3A_751 = arith.mulf %get3A_749, %convert_element_type3A_750 : vector<256x1024xbf16>
    %slice3A_752 = vector.extract_strided_slice %mul3A_751 {offsets = [0, 0], sizes = [256, 64], strides = [1, 1]} : vector<256x1024xbf16> to vector<256x64xbf16>
    %slice3A_753 = vector.extract_strided_slice %mul3A_751 {offsets = [0, 64], sizes = [256, 64], strides = [1, 1]} : vector<256x1024xbf16> to vector<256x64xbf16>
    %max3A_754 = arith.maximumf %slice3A_752, %slice3A_753 : vector<256x64xbf16>
    %slice3A_755 = vector.extract_strided_slice %mul3A_751 {offsets = [0, 128], sizes = [256, 64], strides = [1, 1]} : vector<256x1024xbf16> to vector<256x64xbf16>
    %max3A_756 = arith.maximumf %max3A_754, %slice3A_755 : vector<256x64xbf16>
    %slice3A_757 = vector.extract_strided_slice %mul3A_751 {offsets = [0, 192], sizes = [256, 64], strides = [1, 1]} : vector<256x1024xbf16> to vector<256x64xbf16>
    %max3A_758 = arith.maximumf %max3A_756, %slice3A_757 : vector<256x64xbf16>
    %slice3A_759 = vector.extract_strided_slice %mul3A_751 {offsets = [0, 256], sizes = [256, 64], strides = [1, 1]} : vector<256x1024xbf16> to vector<256x64xbf16>
    %max3A_760 = arith.maximumf %max3A_758, %slice3A_759 : vector<256x64xbf16>
    %slice3A_761 = vector.extract_strided_slice %mul3A_751 {offsets = [0, 320], sizes = [256, 64], strides = [1, 1]} : vector<256x1024xbf16> to vector<256x64xbf16>
    %max3A_762 = arith.maximumf %max3A_760, %slice3A_761 : vector<256x64xbf16>
    %slice3A_763 = vector.extract_strided_slice %mul3A_751 {offsets = [0, 384], sizes = [256, 64], strides = [1, 1]} : vector<256x1024xbf16> to vector<256x64xbf16>
    %max3A_764 = arith.maximumf %max3A_762, %slice3A_763 : vector<256x64xbf16>
    %slice3A_765 = vector.extract_strided_slice %mul3A_751 {offsets = [0, 448], sizes = [256, 64], strides = [1, 1]} : vector<256x1024xbf16> to vector<256x64xbf16>
    %max3A_766 = arith.maximumf %max3A_764, %slice3A_765 : vector<256x64xbf16>
    %slice3A_767 = vector.extract_strided_slice %mul3A_751 {offsets = [0, 512], sizes = [256, 64], strides = [1, 1]} : vector<256x1024xbf16> to vector<256x64xbf16>
    %max3A_768 = arith.maximumf %max3A_766, %slice3A_767 : vector<256x64xbf16>
    %slice3A_769 = vector.extract_strided_slice %mul3A_751 {offsets = [0, 576], sizes = [256, 64], strides = [1, 1]} : vector<256x1024xbf16> to vector<256x64xbf16>
    %max3A_770 = arith.maximumf %max3A_768, %slice3A_769 : vector<256x64xbf16>
    %slice3A_771 = vector.extract_strided_slice %mul3A_751 {offsets = [0, 640], sizes = [256, 64], strides = [1, 1]} : vector<256x1024xbf16> to vector<256x64xbf16>
    %max3A_772 = arith.maximumf %max3A_770, %slice3A_771 : vector<256x64xbf16>
    %slice3A_773 = vector.extract_strided_slice %mul3A_751 {offsets = [0, 704], sizes = [256, 64], strides = [1, 1]} : vector<256x1024xbf16> to vector<256x64xbf16>
    %max3A_774 = arith.maximumf %max3A_772, %slice3A_773 : vector<256x64xbf16>
    %slice3A_775 = vector.extract_strided_slice %mul3A_751 {offsets = [0, 768], sizes = [256, 64], strides = [1, 1]} : vector<256x1024xbf16> to vector<256x64xbf16>
    %max3A_776 = arith.maximumf %max3A_774, %slice3A_775 : vector<256x64xbf16>
    %slice3A_777 = vector.extract_strided_slice %mul3A_751 {offsets = [0, 832], sizes = [256, 64], strides = [1, 1]} : vector<256x1024xbf16> to vector<256x64xbf16>
    %max3A_778 = arith.maximumf %max3A_776, %slice3A_777 : vector<256x64xbf16>
    %slice3A_779 = vector.extract_strided_slice %mul3A_751 {offsets = [0, 896], sizes = [256, 64], strides = [1, 1]} : vector<256x1024xbf16> to vector<256x64xbf16>
    %max3A_780 = arith.maximumf %max3A_778, %slice3A_779 : vector<256x64xbf16>
    %slice3A_781 = vector.extract_strided_slice %mul3A_751 {offsets = [0, 960], sizes = [256, 64], strides = [1, 1]} : vector<256x1024xbf16> to vector<256x64xbf16>
    %max3A_782 = arith.maximumf %max3A_780, %slice3A_781 : vector<256x64xbf16>
    %convert_element_type3A_783 = arith.extf %max3A_782 : vector<256x64xbf16> to vector<256x64xf32>
    %transpose3A_784 = tpu.transpose %convert_element_type3A_783, [1, 0] : vector<256x64xf32> -> vector<64x256xf32>
    %swap3A_785 = arith.constant 0 : index
    %swap3A_786 = arith.constant 0 : index
    %swap3A_787 = arith.constant 0 : index
    %swap3A_788 = vector.load %arg10[%swap3A_785, %swap3A_786, %swap3A_787] : memref<1x64x256xf32, #tpu.memory_space<vmem>>, vector<1x64x256xf32>
    %swap3A_789 = vector.shape_cast %swap3A_788 : vector<1x64x256xf32> to vector<64x256xf32>
    %swap3A_790 = vector.shape_cast %transpose3A_784 : vector<64x256xf32> to vector<1x64x256xf32>
    tpu.vector_store %arg10[%swap3A_785, %swap3A_786, %swap3A_787], %swap3A_790 {strides = array<i32>} : memref<1x64x256xf32, #tpu.memory_space<vmem>>, vector<1x64x256xf32>,
    return
  }
  func.func @transform_0(%arg0: i32) -> (i32, i32) {
    %c0_i32 = arith.constant 0 : i32
    %c0_i32_0 = arith.constant 0 : i32
    return %arg0, %c0_i32 : i32, i32
  }
  func.func @transform_1(%arg0: i32) -> (i32, i32) {
    %c0_i32 = arith.constant 0 : i32
    %c0_i32_0 = arith.constant 0 : i32
    return %arg0, %c0_i32 : i32, i32
  }
  func.func @transform_2(%arg0: i32) -> (i32, i32) {
    %c0_i32 = arith.constant 0 : i32
    %c0_i32_0 = arith.constant 0 : i32
    return %arg0, %c0_i32 : i32, i32
  }
  func.func @transform_3(%arg0: i32) -> (i32, i32) {
    %c0_i32 = arith.constant 0 : i32
    %c0_i32_0 = arith.constant 0 : i32
    return %arg0, %c0_i32 : i32, i32
  }
  func.func @transform_4(%arg0: i32) -> (i32, i32) {
    %c0_i32 = arith.constant 0 : i32
    %c0_i32_0 = arith.constant 0 : i32
    return %arg0, %c0_i32 : i32, i32
  }
  func.func @transform_5(%arg0: i32) -> (i32, i32) {
    %c0_i32 = arith.constant 0 : i32
    %c0_i32_0 = arith.constant 0 : i32
    return %arg0, %c0_i32 : i32, i32
  }
  func.func @transform_6(%arg0: i32) -> (i32, i32, i32) {
    %c0_i32 = arith.constant 0 : i32
    %c0_i32_0 = arith.constant 0 : i32
    %c0_i32_1 = arith.constant 0 : i32
    %c0_i32_2 = arith.constant 0 : i32
    return %c0_i32, %c0_i32_0, %c0_i32_1 : i32, i32, i32
  }
  func.func @transform_7(%arg0: i32) -> (i32, i32) {
    %c0_i32 = arith.constant 0 : i32
    %c0_i32_0 = arith.constant 0 : i32
    %c0_i32_1 = arith.constant 0 : i32
    return %c0_i32, %c0_i32_0 : i32, i32
  }
  func.func @transform_8(%arg0: i32) -> (i32, i32, i32) {
    %jit3A = arith.constant 16 : i32
    %div3A = arith.divsi %arg0, %jit3A : i32
    %sign3A = arith.constant 0 : i32
    %sign3A_0 = arith.cmpi sgt, %arg0, %sign3A : i32
    %sign3A_1 = arith.extui %sign3A_0 : i1 to i32
    %sign3A_2 = arith.constant 0 : i32
    %sign3A_3 = arith.cmpi slt, %arg0, %sign3A_2 : i32
    %sign3A_4 = arith.extui %sign3A_3 : i1 to i32
    %sign3A_5 = arith.subi %sign3A_1, %sign3A_4 : i32
    %sign3A_6 = arith.constant 0 : i32
    %sign3A_7 = arith.cmpi sgt, %jit3A, %sign3A_6 : i32
    %sign3A_8 = arith.extui %sign3A_7 : i1 to i32
    %sign3A_9 = arith.constant 0 : i32
    %sign3A_10 = arith.cmpi slt, %jit3A, %sign3A_9 : i32
    %sign3A_11 = arith.extui %sign3A_10 : i1 to i32
    %sign3A_12 = arith.subi %sign3A_8, %sign3A_11 : i32
    %ne3A = arith.cmpi ne, %sign3A_5, %sign3A_12 : i32
    %rem3A = arith.remsi %arg0, %jit3A : i32
    %ne3A_13 = arith.constant 0 : i32
    %ne3A_14 = arith.cmpi ne, %rem3A, %ne3A_13 : i32
    %and3A = arith.andi %ne3A, %ne3A_14 : i1
    %sub3A = arith.constant 1 : i32
    %sub3A_15 = arith.subi %div3A, %sub3A : i32
    %select_n3A = arith.select %and3A, %sub3A_15, %div3A : i32
    %jit3A_16 = arith.constant 16 : i32
    %eq3A = arith.constant 0 : i32
    %eq3A_17 = arith.cmpi eq, %jit3A_16, %eq3A : i32
    %jit3A_18 = arith.constant 1 : i32
    %select_n3A_19 = arith.select %eq3A_17, %jit3A_18, %jit3A_16 : i32
    %rem3A_20 = arith.remsi %arg0, %select_n3A_19 : i32
    %ne3A_21 = arith.constant 0 : i32
    %ne3A_22 = arith.cmpi ne, %rem3A_20, %ne3A_21 : i32
    %lt3A = arith.constant 0 : i32
    %lt3A_23 = arith.cmpi slt, %rem3A_20, %lt3A : i32
    %lt3A_24 = arith.constant 0 : i32
    %lt3A_25 = arith.cmpi slt, %select_n3A_19, %lt3A_24 : i32
    %ne3A_26 = arith.xori %lt3A_23, %lt3A_25 : i1
    %and3A_27 = arith.andi %ne3A_26, %ne3A_22 : i1
    %add3A = arith.addi %rem3A_20, %select_n3A_19 : i32
    %select_n3A_28 = arith.select %and3A_27, %add3A, %rem3A_20 : i32
    %c0_i32 = arith.constant 0 : i32
    %c0_i32_29 = arith.constant 0 : i32
    return %select_n3A, %c0_i32, %select_n3A_28 : i32, i32, i32
  }
  func.func @transform_9(%arg0: i32) -> (i32, i32, i32) {
    %jit3A = arith.constant 16 : i32
    %div3A = arith.divsi %arg0, %jit3A : i32
    %sign3A = arith.constant 0 : i32
    %sign3A_0 = arith.cmpi sgt, %arg0, %sign3A : i32
    %sign3A_1 = arith.extui %sign3A_0 : i1 to i32
    %sign3A_2 = arith.constant 0 : i32
    %sign3A_3 = arith.cmpi slt, %arg0, %sign3A_2 : i32
    %sign3A_4 = arith.extui %sign3A_3 : i1 to i32
    %sign3A_5 = arith.subi %sign3A_1, %sign3A_4 : i32
    %sign3A_6 = arith.constant 0 : i32
    %sign3A_7 = arith.cmpi sgt, %jit3A, %sign3A_6 : i32
    %sign3A_8 = arith.extui %sign3A_7 : i1 to i32
    %sign3A_9 = arith.constant 0 : i32
    %sign3A_10 = arith.cmpi slt, %jit3A, %sign3A_9 : i32
    %sign3A_11 = arith.extui %sign3A_10 : i1 to i32
    %sign3A_12 = arith.subi %sign3A_8, %sign3A_11 : i32
    %ne3A = arith.cmpi ne, %sign3A_5, %sign3A_12 : i32
    %rem3A = arith.remsi %arg0, %jit3A : i32
    %ne3A_13 = arith.constant 0 : i32
    %ne3A_14 = arith.cmpi ne, %rem3A, %ne3A_13 : i32
    %and3A = arith.andi %ne3A, %ne3A_14 : i1
    %sub3A = arith.constant 1 : i32
    %sub3A_15 = arith.subi %div3A, %sub3A : i32
    %select_n3A = arith.select %and3A, %sub3A_15, %div3A : i32
    %jit3A_16 = arith.constant 16 : i32
    %eq3A = arith.constant 0 : i32
    %eq3A_17 = arith.cmpi eq, %jit3A_16, %eq3A : i32
    %jit3A_18 = arith.constant 1 : i32
    %select_n3A_19 = arith.select %eq3A_17, %jit3A_18, %jit3A_16 : i32
    %rem3A_20 = arith.remsi %arg0, %select_n3A_19 : i32
    %ne3A_21 = arith.constant 0 : i32
    %ne3A_22 = arith.cmpi ne, %rem3A_20, %ne3A_21 : i32
    %lt3A = arith.constant 0 : i32
    %lt3A_23 = arith.cmpi slt, %rem3A_20, %lt3A : i32
    %lt3A_24 = arith.constant 0 : i32
    %lt3A_25 = arith.cmpi slt, %select_n3A_19, %lt3A_24 : i32
    %ne3A_26 = arith.xori %lt3A_23, %lt3A_25 : i1
    %and3A_27 = arith.andi %ne3A_26, %ne3A_22 : i1
    %add3A = arith.addi %rem3A_20, %select_n3A_19 : i32
    %select_n3A_28 = arith.select %and3A_27, %add3A, %rem3A_20 : i32
    %c0_i32 = arith.constant 0 : i32
    %c0_i32_29 = arith.constant 0 : i32
    return %select_n3A, %c0_i32, %select_n3A_28 : i32, i32, i32
  }
}

</mosaic_0001>

<sc_bundles>
// kernel: kernel.4.cloned.1.call-start
scs
__scs_entry_jumppad:
0x0: {  	(pc) =	sbr.rel $0x88, $3  }
0x1: {  	(tag) =	ssettag $0x0;
	lr =	simm.s32 $0x1  }
0x2: {  	[smem:$0x3F9C] =	sst lr;
	_ =	strace $0xD0000000  }
0x3: {  	_ = 	snop  }
0x4: {  	_ = 	snop  }
0x5: {  	_ = 	snop  }
0x6: {  	_ = 	snop  }
0x7: {  	_ = 	snop  }
__scs_overlays_trampoline_lowered:
0x8: {  	[smem:$0x3FAB] =	sst s0  }
0x9: {  	[smem:$0x3FAC] =	sst s1  }
0xa: {  	[smem:$0x3FAD] =	sst s2  }
0xb: {  	[smem:$0x3FAE] =	sst s3  }
0xc: {  	[smem:$0x3FAF] =	sst s4  }
0xd: {  	[smem:$0x3FB0] =	sst s5  }
0xe: {  	[smem:$0x3FB1] =	sst s6  }
0xf: {  	[smem:$0x3FB2] =	sst s7  }
0x10: {  	[smem:$0x3FB3] =	sst s8  }
0x11: {  	[smem:$0x3FB4] =	sst s9;
	s0 =	simm.s32 @!p0 $0x0  }
0x12: {  	s1 =	sld [smem:$0x3F9A];
	s0 =	simm.s32 @p0 $0x1  }
0x13: {  	[smem:$0x3FB5] =	sst s0;
	s0 =	simm.s32 @!p1 $0x0  }
0x14: {  	s2 =	sld [smem:$0x3F99];
	s0 =	simm.s32 @p1 $0x1  }
0x15: {  	[smem:$0x3FB6] =	sst s0;
	s0 =	simm.s32 @!p2 $0x0  }
0x16: {  	s3 =	sld [smem:$0x3FDB];
	s0 =	simm.s32 @p2 $0x1  }
0x17: {  	s4 =	simm.s32 $0x1BF5;
	[smem:$0x3FB8] =	sst s0  }
0x18: {  	s0 =	sld [smem:$0x3F9B];
	_ =	swait.ge [sflag:s4], $0x0  }
0x19: {  	s7 =	sld [smem:$0x3F9C]  }
0x1a: {  	s8 =	sadd.s32 $0xFFFFE003, lr  }
0x1b: {  	s9 =	sadd.s32 $0xFFFFFEF7, lr;
	s5 =	simm.s32 $0xFFFFFFFF;
	p2 =	slt.u32 s8, $0xFFFFF086  }
0x1c: {  	p1 =	slt.u32 s9, $0xF7A;
	s5 =	simm.s32 @!p2 $0x0  }
0x1d: {  	s5 =	simm.s32 @p1 $0x1;
	p0 =	seq.s32 s7, s2  }
0x1e: {  	s7 =	smul.u32 @!p0 $0xF7A, s2;
	p2 =	seq.s32 @!p0 s5, $0x0  }
0x1f: {  	s9 =	smul.u32 $0xF7A, s1;
	s8 =	simm.s32 @!p0 $0x1BF5;
	p2 =	por !p2, p0  }
0x20: {  	[sflag:s8] =	ssyncset.s32 @!p0 $0xFFFFF086;
	s6 =	sadd.s32 @!p0 s3, s7;
	s7 =	simm.s32 @!p0 $0x108  }
0x21: {  	s3 =	sadd.s32 s3, s9;
	s6 =	sadd.s32 @!p0 $0x88, s6;
	s7 =	simm.s32 @p2 $0x1082  }
0x22: {  	[simem:s7], [sflag:s8] =	dma.local @!p0 [hbm:s6], $0xF7A  }
0x23: {  	s9 =	sor.u32 $0xD0000000, s2;
	s6 =	simm.s32 $0x108;
	_ =	swait.ge @!p0 [sflag:s8], $0x0  }
0x24: {  	s3 =	sadd.s32 $0x88, s3;
	s6 =	simm.s32 @!p1 $0x1082;
	[sflag:s4] =	ssyncset.s32 $0xFFFFF086  }
0x25: {  	[simem:s6], [sflag:s4] =	dma.local [hbm:s3], $0xF7A  }
0x26: {  	[smem:$0x3F9C] =	sst s1;
	(tag) =	ssettag s2;
	_ =	strace s9  }
0x27: {  	s1 =	sld [smem:$0x3FAC]  }
0x28: {  	s2 =	sld [smem:$0x3FAD]  }
0x29: {  	s4 =	sld [smem:$0x3FAF]  }
0x2a: {  	p0 =	seq.s32 s5, $0x0;
	s5 =	sld [smem:$0x3FB0]  }
0x2b: {  	s6 =	sld [smem:$0x3FB1]  }
0x2c: {  	s7 =	sld [smem:$0x3FB2]  }
0x2d: {  	s3 =	simm.s32 $0x108;
	s8 =	sld [smem:$0x3FB3]  }
0x2e: {  	s3 =	simm.s32 @!p0 $0x1082;
	s9 =	sld [smem:$0x3FB4]  }
0x2f: {  	lr =	sadd.s32 s0, s3;
	s0 =	sld [smem:$0x3FAB]  }
0x30: {  	s3 =	sld [smem:$0x3FAE]  }
0x31: {  	[smem:$0x3FB7] =	sst s10  }
0x32: {  	s10 =	sld [smem:$0x3FB5];
	_ =	sdelay $0x3  }
0x33: {  	p0 =	seq.s32 s10, $0x1;
	s10 =	sld [smem:$0x3FB7];
	_ =	sdelay $0x3  }
0x34: {  	[smem:$0x3FB7] =	sst s10  }
0x35: {  	s10 =	sld [smem:$0x3FB6];
	_ =	sdelay $0x3  }
0x36: {  	p1 =	seq.s32 s10, $0x1;
	s10 =	sld [smem:$0x3FB7];
	_ =	sdelay $0x3  }
0x37: {  	[smem:$0x3FB7] =	sst s10  }
0x38: {  	s10 =	sld [smem:$0x3FB8]  }
0x39: {  	_ = 	snop;
	(pc) =	sbr.ind lr, $3  }
0x3a: {  	_ = 	snop  }
0x3b: {  	_ = 	snop  }
0x3c: {  	p2 =	seq.s32 s10, $0x1;
	s10 =	sld [smem:$0x3FB7]  }
0x3d: {  	_ =	shalt  }
0x3e: {  	_ =	shalt  }
0x3f: {  	_ =	shalt  }
0x40: {  	_ =	shalt  }
0x41: {  	_ =	shalt  }
0x42: {  	_ =	shalt  }
0x43: {  	_ =	shalt  }
0x44: {  	_ =	shalt  }
0x45: {  	_ =	shalt  }
0x46: {  	_ =	shalt  }
0x47: {  	_ =	shalt  }
0x48: {  	_ =	shalt  }
0x49: {  	_ =	shalt  }
0x4a: {  	_ =	shalt  }
0x4b: {  	_ =	shalt  }
0x4c: {  	_ =	shalt  }
0x4d: {  	_ =	shalt  }
0x4e: {  	_ =	shalt  }
0x4f: {  	_ =	shalt  }
0x50: {  	_ =	shalt  }
0x51: {  	_ =	shalt  }
0x52: {  	_ =	shalt  }
0x53: {  	_ =	shalt  }
0x54: {  	_ =	shalt  }
0x55: {  	_ =	shalt  }
0x56: {  	_ =	shalt  }
0x57: {  	_ =	shalt  }
0x58: {  	_ =	shalt  }
0x59: {  	_ =	shalt  }
0x5a: {  	_ =	shalt  }
0x5b: {  	_ =	shalt  }
0x5c: {  	_ =	shalt  }
0x5d: {  	_ =	shalt  }
0x5e: {  	_ =	shalt  }
0x5f: {  	_ =	shalt  }
0x60: {  	_ =	shalt  }
0x61: {  	_ =	shalt  }
0x62: {  	_ =	shalt  }
0x63: {  	_ =	shalt  }
0x64: {  	_ =	shalt  }
0x65: {  	_ =	shalt  }
0x66: {  	_ =	shalt  }
0x67: {  	_ =	shalt  }
0x68: {  	_ =	shalt  }
0x69: {  	_ =	shalt  }
0x6a: {  	_ =	shalt  }
0x6b: {  	_ =	shalt  }
0x6c: {  	_ =	shalt  }
0x6d: {  	_ =	shalt  }
0x6e: {  	_ =	shalt  }
0x6f: {  	_ =	shalt  }
0x70: {  	_ =	shalt  }
0x71: {  	_ =	shalt  }
0x72: {  	_ =	shalt  }
0x73: {  	_ =	shalt  }
0x74: {  	_ =	shalt  }
0x75: {  	_ =	shalt  }
0x76: {  	_ =	shalt  }
0x77: {  	_ =	shalt  }
0x78: {  	_ =	shalt  }
0x79: {  	_ =	shalt  }
0x7a: {  	_ =	shalt  }
0x7b: {  	_ =	shalt  }
0x7c: {  	_ =	shalt  }
0x7d: {  	_ =	shalt  }
0x7e: {  	_ =	shalt  }
0x7f: {  	_ =	shalt  }
0x80: {  	_ =	shalt  }
0x81: {  	_ =	shalt  }
0x82: {  	_ =	shalt  }
0x83: {  	_ =	shalt  }
0x84: {  	_ =	shalt  }
0x85: {  	_ =	shalt  }
0x86: {  	_ =	shalt  }
0x87: {  	_ =	shalt  }
.Lfunc_end0:
.L_simem_size_0:
called_computation_lowered:
.L_overlay_start_0:
0x88: {  	s2 =	sld [smem:$0x3FD9]  }
0x89: {  	s3 =	sld [smem:$0x3FFE];
	_ =	sdelay $0x1  }
0x8a: {  	s1 =	srdreg.scid  }
0x8b: {  	s0 =	sand.u32 $0x1, s1  }
0x8c: {  	s14 =	sshll.u32 s0, $0xA;
	s2 =	sadd.s32 s3, s2  }
0x8d: {  	s2 =	sadd.s32 s2, s14  }
0x8e: {  	[smem:$0x3FC3] =	sst s2  }
0x8f: {  	_ = 	snop  }
0x90: {  	s2 =	sld [smem:$0x3FD0];
	_ =	sdelay $0x2  }
0x91: {  	s15 =	simm.s32 $0xA;
	s4 =	simm.s32 $0x10  }
0x92: {  	[smem:s4], [sflag:s15] =	dma.local [hbm:s2], $0x1  }
0x93: {  	_ =	swait.eq [sflag:s15], $0x1  }
0x94: {  	s16 =	sld [smem:$0x10]  }
0x95: {  	s17 =	sld [smem:$0x11];
	[sflag:s15] =	ssyncset.done $0x0  }
0x96: {  	s5 =	sld [smem:$0x12];
	[sflag:s15] =	ssyncadd.s32 $0xFFFFFFFF  }
0x97: {  	s18 =	sld [smem:$0x13];
	(tm) =	ssettm $0x1  }
0x98: {  	s6 =	sld [smem:$0x3FFB];
	_ =	sdelay $0x3  }
0x99: {  	_ =	strace s6  }
0x9a: {  	s6 =	sld [smem:$0x3FFC];
	_ =	sdelay $0x3  }
0x9b: {  	_ =	strace s6  }
0x9c: {  	s6 =	sld [smem:$0x3FFD];
	_ =	sdelay $0x3  }
0x9d: {  	_ =	strace s6  }
0x9e: {  	_ =	strace $0x8FFFFFFF  }
0x9f: {  	s19 =	sld [smem:$0x3FDB];
	_ =	sdelay $0x1  }
0xa0: {  	s7 =	simm.s32 $_scs_section_size  }
0xa1: {  	s8 =	simm.s32 $_size__tile_overlayer_lowered;
	s9 =	simm.s32 $_tile_overlayer_lowered  }
0xa2: {  	s22 =	simm.s32 $0x1BFF;
	s21 =	sshll.u32 s9, $0x1;
	s6 =	sadd.s32 s7, s19  }
0xa3: {  	s10 =	simm.s32 $0x0;
	s20 =	sshll.u32 s8, $0x1;
	s8 =	sadd.s32 s21, s6  }
0xa4: {  	[timem:s10], [sflag:s22] =	dma.local [hbm:s8], s20  }
0xa5: {  	_ =	swait.ge [sflag:s22], s20  }
0xa6: {  	s7 =	ssub.s32 $0x0, s20;
	[sflag:s22] =	ssyncset.done $0x0  }
0xa7: {  	[sflag:s22] =	ssyncadd.s32 s7;
	_ =	sdelay $0x1  }
0xa8: {  	s23 =	simm.s32 $0x1B8B  }
0xa9: {  	_ =	swait.ge [sflag:s23], $0x1  }
0xaa: {  	[sflag:s23] =	ssyncset.done $0x0  }
0xab: {  	s25 =	simm.s32 $0x1B8E;
	s24 =	sld [smem:$0x3FFE];
	[sflag:s23] =	ssyncadd.s32 $0xFFFFFFFF  }
0xac: {  	s26 =	simm.s32 $execute0_lowered;
	[smem:$0x3FD2] =	sst s25  }
0xad: {  	s8 =	sshll.u32 s26, $0x1;
	_ =	strace $0x80000046;
	[dreg:$0x1] =	wrdreg $0xFFFFFFFF  }
0xae: {  	s28 =	simm.s32 $_size_execute0_lowered;
	s6 =	sadd.s32 s6, s8;
	[dreg:$0x0] =	wrdreg $0x0  }
0xaf: {  	s8 =	sshll.u32 s28, $0x1;
	[dreg:$0x2] =	wrdreg s6  }
0xb0: {  	[dreg:$0x3] =	wrdreg s8  }
0xb1: {  	[dreg:$0x4] =	wrdreg $0xC0  }
0xb2: {  	_ =	task [dreg:s10], $0x5FFFF  }
0xb3: {  	[dreg:$0x1] =	wrdreg $0xFFFFFFFF  }
0xb4: {  	[dreg:$0x0] =	wrdreg $0x60  }
0xb5: {  	[dreg:$0x2] =	wrdreg s17  }
0xb6: {  	[dreg:$0x3] =	wrdreg s24  }
0xb7: {  	[dreg:$0x4] =	wrdreg s5  }
0xb8: {  	[dreg:$0x5] =	wrdreg s16  }
0xb9: {  	[dreg:$0x6] =	wrdreg s18  }
0xba: {  	[dreg:$0x7] =	wrdreg $0x9  }
0xbb: {  	_ =	task.clear_ibuf [dreg:s10], $0x8FFFF;
	_ =	strace $0x90000046  }
0xbc: {  	s29 =	simm.s32 $0x9;
	_ =	strace $0x80000048  }
0xbd: {  	_ =	swait.ge [sflag:s29], $0x1  }
0xbe: {  	[sflag:s29] =	ssyncadd.s32 $0xFFFFFFFF  }
0xbf: {  	_ =	strace $0x90000048  }
0xc0: {  	_ =	sfence  }
0xc1: {  	s30 =	sld [smem:$0x0];
	_ =	sdelay $0x2  }
0xc2: {  	s31 =	sshll.u32 s1, $0xD;
	s1 =	sshrl.u32 s1, $0x2  }
0xc3: {  	s3 =	sand.u32 $0x4000, s31;
	s1 =	sadd.s32 s1, s30  }
0xc4: {  	s0 =	sor.u32 s3, s0;
	s1 =	sshll.u32 s1, $0x11  }
0xc5: {  	s0 =	sor.u32 s1, s0  }
0xc6: {  	s0 =	sadd.s32 $0x8F2B, s0  }
0xc7: {  	[sflag:s0] =	ssyncadd.remote.s32 $0x1  }
0xc8: {  	_ =	sfence.sel $0xFFFF  }
0xc9: {  	[dreg:$0x0] =	wrdreg $0xFFFFFFFF;
	(pc) =	sbr.abs _section_cstart, $3  }
0xca: {  	[dreg:$0x1] =	wrdreg $0xFFFFFFFF  }
0xcb: {  	_ =	task.clear_ibuf [dreg:s10], $0x2FFFF;
	_ =	strace $0x9FFFFFFF  }
0xcc: {  	(tm) =	ssettm $0x7FFFFFFF  }
0xcd: {  	_ =	shalt  }
tec
execute0_lowered:
.L_overlay_start_1:
0x0: {  	(tag) =	ssettag $0x1  }
0x1: {  	s0 =	rddreg [dreg:$0x0]  }
0x2: {  	s1 =	rddreg [dreg:$0x1]  }
0x3: {  	s14 =	rddreg [dreg:$0x4]  }
0x4: {  	s2 =	srdreg.scid;
	s4 =	simm.s32 $0x0;
	s10 =	stileid.u32  }
0x5: {  	s2 =	sand.u32 $0x1, s2;
	[smem:$0x7FF] =	sst s4;
	s6 =	sadd.s32 $0x10A000, s1  }
0x6: {  	s7 =	sadd.s32 $0x106000, s1;
	s8 =	sadd.s32 $0x102000, s1;
	s9 =	sadd.s32 $0x2000, s1  }
0x7: {  	s10 =	sshll.u32 s10, $0x8;
	s11 =	sadd.s32 $0x82000, s1;
	s3 =	sshll.u32 s2, $0x9  }
0x8: {  	_ =	strace $0x80000047;
	s12 =	ssub.s32 $0x2, s2;
	s2 =	sshll.u32 s2, $0xC  }
0x9: {  	s5 =	sadd.s32 s3, s1;
	s13 =	sshrl.u32 s12, $0x1;
	s0 =	sadd.s32 s0, s3  }
0xa: {  	s1 =	ssub.s32 s12, s13;
	[dreg:$0x6] =	wrdreg s0;
	s26 =	sadd.s32 $0x1C00, s5  }
0xb: {  	s12 =	sor.u32 s10, s2;
	s13 =	sadd.s32 $0x1800, s5;
	[dreg:$0x7] =	wrdreg s26  }
0xc: {  	s31 =	sshll.u32 s12, $0x1;
	[dreg:$0x8] =	wrdreg s13;
	s26 =	smax.u32 s1, $0x1  }
0xd: {  	s15 =	sadd.s32 s14, s31;
	[dreg:$0x15] =	wrdreg s26  }
0xe: {  	s16 =	sadd.s32 s6, s31;
	[dreg:$0x9] =	wrdreg s15  }
0xf: {  	s28 =	simm.s32 $0x6;
	s17 =	sadd.s32 s7, s31;
	[dreg:$0xa] =	wrdreg s16  }
0x10: {  	s21 =	sshll.u32 s12, $0x6;
	s18 =	sadd.s32 s8, s31;
	[dreg:$0xb] =	wrdreg s17  }
0x11: {  	s29 =	simm.s32 $0x3;
	s24 =	sadd.s32 s9, s21;
	[dreg:$0xc] =	wrdreg s18  }
0x12: {  	s30 =	simm.s32 $0x1;
	s3 =	sadd.s32 s11, s21;
	[dreg:$0x11] =	wrdreg s24  }
0x13: {  	s0 =	sor.u32 $0x10, s31;
	s31 =	sadd.s32 $0x3FFFF8, s12;
	[dreg:$0x12] =	wrdreg s3  }
0x14: {  	s5 =	simm.s32 $0x1000;
	s19 =	sadd.s32 s14, s0;
	[dreg:$0x16] =	wrdreg s31  }
0x15: {  	v0 =	vmov s2;
	s2 =	simm.s32 $0x0;
	s20 =	sadd.s32 s6, s0;
	[dreg:$0xd] =	wrdreg s19  }
0x16: {  	s13 =	simm.s32 $0x2000;
	s22 =	sadd.s32 s7, s0;
	[dreg:$0xe] =	wrdreg s20  }
0x17: {  	s23 =	sor.u32 $0x3E00, s21;
	s0 =	sadd.s32 s8, s0;
	[dreg:$0xf] =	wrdreg s22  }
0x18: {  	s26 =	simm.s32 $0x5;
	s25 =	sadd.s32 s9, s23;
	[dreg:$0x10] =	wrdreg s0  }
0x19: {  	s14 =	simm.s32 $0x80;
	[dreg:$0x13] =	wrdreg s25;
	s0 =	sadd.s32 s11, s23  }
0x1a: {  	s3 =	simm.s32 $0x4;
	s23 =	sor.u32 $0x8, s10;
	[dreg:$0x14] =	wrdreg s0  }
0x1b: {  	v1 =	vlaneseq.u32;
	v2 =	vimm.s32 $0x0;
	s25 =	simm.s32 $0x2;
	s0 =	simm.s32 $0x9;
	[dreg:$0x17] =	wrdreg s23  }
.LBB2_1:
0x1c: {  	s1 =	rddreg [dreg:$0x6]  }
0x1d: {  	[tilespmem:s4], [sflag:$0x9] =	stream.linear.gather [hbm4b:s1+s4], $0x1000, $0x38;
	[tilespmem:$0x7330] =	vst v63  }
0x1e: {  	_ =	swait.ge [sflag:s0], $0x1000  }
0x1f: {  	[sflag:s0] =	ssyncset.done $0x0  }
0x20: {  	s24 =	rddreg [dreg:$0x7];
	[sflag:s0] =	ssyncadd.s32 $0xFFFFF000  }
0x21: {  	[tilespmem:s5], [sflag:$0x9] =	stream.linear.gather [hbm4b:s24+s4], $0x1000, $0x38;
	[tilespmem:$0x7330] =	vst v63  }
0x22: {  	_ =	swait.ge [sflag:s0], $0x1000  }
0x23: {  	[sflag:s0] =	ssyncset.done $0x0  }
0x24: {  	s31 =	rddreg [dreg:$0x8];
	[sflag:s0] =	ssyncadd.s32 $0xFFFFF000  }
0x25: {  	[tilespmem:s13], [sflag:$0x9] =	stream.linear.gather [hbm4b:s31+s4], $0x1000, $0x38;
	[tilespmem:$0x7330] =	vst v63  }
0x26: {  	_ =	swait.ge [sflag:s0], $0x1000  }
0x27: {  	[sflag:s0] =	ssyncset.done $0x0  }
0x28: {  	s15 =	simm.s32 $0x0;
	[sflag:s0] =	ssyncadd.s32 $0xFFFFF000  }
.LBB2_2:
0x29: {  	s1 =	sor.u32 s10, s15  }
0x2a: {  	v3 =	vmov s1;
	_ =	sdelay $0x3  }
0x2b: {  	s16 =	simm.s32 $0x0  }
0x2c: {  	s17 =	simm.s32 $0x1000;
	v4 =	vld.idx.msk [tilespmem:v3+s16+$0x0], $0xffff  }
0x2d: {  	s18 =	simm.s32 $0x2000;
	v5 =	vld.idx.msk [tilespmem:v3+s17+$0x0], $0xffff  }
0x2e: {  	s19 =	simm.s32 $0x0;
	s20 =	simm.s32 $0x0;
	s21 =	simm.s32 $0x0;
	v3 =	vld.idx.msk [tilespmem:v3+s18+$0x0], $0xffff  }
.LBB2_3:
0x2f: {  	v6 =	vld [tilespmem:s20+$0x0]  }
0x30: {  	v7 =	vld [tilespmem:s17+$0x0];
	_ =	sdelay $0x1  }
0x31: {  	v8 =	vld [tilespmem:s18+$0x0];
	_ =	sdelay $0x2  }
0x32: {  	v6 =	vsub.f32 v6, v4;
	v7 =	vsub.f32 v7, v5;
	_ =	sdelay $0x1  }
0x33: {  	v8 =	vsub.f32 v8, v3;
	v6 =	vmul.f32 v6, v6;
	v7 =	vmul.f32 v7, v7;
	_ =	sdelay $0x1  }
0x34: {  	v6 =	vadd.f32 v7, v6;
	v7 =	vmul.f32 v8, v8;
	_ =	sdelay $0x1  }
0x35: {  	v6 =	vadd.f32 v7, v6;
	_ =	sdelay $0x1  }
0x36: {  	vm0 =	vle.f32 v6, $6.250000000e+00  }
0x37: {  	v6 =	vsel vm0, $0x1, v2  }
0x38: {  	(xrf0) =	vadd.scan.msk.s32 $0xffff, v6;
	_ =	sdelay $0x5  }
0x39: {  	v6, _, _ =	vpop (xrf0)  }
0x3a: {  	(v2sf) =	vpush v6, $0xF;
	_ =	sdelay $0xe  }
0x3b: {  	v6 =	vor.u32 s19, v1;
	s1 =	spop (v2sf)  }
0x3c: {  	p0 =	sgt.u32 s21, $0xFE;
	[tilespmem:s16+$0x3000] =	vst.msk vm0, v6;
	s16 =	sadd.s32 s16, s1  }
0x3d: {  	p1 =	slt.s32 @!p0 s16, $0x10  }
0x3e: {  	p0 =	por p0, !p1  }
.Ltmp0:
0x3f: {  	_ = 	snop;
	(pc) =	sbr.rel @!p0 .LBB2_3-.Ltmp0, $3  }
0x40: {  	_ =	sdelay $0x1  }
0x41: {  	s21 =	sadd.s32 $0x1, s21;
	s20 =	sadd.s32 $0x10, s20  }
0x42: {  	s17 =	sadd.s32 $0x10, s17;
	s18 =	sadd.s32 $0x10, s18;
	s19 =	sadd.s32 $0x10, s19  }
0x43: {  	v6 =	vld [tilespmem:$0x3000];
	_ =	sdelay $0x2  }
0x44: {  	p0 =	slt.s32 s16, $0x10  }
0x45: {  	s16 =	simm.s32 @!p0 $0x10  }
0x46: {  	v7 =	vmov s16;
	v8 =	vbroadcast v6, $0x0  }
0x47: {  	vm0 =	vgt.s32 v7, v1  }
0x48: {  	v6 =	vsel vm0, v6, v8;
	_ =	sdelay $0x4  }
0x49: {  	v62 =	vld.idx.msk [tilespmem:v6+s4+$0x0], $0xffff  }
0x4a: {  	v8 =	vld.idx.msk [tilespmem:v6+s5+$0x0], $0xffff  }
0x4b: {  	v9 =	vld.idx.msk [tilespmem:v6+s13+$0x0], $0xffff;
	_ =	sdelay $0x2  }
0x4c: {  	s1 =	sshll.u32 s15, $0x4;
	s15 =	sadd.s32 $0x1, s15;
	v4 =	vsub.f32 v62, v4  }
0x4d: {  	p0 =	sne.s32 s15, $0x8;
	v5 =	vsub.f32 v8, v5  }
.Ltmp1:
0x4e: {  	[tilespmem:s1+$0x3030] =	vst v6;
	v3 =	vsub.f32 v9, v3;
	v4 =	vnsel vm0, $0x49742400, v4;
	(pc) =	sbr.rel @p0 .LBB2_2-.Ltmp1, $4  }
0x4f: {  	v63 =	vnsel vm0, $0x49742400, v5;
	[tilespmem:s1+$0x30B0] =	vst v4  }
0x50: {  	v3 =	vnsel vm0, $0x49742400, v3;
	[tilespmem:s1+$0x3130] =	vst v63  }
0x51: {  	[tilespmem:s1+$0x31B0] =	vst v3;
	v3 =	vadd.s32 v0, v6  }
0x52: {  	[tilespmem:s1+$0x3230] =	vst v3  }
0x53: {  	[dreg:$0x18] =	wrdreg s2  }
0x54: {  	s1 =	rddreg [dreg:$0x2];
	s31 =	simm.s32 $0x3230;
	s15 =	simm.s32 $0x3330  }
0x55: {  	[tilespmem:s15], [sflag:$0x1] =	stream.indirect.gather [hbm4b:s1+s14], $0x20, s31, s14, $0xb8;
	[tilespmem:$0x7330] =	vst v63  }
0x56: {  	s16 =	simm.s32 $0x4330;
	s15 =	rddreg [dreg:$0x3]  }
0x57: {  	[tilespmem:s16], [sflag:$0x2] =	stream.indirect.gather [hbm4b:s15+s14], $0x20, s31, s14, $0xb8;
	[tilespmem:$0x7330] =	vst v63  }
0x58: {  	s17 =	rddreg [dreg:$0x9];
	s18 =	simm.s32 $0x3030;
	s15 =	simm.s32 $0x0  }
0x59: {  	[hbm4b:s17+s15] =	stream.linear.scatter [tilespmem:s18], [sflag:$0x9], $0x80, $0x38;
	[tilespmem:$0x7330] =	vst v63  }
0x5a: {  	_ =	swait.ge [sflag:s0], $0x80  }
0x5b: {  	[sflag:s0] =	ssyncset.done $0x0  }
0x5c: {  	s20 =	simm.s32 $0x30B0;
	s19 =	rddreg [dreg:$0xa];
	[sflag:s0] =	ssyncadd.s32 $0xFFFFFF80  }
0x5d: {  	[hbm4b:s19+s15] =	stream.linear.scatter [tilespmem:s20], [sflag:$0x9], $0x80, $0x38;
	[tilespmem:$0x7330] =	vst v63  }
0x5e: {  	_ =	swait.ge [sflag:s0], $0x80  }
0x5f: {  	[sflag:s0] =	ssyncset.done $0x0  }
0x60: {  	s22 =	simm.s32 $0x3130;
	s21 =	rddreg [dreg:$0xb];
	[sflag:s0] =	ssyncadd.s32 $0xFFFFFF80  }
0x61: {  	[hbm4b:s21+s15] =	stream.linear.scatter [tilespmem:s22], [sflag:$0x9], $0x80, $0x38;
	[tilespmem:$0x7330] =	vst v63  }
0x62: {  	_ =	swait.ge [sflag:s0], $0x80  }
0x63: {  	[sflag:s0] =	ssyncset.done $0x0  }
0x64: {  	s31 =	simm.s32 $0x31B0;
	s24 =	rddreg [dreg:$0xc];
	[sflag:s0] =	ssyncadd.s32 $0xFFFFFF80  }
0x65: {  	[hbm4b:s24+s15] =	stream.linear.scatter [tilespmem:s31], [sflag:$0x9], $0x80, $0x38;
	[tilespmem:$0x7330] =	vst v63  }
0x66: {  	_ =	swait.ge [sflag:s0], $0x80  }
0x67: {  	[sflag:s0] =	ssyncset.done $0x0  }
0x68: {  	s16 =	simm.s32 $0x0;
	[sflag:s0] =	ssyncadd.s32 $0xFFFFFF80  }
.LBB2_6:
0x69: {  	s1 =	sor.u32 s23, s16  }
0x6a: {  	v5 =	vmov s1;
	_ =	sdelay $0x4  }
0x6b: {  	s17 =	simm.s32 $0x1000;
	v3 =	vld.idx.msk [tilespmem:v5+s15+$0x0], $0xffff  }
0x6c: {  	s19 =	simm.s32 $0x2000;
	s20 =	simm.s32 $0x0;
	v4 =	vld.idx.msk [tilespmem:v5+s17+$0x0], $0xffff  }
0x6d: {  	s21 =	simm.s32 $0x0;
	s18 =	simm.s32 $0x0;
	s22 =	simm.s32 $0x0;
	v5 =	vld.idx.msk [tilespmem:v5+s19+$0x0], $0xffff  }
.LBB2_7:
0x6e: {  	v6 =	vld [tilespmem:s21+$0x0]  }
0x6f: {  	v7 =	vld [tilespmem:s17+$0x0];
	_ =	sdelay $0x1  }
0x70: {  	v8 =	vld [tilespmem:s19+$0x0];
	_ =	sdelay $0x2  }
0x71: {  	v6 =	vsub.f32 v6, v3;
	v7 =	vsub.f32 v7, v4;
	_ =	sdelay $0x1  }
0x72: {  	v8 =	vsub.f32 v8, v5;
	v6 =	vmul.f32 v6, v6;
	v7 =	vmul.f32 v7, v7;
	_ =	sdelay $0x1  }
0x73: {  	v6 =	vadd.f32 v7, v6;
	v7 =	vmul.f32 v8, v8;
	_ =	sdelay $0x1  }
0x74: {  	v6 =	vadd.f32 v7, v6;
	_ =	sdelay $0x1  }
0x75: {  	vm0 =	vle.f32 v6, $6.250000000e+00  }
0x76: {  	v6 =	vsel vm0, $0x1, v2  }
0x77: {  	(xrf0) =	vadd.scan.msk.s32 $0xffff, v6;
	_ =	sdelay $0x5  }
0x78: {  	v6, _, _ =	vpop (xrf0)  }
0x79: {  	(v2sf) =	vpush v6, $0xF;
	_ =	sdelay $0xe  }
0x7a: {  	v6 =	vor.u32 s20, v1;
	s1 =	spop (v2sf)  }
0x7b: {  	p0 =	sgt.u32 s22, $0xFE;
	[tilespmem:s18+$0x3000] =	vst.msk vm0, v6;
	s18 =	sadd.s32 s18, s1  }
0x7c: {  	p1 =	slt.s32 @!p0 s18, $0x10  }
0x7d: {  	p0 =	por p0, !p1  }
.Ltmp2:
0x7e: {  	_ = 	snop;
	(pc) =	sbr.rel @!p0 .LBB2_7-.Ltmp2, $3  }
0x7f: {  	_ =	sdelay $0x1  }
0x80: {  	s22 =	sadd.s32 $0x1, s22;
	s21 =	sadd.s32 $0x10, s21  }
0x81: {  	s17 =	sadd.s32 $0x10, s17;
	s19 =	sadd.s32 $0x10, s19;
	s20 =	sadd.s32 $0x10, s20  }
0x82: {  	v6 =	vld [tilespmem:$0x3000];
	_ =	sdelay $0x2  }
0x83: {  	p0 =	slt.s32 s18, $0x10  }
0x84: {  	s18 =	simm.s32 @!p0 $0x10  }
0x85: {  	v7 =	vmov s18;
	v8 =	vbroadcast v6, $0x0  }
0x86: {  	vm0 =	vgt.s32 v7, v1  }
0x87: {  	v6 =	vsel vm0, v6, v8;
	_ =	sdelay $0x4  }
0x88: {  	v63 =	vld.idx.msk [tilespmem:v6+s4+$0x0], $0xffff  }
0x89: {  	v8 =	vld.idx.msk [tilespmem:v6+s5+$0x0], $0xffff  }
0x8a: {  	v9 =	vld.idx.msk [tilespmem:v6+s13+$0x0], $0xffff;
	_ =	sdelay $0x2  }
0x8b: {  	s1 =	sshll.u32 s16, $0x4;
	s16 =	sadd.s32 $0x1, s16;
	v3 =	vsub.f32 v63, v3  }
0x8c: {  	p0 =	sne.s32 s16, $0x8;
	v4 =	vsub.f32 v8, v4  }
.Ltmp3:
0x8d: {  	[tilespmem:s1+$0x3030] =	vst v6;
	v5 =	vsub.f32 v9, v5;
	v3 =	vnsel vm0, $0x49742400, v3;
	(pc) =	sbr.rel @p0 .LBB2_6-.Ltmp3, $4  }
0x8e: {  	[tilespmem:s1+$0x30B0] =	vst v3;
	v3 =	vnsel vm0, $0x49742400, v4  }
0x8f: {  	[tilespmem:s1+$0x3130] =	vst v3;
	v3 =	vnsel vm0, $0x49742400, v5  }
0x90: {  	[tilespmem:s1+$0x31B0] =	vst v3;
	v3 =	vadd.s32 v0, v6  }
0x91: {  	[tilespmem:s1+$0x32B0] =	vst v3  }
0x92: {  	s1 =	rddreg [dreg:$0x2];
	s2 =	simm.s32 $0x32B0;
	s15 =	simm.s32 $0x5330  }
0x93: {  	[tilespmem:s15], [sflag:$0x3] =	stream.indirect.gather [hbm4b:s1+s14], $0x20, s2, s14, $0xb8;
	[tilespmem:$0x7330] =	vst v63  }
0x94: {  	s21 =	rddreg [dreg:$0x3];
	s22 =	simm.s32 $0x6330  }
0x95: {  	[tilespmem:s22], [sflag:$0x4] =	stream.indirect.gather [hbm4b:s21+s14], $0x20, s2, s14, $0xb8;
	[tilespmem:$0x7330] =	vst v63  }
0x96: {  	s23 =	rddreg [dreg:$0xd];
	s24 =	simm.s32 $0x3030  }
0x97: {  	[hbm4b:s23+s4] =	stream.linear.scatter [tilespmem:s24], [sflag:$0x9], $0x80, $0x38;
	[tilespmem:$0x7330] =	vst v63  }
0x98: {  	_ =	swait.ge [sflag:s0], $0x80  }
0x99: {  	[sflag:s0] =	ssyncset.done $0x0  }
0x9a: {  	s16 =	simm.s32 $0x30B0;
	s15 =	rddreg [dreg:$0xe];
	[sflag:s0] =	ssyncadd.s32 $0xFFFFFF80  }
0x9b: {  	[hbm4b:s15+s4] =	stream.linear.scatter [tilespmem:s16], [sflag:$0x9], $0x80, $0x38;
	[tilespmem:$0x7330] =	vst v63  }
0x9c: {  	_ =	swait.ge [sflag:s0], $0x80  }
0x9d: {  	[sflag:s0] =	ssyncset.done $0x0  }
0x9e: {  	s18 =	simm.s32 $0x3130;
	s17 =	rddreg [dreg:$0xf];
	[sflag:s0] =	ssyncadd.s32 $0xFFFFFF80  }
0x9f: {  	[hbm4b:s17+s4] =	stream.linear.scatter [tilespmem:s18], [sflag:$0x9], $0x80, $0x38;
	[tilespmem:$0x7330] =	vst v63  }
0xa0: {  	_ =	swait.ge [sflag:s0], $0x80  }
0xa1: {  	[sflag:s0] =	ssyncset.done $0x0  }
0xa2: {  	s20 =	simm.s32 $0x31B0;
	s19 =	rddreg [dreg:$0x10];
	[sflag:s0] =	ssyncadd.s32 $0xFFFFFF80  }
0xa3: {  	[hbm4b:s19+s4] =	stream.linear.scatter [tilespmem:s20], [sflag:$0x9], $0x80, $0x38;
	[tilespmem:$0x7330] =	vst v63  }
0xa4: {  	_ =	swait.ge [sflag:s0], $0x80  }
0xa5: {  	[sflag:s0] =	ssyncset.done $0x0  }
0xa6: {  	s31 =	simm.s32 $0x1;
	[sflag:s0] =	ssyncadd.s32 $0xFFFFFF80  }
0xa7: {  	_ =	swait.ge [sflag:s31], $0x1000  }
0xa8: {  	[sflag:s31] =	ssyncset.done $0x0  }
0xa9: {  	[sflag:s31] =	ssyncadd.s32 $0xFFFFF000  }
0xaa: {  	_ =	swait.ge [sflag:s25], $0x1000  }
0xab: {  	[sflag:s25] =	ssyncset.done $0x0  }
0xac: {  	s22 =	simm.s32 $0x3330;
	s21 =	rddreg [dreg:$0x11];
	[sflag:s25] =	ssyncadd.s32 $0xFFFFF000  }
0xad: {  	[hbm4b:s21+s4] =	stream.linear.scatter [tilespmem:s22], [sflag:$0x5], $0x1000, $0x38;
	[tilespmem:$0x7330] =	vst v63  }
0xae: {  	s24 =	simm.s32 $0x4330;
	s23 =	rddreg [dreg:$0x12]  }
0xaf: {  	[hbm4b:s23+s4] =	stream.linear.scatter [tilespmem:s24], [sflag:$0x6], $0x1000, $0x38;
	[tilespmem:$0x7330] =	vst v63  }
.LBB2_10:
0xb0: {  	s16 =	sshll.u32 s31, $0x4  }
0xb1: {  	s17 =	simm.s32 $0x0;
	s18 =	simm.s32 $0x0;
	s15 =	sor.u32 s10, s16  }
.LBB2_11:
0xb2: {  	s1 =	sor.u32 s18, s15  }
0xb3: {  	v5 =	vmov s1;
	_ =	sdelay $0x4  }
0xb4: {  	s19 =	simm.s32 $0x1000;
	v3 =	vld.idx.msk [tilespmem:v5+s17+$0x0], $0xffff  }
0xb5: {  	s21 =	simm.s32 $0x2000;
	s22 =	simm.s32 $0x0;
	v4 =	vld.idx.msk [tilespmem:v5+s19+$0x0], $0xffff  }
0xb6: {  	s23 =	simm.s32 $0x0;
	s20 =	simm.s32 $0x0;
	s24 =	simm.s32 $0x0;
	v5 =	vld.idx.msk [tilespmem:v5+s21+$0x0], $0xffff  }
.LBB2_12:
0xb7: {  	v6 =	vld [tilespmem:s23+$0x0]  }
0xb8: {  	v7 =	vld [tilespmem:s19+$0x0];
	_ =	sdelay $0x1  }
0xb9: {  	v8 =	vld [tilespmem:s21+$0x0];
	_ =	sdelay $0x2  }
0xba: {  	v6 =	vsub.f32 v6, v3;
	v7 =	vsub.f32 v7, v4;
	_ =	sdelay $0x1  }
0xbb: {  	v8 =	vsub.f32 v8, v5;
	v6 =	vmul.f32 v6, v6;
	v7 =	vmul.f32 v7, v7;
	_ =	sdelay $0x1  }
0xbc: {  	v6 =	vadd.f32 v7, v6;
	v7 =	vmul.f32 v8, v8;
	_ =	sdelay $0x1  }
0xbd: {  	v6 =	vadd.f32 v7, v6;
	_ =	sdelay $0x1  }
0xbe: {  	vm0 =	vle.f32 v6, $6.250000000e+00  }
0xbf: {  	v6 =	vsel vm0, $0x1, v2  }
0xc0: {  	(xrf0) =	vadd.scan.msk.s32 $0xffff, v6;
	_ =	sdelay $0x5  }
0xc1: {  	v6, _, _ =	vpop (xrf0)  }
0xc2: {  	(v2sf) =	vpush v6, $0xF;
	_ =	sdelay $0xe  }
0xc3: {  	v6 =	vor.u32 s22, v1;
	s1 =	spop (v2sf)  }
0xc4: {  	p0 =	sgt.u32 s24, $0xFE;
	[tilespmem:s20+$0x3000] =	vst.msk vm0, v6;
	s20 =	sadd.s32 s20, s1  }
0xc5: {  	p1 =	slt.s32 @!p0 s20, $0x10  }
0xc6: {  	p0 =	por p0, !p1  }
.Ltmp4:
0xc7: {  	_ = 	snop;
	(pc) =	sbr.rel @!p0 .LBB2_12-.Ltmp4, $3  }
0xc8: {  	_ =	sdelay $0x1  }
0xc9: {  	s24 =	sadd.s32 $0x1, s24;
	s23 =	sadd.s32 $0x10, s23  }
0xca: {  	s19 =	sadd.s32 $0x10, s19;
	s21 =	sadd.s32 $0x10, s21;
	s22 =	sadd.s32 $0x10, s22  }
0xcb: {  	v6 =	vld [tilespmem:$0x3000];
	_ =	sdelay $0x2  }
0xcc: {  	p0 =	slt.s32 s20, $0x10  }
0xcd: {  	s20 =	simm.s32 @!p0 $0x10  }
0xce: {  	v7 =	vmov s20;
	v8 =	vbroadcast v6, $0x0  }
0xcf: {  	vm0 =	vgt.s32 v7, v1  }
0xd0: {  	v6 =	vsel vm0, v6, v8;
	_ =	sdelay $0x4  }
0xd1: {  	v63 =	vld.idx.msk [tilespmem:v6+s4+$0x0], $0xffff  }
0xd2: {  	v8 =	vld.idx.msk [tilespmem:v6+s5+$0x0], $0xffff  }
0xd3: {  	v9 =	vld.idx.msk [tilespmem:v6+s13+$0x0], $0xffff;
	_ =	sdelay $0x2  }
0xd4: {  	s1 =	sshll.u32 s18, $0x4;
	s18 =	sadd.s32 $0x1, s18;
	v3 =	vsub.f32 v63, v3  }
0xd5: {  	p0 =	sne.s32 s18, $0x8;
	v4 =	vsub.f32 v8, v4  }
.Ltmp5:
0xd6: {  	[tilespmem:s1+$0x3030] =	vst v6;
	v5 =	vsub.f32 v9, v5;
	v3 =	vnsel vm0, $0x49742400, v3;
	(pc) =	sbr.rel @p0 .LBB2_11-.Ltmp5, $4  }
0xd7: {  	[tilespmem:s1+$0x30B0] =	vst v3;
	v3 =	vnsel vm0, $0x49742400, v4  }
0xd8: {  	[tilespmem:s1+$0x3130] =	vst v3;
	v3 =	vnsel vm0, $0x49742400, v5  }
0xd9: {  	[tilespmem:s1+$0x31B0] =	vst v3;
	v3 =	vadd.s32 v0, v6  }
0xda: {  	[tilespmem:s1+$0x3230] =	vst v3  }
0xdb: {  	_ =	swait.ge [sflag:s26], $0x1000  }
0xdc: {  	[sflag:s26] =	ssyncset.done $0x0  }
0xdd: {  	[sflag:s26] =	ssyncadd.s32 $0xFFFFF000  }
0xde: {  	_ =	swait.ge [sflag:s28], $0x1000  }
0xdf: {  	[sflag:s28] =	ssyncset.done $0x0  }
0xe0: {  	[sflag:s28] =	ssyncadd.s32 $0xFFFFF000  }
0xe1: {  	s2 =	simm.s32 $0x3230;
	s15 =	simm.s32 $0x3330;
	s1 =	rddreg [dreg:$0x2]  }
0xe2: {  	[tilespmem:s15], [sflag:$0x1] =	stream.indirect.gather [hbm4b:s1+s14], $0x20, s2, s14, $0xb8;
	[tilespmem:$0x7330] =	vst v63  }
0xe3: {  	s18 =	rddreg [dreg:$0x3];
	s15 =	sor.u32 s12, s16  }
0xe4: {  	s19 =	simm.s32 $0x4330;
	s21 =	rddreg [dreg:$0x4];
	s20 =	sshll.u32 s15, $0x1  }
0xe5: {  	[tilespmem:s19], [sflag:$0x2] =	stream.indirect.gather [hbm4b:s18+s14], $0x20, s2, s14, $0xb8;
	[tilespmem:$0x7330] =	vst v63  }
0xe6: {  	s17 =	simm.s32 $0x0;
	s22 =	simm.s32 $0x3030;
	s18 =	sadd.s32 s21, s20  }
0xe7: {  	[hbm4b:s18+s17] =	stream.linear.scatter [tilespmem:s22], [sflag:$0x9], $0x80, $0x38;
	[tilespmem:$0x7330] =	vst v63  }
0xe8: {  	_ =	swait.ge [sflag:s0], $0x80  }
0xe9: {  	[sflag:s0] =	ssyncset.done $0x0  }
0xea: {  	s24 =	simm.s32 $0x30B0;
	s23 =	sadd.s32 s6, s20;
	[sflag:s0] =	ssyncadd.s32 $0xFFFFFF80  }
0xeb: {  	[hbm4b:s23+s17] =	stream.linear.scatter [tilespmem:s24], [sflag:$0x9], $0x80, $0x38;
	[tilespmem:$0x7330] =	vst v63  }
0xec: {  	_ =	swait.ge [sflag:s0], $0x80  }
0xed: {  	[sflag:s0] =	ssyncset.done $0x0  }
0xee: {  	s2 =	sadd.s32 s7, s20;
	s19 =	simm.s32 $0x3130;
	[sflag:s0] =	ssyncadd.s32 $0xFFFFFF80  }
0xef: {  	[hbm4b:s2+s17] =	stream.linear.scatter [tilespmem:s19], [sflag:$0x9], $0x80, $0x38;
	[tilespmem:$0x7330] =	vst v63  }
0xf0: {  	_ =	swait.ge [sflag:s0], $0x80  }
0xf1: {  	[sflag:s0] =	ssyncset.done $0x0  }
0xf2: {  	s1 =	sadd.s32 s8, s20;
	s20 =	simm.s32 $0x31B0;
	[sflag:s0] =	ssyncadd.s32 $0xFFFFFF80  }
0xf3: {  	[hbm4b:s1+s17] =	stream.linear.scatter [tilespmem:s20], [sflag:$0x9], $0x80, $0x38;
	[tilespmem:$0x7330] =	vst v63  }
0xf4: {  	_ =	swait.ge [sflag:s0], $0x80  }
0xf5: {  	[sflag:s0] =	ssyncset.done $0x0  }
0xf6: {  	[sflag:s0] =	ssyncadd.s32 $0xFFFFFF80  }
0xf7: {  	_ =	swait.ge [sflag:s29], $0x1000  }
0xf8: {  	[sflag:s29] =	ssyncset.done $0x0;
	s21 =	rddreg [dreg:$0x16]  }
0xf9: {  	[sflag:s29] =	ssyncadd.s32 $0xFFFFF000;
	s1 =	sadd.s32 s16, s21  }
0xfa: {  	s23 =	simm.s32 $0x5330;
	_ =	swait.ge [sflag:s3], $0x1000;
	s1 =	sshll.u32 s1, $0x6  }
0xfb: {  	s24 =	simm.s32 $0x6330;
	[sflag:s3] =	ssyncset.done $0x0;
	s1 =	sand.u32 $0xFFFFE00, s1  }
0xfc: {  	s16 =	sor.u32 $0x8, s16;
	[sflag:s3] =	ssyncadd.s32 $0xFFFFF000;
	s22 =	sadd.s32 s9, s1  }
0xfd: {  	[hbm4b:s22+s17] =	stream.linear.scatter [tilespmem:s23], [sflag:$0x7], $0x1000, $0x38;
	[tilespmem:$0x7330] =	vst v63  }
0xfe: {  	s19 =	simm.s32 $0x0;
	s18 =	sor.u32 s10, s16;
	s1 =	sadd.s32 s11, s1  }
0xff: {  	[hbm4b:s1+s17] =	stream.linear.scatter [tilespmem:s24], [sflag:$0x8], $0x1000, $0x38;
	[tilespmem:$0x7330] =	vst v63  }
.LBB2_15:
0x100: {  	s1 =	sor.u32 s19, s18  }
0x101: {  	v5 =	vmov s1;
	_ =	sdelay $0x4  }
0x102: {  	s20 =	simm.s32 $0x1000;
	v3 =	vld.idx.msk [tilespmem:v5+s17+$0x0], $0xffff  }
0x103: {  	s22 =	simm.s32 $0x2000;
	s23 =	simm.s32 $0x0;
	v4 =	vld.idx.msk [tilespmem:v5+s20+$0x0], $0xffff  }
0x104: {  	s24 =	simm.s32 $0x0;
	s21 =	simm.s32 $0x0;
	s1 =	simm.s32 $0x0;
	v5 =	vld.idx.msk [tilespmem:v5+s22+$0x0], $0xffff  }
.LBB2_16:
0x105: {  	v6 =	vld [tilespmem:s24+$0x0]  }
0x106: {  	v7 =	vld [tilespmem:s20+$0x0];
	_ =	sdelay $0x1  }
0x107: {  	v8 =	vld [tilespmem:s22+$0x0];
	_ =	sdelay $0x2  }
0x108: {  	v6 =	vsub.f32 v6, v3;
	v7 =	vsub.f32 v7, v4;
	_ =	sdelay $0x1  }
0x109: {  	v8 =	vsub.f32 v8, v5;
	v6 =	vmul.f32 v6, v6;
	v7 =	vmul.f32 v7, v7;
	_ =	sdelay $0x1  }
0x10a: {  	v6 =	vadd.f32 v7, v6;
	v7 =	vmul.f32 v8, v8;
	_ =	sdelay $0x1  }
0x10b: {  	v6 =	vadd.f32 v7, v6;
	_ =	sdelay $0x1  }
0x10c: {  	vm0 =	vle.f32 v6, $6.250000000e+00  }
0x10d: {  	v6 =	vsel vm0, $0x1, v2  }
0x10e: {  	(xrf0) =	vadd.scan.msk.s32 $0xffff, v6;
	_ =	sdelay $0x5  }
0x10f: {  	v6, _, _ =	vpop (xrf0)  }
0x110: {  	(v2sf) =	vpush v6, $0xF;
	_ =	sdelay $0xe  }
0x111: {  	v6 =	vor.u32 s23, v1;
	s2 =	spop (v2sf)  }
0x112: {  	p0 =	sgt.u32 s1, $0xFE;
	[tilespmem:s21+$0x3000] =	vst.msk vm0, v6;
	s21 =	sadd.s32 s21, s2  }
0x113: {  	p1 =	slt.s32 @!p0 s21, $0x10  }
0x114: {  	p0 =	por p0, !p1  }
.Ltmp6:
0x115: {  	_ = 	snop;
	(pc) =	sbr.rel @!p0 .LBB2_16-.Ltmp6, $3  }
0x116: {  	_ =	sdelay $0x1  }
0x117: {  	s1 =	sadd.s32 $0x1, s1;
	s24 =	sadd.s32 $0x10, s24  }
0x118: {  	s20 =	sadd.s32 $0x10, s20;
	s22 =	sadd.s32 $0x10, s22;
	s23 =	sadd.s32 $0x10, s23  }
0x119: {  	v6 =	vld [tilespmem:$0x3000];
	_ =	sdelay $0x2  }
0x11a: {  	p0 =	slt.s32 s21, $0x10  }
0x11b: {  	s21 =	simm.s32 @!p0 $0x10  }
0x11c: {  	v7 =	vmov s21;
	v8 =	vbroadcast v6, $0x0  }
0x11d: {  	vm0 =	vgt.s32 v7, v1  }
0x11e: {  	v6 =	vsel vm0, v6, v8;
	_ =	sdelay $0x4  }
0x11f: {  	v63 =	vld.idx.msk [tilespmem:v6+s4+$0x0], $0xffff  }
0x120: {  	v8 =	vld.idx.msk [tilespmem:v6+s5+$0x0], $0xffff  }
0x121: {  	v9 =	vld.idx.msk [tilespmem:v6+s13+$0x0], $0xffff;
	_ =	sdelay $0x2  }
0x122: {  	s1 =	sshll.u32 s19, $0x4;
	s19 =	sadd.s32 $0x1, s19;
	v3 =	vsub.f32 v63, v3  }
0x123: {  	p0 =	sne.s32 s19, $0x8;
	v4 =	vsub.f32 v8, v4  }
.Ltmp7:
0x124: {  	[tilespmem:s1+$0x3030] =	vst v6;
	v5 =	vsub.f32 v9, v5;
	v3 =	vnsel vm0, $0x49742400, v3;
	(pc) =	sbr.rel @p0 .LBB2_15-.Ltmp7, $4  }
0x125: {  	[tilespmem:s1+$0x30B0] =	vst v3;
	v3 =	vnsel vm0, $0x49742400, v4  }
0x126: {  	[tilespmem:s1+$0x3130] =	vst v3;
	v3 =	vnsel vm0, $0x49742400, v5  }
0x127: {  	[tilespmem:s1+$0x31B0] =	vst v3;
	v3 =	vadd.s32 v0, v6  }
0x128: {  	[tilespmem:s1+$0x32B0] =	vst v3  }
0x129: {  	s1 =	simm.s32 $0x7  }
0x12a: {  	_ =	swait.ge [sflag:s1], $0x1000  }
0x12b: {  	[sflag:s1] =	ssyncset.done $0x0  }
0x12c: {  	s19 =	simm.s32 $0x8;
	[sflag:s1] =	ssyncadd.s32 $0xFFFFF000  }
0x12d: {  	_ =	swait.ge [sflag:s19], $0x1000  }
0x12e: {  	[sflag:s19] =	ssyncset.done $0x0  }
0x12f: {  	[sflag:s19] =	ssyncadd.s32 $0xFFFFF000  }
0x130: {  	s2 =	simm.s32 $0x32B0;
	s1 =	rddreg [dreg:$0x2]  }
0x131: {  	s17 =	simm.s32 $0x5330;
	s22 =	sor.u32 s12, s16;
	s20 =	rddreg [dreg:$0x3]  }
0x132: {  	[tilespmem:s17], [sflag:$0x3] =	stream.indirect.gather [hbm4b:s1+s14], $0x20, s2, s14, $0xb8;
	[tilespmem:$0x7330] =	vst v63  }
0x133: {  	s21 =	simm.s32 $0x6330;
	s23 =	rddreg [dreg:$0x4];
	s1 =	sshll.u32 s22, $0x1  }
0x134: {  	[tilespmem:s21], [sflag:$0x4] =	stream.indirect.gather [hbm4b:s20+s14], $0x20, s2, s14, $0xb8;
	[tilespmem:$0x7330] =	vst v63  }
0x135: {  	s24 =	simm.s32 $0x3030;
	s2 =	sadd.s32 s23, s1  }
0x136: {  	[hbm4b:s2+s4] =	stream.linear.scatter [tilespmem:s24], [sflag:$0x9], $0x80, $0x38;
	[tilespmem:$0x7330] =	vst v63  }
0x137: {  	_ =	swait.ge [sflag:s0], $0x80  }
0x138: {  	[sflag:s0] =	ssyncset.done $0x0  }
0x139: {  	s17 =	simm.s32 $0x30B0;
	s16 =	sadd.s32 s6, s1;
	[sflag:s0] =	ssyncadd.s32 $0xFFFFFF80  }
0x13a: {  	[hbm4b:s16+s4] =	stream.linear.scatter [tilespmem:s17], [sflag:$0x9], $0x80, $0x38;
	[tilespmem:$0x7330] =	vst v63  }
0x13b: {  	_ =	swait.ge [sflag:s0], $0x80  }
0x13c: {  	[sflag:s0] =	ssyncset.done $0x0  }
0x13d: {  	s19 =	simm.s32 $0x3130;
	s18 =	sadd.s32 s7, s1;
	[sflag:s0] =	ssyncadd.s32 $0xFFFFFF80  }
0x13e: {  	[hbm4b:s18+s4] =	stream.linear.scatter [tilespmem:s19], [sflag:$0x9], $0x80, $0x38;
	[tilespmem:$0x7330] =	vst v63  }
0x13f: {  	_ =	swait.ge [sflag:s0], $0x80  }
0x140: {  	[sflag:s0] =	ssyncset.done $0x0  }
0x141: {  	s1 =	sadd.s32 s8, s1;
	s20 =	simm.s32 $0x31B0;
	[sflag:s0] =	ssyncadd.s32 $0xFFFFFF80  }
0x142: {  	[hbm4b:s1+s4] =	stream.linear.scatter [tilespmem:s20], [sflag:$0x9], $0x80, $0x38;
	[tilespmem:$0x7330] =	vst v63  }
0x143: {  	_ =	swait.ge [sflag:s0], $0x80  }
0x144: {  	[sflag:s0] =	ssyncset.done $0x0  }
0x145: {  	[sflag:s0] =	ssyncadd.s32 $0xFFFFFF80  }
0x146: {  	_ =	swait.ge [sflag:s30], $0x1000  }
0x147: {  	[sflag:s30] =	ssyncset.done $0x0  }
0x148: {  	s31 =	sadd.s32 $0x1, s31;
	[sflag:s30] =	ssyncadd.s32 $0xFFFFF000  }
0x149: {  	p0 =	sne.s32 s31, $0x10;
	_ =	swait.ge [sflag:s25], $0x1000  }
.Ltmp8:
0x14a: {  	s21 =	sshll.u32 s15, $0x6;
	[sflag:s25] =	ssyncset.done $0x0;
	(pc) =	sbr.rel @p0 .LBB2_10-.Ltmp8, $4  }
0x14b: {  	s23 =	simm.s32 $0x3330;
	s22 =	sadd.s32 s9, s21;
	[sflag:s25] =	ssyncadd.s32 $0xFFFFF000  }
0x14c: {  	[hbm4b:s22+s4] =	stream.linear.scatter [tilespmem:s23], [sflag:$0x5], $0x1000, $0x38;
	[tilespmem:$0x7330] =	vst v63  }
0x14d: {  	s24 =	simm.s32 $0x4330;
	s1 =	sadd.s32 s11, s21  }
0x14e: {  	[hbm4b:s1+s4] =	stream.linear.scatter [tilespmem:s24], [sflag:$0x6], $0x1000, $0x38;
	[tilespmem:$0x7330] =	vst v63  }
0x14f: {  	_ =	swait.ge [sflag:s29], $0x1000  }
0x150: {  	[sflag:s29] =	ssyncset.done $0x0  }
0x151: {  	[sflag:s29] =	ssyncadd.s32 $0xFFFFF000  }
0x152: {  	_ =	swait.ge [sflag:s3], $0x1000  }
0x153: {  	[sflag:s3] =	ssyncset.done $0x0  }
0x154: {  	s2 =	simm.s32 $0x5330;
	s1 =	rddreg [dreg:$0x13];
	[sflag:s3] =	ssyncadd.s32 $0xFFFFF000  }
0x155: {  	[hbm4b:s1+s4] =	stream.linear.scatter [tilespmem:s2], [sflag:$0x9], $0x1000, $0x38;
	[tilespmem:$0x7330] =	vst v63  }
0x156: {  	_ =	swait.ge [sflag:s0], $0x1000  }
0x157: {  	[sflag:s0] =	ssyncset.done $0x0  }
0x158: {  	s23 =	simm.s32 $0x6330;
	s22 =	rddreg [dreg:$0x14];
	[sflag:s0] =	ssyncadd.s32 $0xFFFFF000  }
0x159: {  	[hbm4b:s22+s4] =	stream.linear.scatter [tilespmem:s23], [sflag:$0x9], $0x1000, $0x38;
	[tilespmem:$0x7330] =	vst v63  }
0x15a: {  	_ =	swait.ge [sflag:s0], $0x1000  }
0x15b: {  	[sflag:s0] =	ssyncset.done $0x0  }
0x15c: {  	[sflag:s0] =	ssyncadd.s32 $0xFFFFF000  }
0x15d: {  	_ =	swait.ge [sflag:s26], $0x1000  }
0x15e: {  	[sflag:s26] =	ssyncset.done $0x0  }
0x15f: {  	[sflag:s26] =	ssyncadd.s32 $0xFFFFF000  }
0x160: {  	_ =	swait.ge [sflag:s28], $0x1000  }
0x161: {  	s24 =	rddreg [dreg:$0x18]  }
0x162: {  	s31 =	rddreg [dreg:$0x15];
	s2 =	sadd.s32 $0x1, s24  }
0x163: {  	p0 =	sne.s32 s2, s31  }
.Ltmp9:
0x164: {  	_ = 	snop;
	(pc) =	sbr.rel @p0 .LBB2_1-.Ltmp9, $3  }
0x165: {  	_ =	sdelay $0x1  }
0x166: {  	[sflag:s28] =	ssyncset.done $0x0  }
0x167: {  	s23 =	rddreg [dreg:$0x17];
	[sflag:s28] =	ssyncadd.s32 $0xFFFFF000  }
0x168: {  	_ =	sfence.sel $0x180000  }
0x169: {  	[bflag:$0x0] =	sbarrier.arrive $0xFFFF  }
0x16a: {  	_ =	strace $0x90000047  }
0x16b: {  	s0 =	stileid.u32;
	[bflag:$0x2] =	sbarrier.arrive $0xFFFF  }
0x16c: {  	p0 =	sne.s32 s0, $0x0;
	s0 =	rddreg [dreg:$0x5]  }
0x16d: {  	s0 =	sadd.s32 @!p0 $0x100000, s0  }
0x16e: {  	[sflag:s0] =	ssyncadd.tile.s32 @!p0 $0x1;
	_ =	shalt  }
.Lfunc_end2:
_tile_overlayer_lowered:
.L_overlay_start_2:
0x16f: {  	(tag) =	ssettag $0x2  }
0x170: {  	s0 =	rddreg [dreg:$0x0];
	s2 =	stileid.u32  }
0x171: {  	s1 =	rddreg [dreg:$0x1];
	p0 =	sne.s32 s2, $0x0  }
0x172: {  	s3 =	rddreg [dreg:$0x2];
	[bflag:$0x3] =	sbarrier.arrive $0xFFFF;
	s2 =	simm.s32 @!p0 $0x1C09  }
0x173: {  	[timem:s3], [sflag:s2] =	dma.local @!p0 [hbm:s0], s1  }
0x174: {  	s0 =	simm.s32 @!p0 $0x9  }
0x175: {  	_ =	swait.ge @!p0 [sflag:s0], s1  }
0x176: {  	s1 =	ssub.s32 @!p0 $0x0, s1;
	[sflag:s0] =	ssyncset.done @!p0 $0x0  }
0x177: {  	[sflag:s0] =	ssyncadd.s32 @!p0 s1  }
0x178: {  	[bflag:$0x3] =	sbarrier.arrive $0xFFFF  }
0x179: {  	_ =	shalt  }

</sc_bundles>
